<compile_context>
chip_gen: v7x
topology: tpu7x:2x2x1
jax: 0.10.2.dev20260603
libtpu: 0.0.44.dev20260713+nightly
codegen_flags: <defaults>
</compile_context>

<pallas_src>
import jax
import jax.numpy as jnp
from jax import lax
from jax.experimental import pallas as pl
from jax.experimental.pallas import tpu as pltpu
from jax.experimental.pallas import tpu_sc as plsc

N, L, D = 8, 4096, 384
LEN_KEEP = 1024
LEN_MASK = L - LEN_KEEP
NC, NS, LANES = 2, 16, 16
NV = L // LANES
ROWS_PER_SC = N // NC
TPR = NS // ROWS_PER_SC
SEG = L // TPR
KSEG = LEN_KEEP // TPR
CHUNK = 64
XC = KSEG // CHUNK
PRGW = 8
KEEPBLK = 6 * N * LEN_KEEP


def _sort_body(noise_hbm, restore_hbm, mask_hbm, shufg_hbm,
               noise_v, ka, kb, pa, pb, hist, off, restore_v, shufg_v,
               mask_v):
    c = lax.axis_index("c")
    s = lax.axis_index("s")
    lane = lax.iota(jnp.int32, 16)
    zeros16 = jnp.zeros((LANES,), jnp.int32)
    ones16 = jnp.ones((LANES,), jnp.int32)

    @pl.when(s < ROWS_PER_SC)
    def _sort():
        row = c * ROWS_PER_SC + s
        pltpu.sync_copy(noise_hbm.at[row], noise_v)

        def p0(v, carry):
            f = noise_v[pl.ds(v * LANES, LANES)]
            k = lax.bitcast_convert_type(f, jnp.int32)
            e = v * LANES + lane
            slot = ((e & (NV - 1)) << 4) | (e >> 8)
            plsc.store_scatter(ka, [slot], k)
            plsc.store_scatter(pa, [slot], e)
            return carry
        lax.fori_loop(0, NV, p0, 0)

        bufs = [(ka, pa), (kb, pb)]
        for p in range(4):
            shift = 8 * p
            src_k, src_p = bufs[p % 2]
            dst_k, dst_p = bufs[(p + 1) % 2]
            last = p == 3
            ndig = 64 if last else 256

            def pz(h, carry):
                hist[pl.ds(h * LANES, LANES)] = zeros16
                return carry
            lax.fori_loop(0, ndig, pz, 0)

            def ph(v, carry):
                for u in range(2):
                    k = src_k[pl.ds((2 * v + u) * LANES, LANES)]
                    d = (k >> shift) & 0xFF
                    plsc.addupdate_scatter(hist, [(d << 4) | lane], ones16)
                return carry
            lax.fori_loop(0, NV // 2, ph, 0)

            def ps(h, carry):
                hv = hist[pl.ds(h * LANES, LANES)]
                inc = plsc.cumsum(hv)
                off[pl.ds(h * LANES, LANES)] = inc - hv + carry
                return carry + jnp.sum(hv)
            lax.fori_loop(0, ndig, ps, jnp.int32(0))

            def pc(v, carry):
                for u in range(2):
                    k = src_k[pl.ds((2 * v + u) * LANES, LANES)]
                    pay = src_p[pl.ds((2 * v + u) * LANES, LANES)]
                    d = (k >> shift) & 0xFF
                    hidx = (d << 4) | lane
                    pos = plsc.load_gather(off, [hidx])
                    plsc.store_scatter(off, [hidx], pos + 1)
                    if not last:
                        slot = ((pos & (NV - 1)) << 4) | (pos >> 8)
                        plsc.store_scatter(dst_k, [slot], k)
                        plsc.store_scatter(dst_p, [slot], pay)
                    else:
                        plsc.store_scatter(restore_v, [pay], pos)
                        plsc.store_scatter(shufg_v, [pos], pay + row * L)
                return carry
            lax.fori_loop(0, NV // 2, pc, 0)

        def pm(v, carry):
            r = restore_v[pl.ds(v * LANES, LANES)]
            mask_v[pl.ds(v * LANES, LANES)] = jnp.where(
                r >= LEN_KEEP, jnp.float32(1.0), jnp.float32(0.0))
            return carry
        lax.fori_loop(0, NV, pm, 0)

        pltpu.sync_copy(restore_v, restore_hbm.at[row])
        pltpu.sync_copy(mask_v, mask_hbm.at[row])
        pltpu.sync_copy(shufg_v, shufg_hbm.at[row])


def _gather_body(x2d_hbm, prg_hbm, shufg_hbm,
                 xg_hbm, planes_hbm,
                 idxx_v, bufx0, bufx1, idxp_v, prgrow_v,
                 b0, b1, b2, b3, b4, b5, sem0, sem1):
    c = lax.axis_index("c")
    s = lax.axis_index("s")

    prow = c * ROWS_PER_SC + s // TPR
    seg = s % TPR

    for j in range(XC):
        pltpu.sync_copy(shufg_hbm.at[prow, pl.ds(seg * KSEG + j * CHUNK,
                                                 CHUNK)],
                        idxx_v.at[j])
    pltpu.sync_copy(shufg_hbm.at[prow, pl.ds(seg * SEG, SEG)], idxp_v)

    xbufs = [bufx0, bufx1]
    xsems = [sem0, sem1]
    descs = [None, None]
    descs[0] = pltpu.async_copy(x2d_hbm.at[idxx_v.at[0]], bufx0, sem0)

    pltpu.sync_copy(prg_hbm.at[prow], prgrow_v)
    planes = [b0, b1, b2, b3, b4, b5]

    def pg(i, carry):
        ids8 = (idxp_v[pl.ds(i * LANES, LANES)] & (L - 1)) * PRGW
        for col in range(6):
            planes[col][pl.ds(i * LANES, LANES)] = plsc.load_gather(
                prgrow_v, [ids8 + col])
        return carry
    lax.fori_loop(0, SEG // LANES, pg, 0)

    for j in range(XC):
        cur = j % 2
        if j + 1 < XC:
            nxt = (j + 1) % 2
            descs[nxt] = pltpu.async_copy(
                x2d_hbm.at[idxx_v.at[j + 1]], xbufs[nxt], xsems[nxt])
        descs[cur].wait()
        outbase = c * (ROWS_PER_SC * LEN_KEEP) + s * KSEG + j * CHUNK
        pltpu.sync_copy(xbufs[cur], xg_hbm.at[pl.ds(outbase, CHUNK)])

    @pl.when(seg == 0)
    def _keep_out():
        for col in range(6):
            base = col * (N * LEN_KEEP) + prow * LEN_KEEP
            pltpu.sync_copy(planes[col], planes_hbm.at[pl.ds(base, SEG)])

    @pl.when(seg != 0)
    def _mask_out():
        for col in range(6):
            base = (KEEPBLK + col * (N * LEN_MASK)
                    + prow * LEN_MASK + (seg - 1) * SEG)
            pltpu.sync_copy(planes[col], planes_hbm.at[pl.ds(base, SEG)])


@jax.jit
def _masker(noise, x2d, prg):
    i32 = jnp.int32
    f32 = jnp.float32
    mesh = plsc.VectorSubcoreMesh(
        core_axis_name="c", subcore_axis_name="s",
        num_cores=NC, num_subcores=NS)
    params = pltpu.CompilerParams(needs_layout_passes=False)

    sortk = pl.kernel(
        _sort_body,
        out_type=[
            jax.ShapeDtypeStruct((N, L), i32),
            jax.ShapeDtypeStruct((N, L), f32),
            jax.ShapeDtypeStruct((N, L), i32),
        ],
        mesh=mesh,
        compiler_params=params,
        scratch_types=[
            pltpu.VMEM((L,), f32),
            pltpu.VMEM((L,), i32),
            pltpu.VMEM((L,), i32),
            pltpu.VMEM((L,), i32),
            pltpu.VMEM((L,), i32),
            pltpu.VMEM((L,), i32),
            pltpu.VMEM((L,), i32),
            pltpu.VMEM((L,), i32),
            pltpu.VMEM((L,), i32),
            pltpu.VMEM((L,), f32),
        ],
    )
    ids_restore, mask, shufg = sortk(noise)

    gatherk = pl.kernel(
        _gather_body,
        out_type=[
            jax.ShapeDtypeStruct((N * LEN_KEEP, D), f32),
            jax.ShapeDtypeStruct((6 * N * L,), f32),
        ],
        mesh=mesh,
        compiler_params=params,
        scratch_types=[
            pltpu.VMEM((XC, CHUNK), i32),
            pltpu.VMEM((CHUNK, D), f32),
            pltpu.VMEM((CHUNK, D), f32),
            pltpu.VMEM((SEG,), i32),
            pltpu.VMEM((L * PRGW,), f32),
            pltpu.VMEM((SEG,), f32),
            pltpu.VMEM((SEG,), f32),
            pltpu.VMEM((SEG,), f32),
            pltpu.VMEM((SEG,), f32),
            pltpu.VMEM((SEG,), f32),
            pltpu.VMEM((SEG,), f32),
            pltpu.SemaphoreType.DMA,
            pltpu.SemaphoreType.DMA,
        ],
    )
    xg, planes = gatherk(x2d, prg, shufg)
    return xg, planes, ids_restore, mask


def kernel(x, points_xyz, rgb, noise):
    x2d = x.reshape(N * L, D)
    prg = jnp.concatenate(
        [points_xyz, rgb, jnp.zeros((N, L, PRGW - 6), jnp.float32)],
        axis=-1).reshape(N, L * PRGW)
    xg, planes, ids_restore, mask = _masker(noise, x2d, prg)
    nk = N * LEN_KEEP
    kp = planes[:6 * nk].reshape(6, N, LEN_KEEP)
    mp = planes[6 * nk:].reshape(6, N, LEN_MASK)
    pk = jnp.stack([kp[0], kp[1], kp[2]], axis=-1)
    rk = jnp.stack([kp[3], kp[4], kp[5]], axis=-1)
    pm = jnp.stack([mp[0], mp[1], mp[2]], axis=-1)
    rm = jnp.stack([mp[3], mp[4], mp[5]], axis=-1)
    return (xg.reshape(N, LEN_KEEP, D), mask, ids_restore, pk, pm, rk, rm)

# --- scband reference (transcript-rebuilt; emitter-appended) ---
"""Pipeline reference for scband-masker-35682588295617 (READ-ONLY COPY).

The authoritative reference and input builder live on the scoring server;
editing this copy changes nothing except your own understanding.
"""

import jax, jax.numpy as jnp
import numpy as np

MASK_RATIO = 0.75


def setup_inputs(seed: int = 0) -> dict:
    key = jax.random.key(seed)
    k1, k2, k3, k4 = jax.random.split(key, 4)
    N, L, D = 8, 4096, 384
    x = jax.random.normal(k1, (N, L, D), dtype=jnp.float32)
    points_xyz = jax.random.normal(k2, (N, L, 3), dtype=jnp.float32)
    rgb = jax.random.uniform(k3, (N, L, 3), dtype=jnp.float32)
    noise = jax.random.uniform(k4, (N, L), dtype=jnp.float32)
    return {"x": x, "points_xyz": points_xyz, "rgb": rgb, "noise": noise}


def reference(x, points_xyz, rgb, noise):
    # Masker.mask with mode='random', mask_ratio=0.75.
    # torch.rand noise is materialized deterministically in setup_inputs as `noise`.
    N, L, D = x.shape
    len_keep = int(L * (1.0 - MASK_RATIO))

    # random_mask: per-sample shuffling via argsort of noise
    ids_shuffle = jnp.argsort(noise, axis=1)            # [N, L]
    ids_restore = jnp.argsort(ids_shuffle, axis=1)      # [N, L]
    ids_keep = ids_shuffle[:, :len_keep]                # [N, len_keep]
    ids_mask = ids_shuffle[:, len_keep:]                # [N, L-len_keep]

    def gather_dim1(t, ids):
        # torch.gather(t, dim=1, index=ids.unsqueeze(-1).repeat(1,1,t.shape[-1]))
        idx = jnp.broadcast_to(ids[:, :, None], (ids.shape[0], ids.shape[1], t.shape[-1]))
        return jnp.take_along_axis(t, idx, axis=1)

    points_xyz_keep = gather_dim1(points_xyz, ids_keep)      # batch['points_xyz']
    rgb_keep = gather_dim1(rgb, ids_keep)
    points_xyz_masked = gather_dim1(points_xyz, ids_mask)    # batch['points_xyz_masked']
    rgb_masked = gather_dim1(rgb, ids_mask)

    # binary mask, 0 = keep, 1 = masked; unshuffled via ids_restore
    mask = jnp.ones((N, L), dtype=x.dtype)
    mask = mask.at[:, :len_keep].set(0.0)
    mask = jnp.take_along_axis(mask, ids_restore, axis=1)

    x_masked = gather_dim1(x, ids_keep)                      # [N, len_keep, D]

    return (x_masked, mask, ids_restore, points_xyz_keep, points_xyz_masked, rgb_keep, rgb_masked)

if __name__ == "__main__":
    import jax
    _d = setup_inputs()
    print(jax.jit(kernel)(*tuple(_d.values())))

</pallas_src>

<mosaic_0001>
#map = affine_map<(d0, d1) -> (0, 0)>
module attributes {stable_mosaic.version = 14 : i64} {
  func.func @_sort_body(%arg0: i32, %arg1: i32, %arg2: memref<8x4096xf32, #tpu.memory_space<hbm>>, %arg3: memref<8x4096xi32, #tpu.memory_space<hbm>>, %arg4: memref<8x4096xf32, #tpu.memory_space<hbm>>, %arg5: memref<8x4096xi32, #tpu.memory_space<hbm>>, %arg6: memref<4096xf32, #tpu.memory_space<vmem>>, %arg7: memref<4096xi32, #tpu.memory_space<vmem>>, %arg8: memref<4096xi32, #tpu.memory_space<vmem>>, %arg9: memref<4096xi32, #tpu.memory_space<vmem>>, %arg10: memref<4096xi32, #tpu.memory_space<vmem>>, %arg11: memref<4096xi32, #tpu.memory_space<vmem>>, %arg12: memref<4096xi32, #tpu.memory_space<vmem>>, %arg13: memref<4096xi32, #tpu.memory_space<vmem>>, %arg14: memref<4096xi32, #tpu.memory_space<vmem>>, %arg15: memref<4096xf32, #tpu.memory_space<vmem>>) attributes {dimension_semantics = [#tpu.dimension_semantics<core_parallel>, #tpu.dimension_semantics<subcore_parallel>], iteration_bounds = array<i64: 2, 16>, scalar_prefetch = 0 : i64, scratch_operands = 10 : i64, tpu.core_type = #tpu.core_type<sc_vector_subcore>, window_params = [{transform_indices = #map}, {transform_indices = #map}, {transform_indices = #map}, {transform_indices = #map}]} {
    %iota3A = tpu.iota {dimensions = array<i32: 0>} : vector<16xi32>
    %broadcast_in_dim3A = arith.constant 0 : i32
    %broadcast_in_dim3A_0 = vector.broadcast %broadcast_in_dim3A : i32 to vector<16xi32>
    %broadcast_in_dim3A_1 = arith.constant 1 : i32
    %broadcast_in_dim3A_2 = vector.broadcast %broadcast_in_dim3A_1 : i32 to vector<16xi32>
    %lt3A = arith.constant 4 : i32
    %lt3A_3 = arith.cmpi slt, %arg1, %lt3A : i32
    %convert_element_type3A = arith.extui %lt3A_3 : i1 to i32
    %cond3A = arith.constant 0 : i32
    %cond3A_4 = arith.cmpi ne, %convert_element_type3A, %cond3A : i32
    scf.if %cond3A_4 {
      %mul3A = arith.constant 4 : i32
      %mul3A_5 = arith.muli %arg0, %mul3A : i32
      %add3A = arith.addi %mul3A_5, %arg1 : i32
      "tpu.region"() ({
        %run_scoped3A = tpu.sem_alloc : memref<!tpu.dma_semaphore, #tpu.memory_space<semaphore_mem>>
        %dma_start3A = arith.constant 0 : i32
        %dma_start3A_117 = tpu.memref_slice %arg2[%add3A, %dma_start3A] : memref<8x4096xf32, #tpu.memory_space<hbm>> -> memref<1x4096xf32, #tpu.memory_space<hbm>>
        %dma_start3A_118 = tpu.memref_squeeze %dma_start3A_117 : memref<1x4096xf32, #tpu.memory_space<hbm>> -> memref<4096xf32, #tpu.memory_space<hbm>>
        %dma_start3A_119 = arith.constant 0 : i32
        %dma_start3A_120 = tpu.memref_slice %arg2[%add3A, %dma_start3A_119] : memref<8x4096xf32, #tpu.memory_space<hbm>> -> memref<1x4096xf32, #tpu.memory_space<hbm>>
        %dma_start3A_121 = tpu.memref_squeeze %dma_start3A_120 : memref<1x4096xf32, #tpu.memory_space<hbm>> -> memref<4096xf32, #tpu.memory_space<hbm>>
        tpu.enqueue_dma source(%dma_start3A_121 : memref<4096xf32, #tpu.memory_space<hbm>>) target(%arg6 : memref<4096xf32, #tpu.memory_space<vmem>>) target_semaphore(%run_scoped3A : memref<!tpu.dma_semaphore, #tpu.memory_space<semaphore_mem>>)
        %dma_wait3A = arith.constant 0 : i32
        %dma_wait3A_122 = tpu.memref_slice %arg2[%add3A, %dma_wait3A] : memref<8x4096xf32, #tpu.memory_space<hbm>> -> memref<1x4096xf32, #tpu.memory_space<hbm>>
        %dma_wait3A_123 = tpu.memref_squeeze %dma_wait3A_122 : memref<1x4096xf32, #tpu.memory_space<hbm>> -> memref<4096xf32, #tpu.memory_space<hbm>>
        %dma_wait3A_124 = arith.constant 0 : i32
        %dma_wait3A_125 = tpu.memref_slice %arg2[%add3A, %dma_wait3A_124] : memref<8x4096xf32, #tpu.memory_space<hbm>> -> memref<1x4096xf32, #tpu.memory_space<hbm>>
        %dma_wait3A_126 = tpu.memref_squeeze %dma_wait3A_125 : memref<1x4096xf32, #tpu.memory_space<hbm>> -> memref<4096xf32, #tpu.memory_space<hbm>>
        tpu.wait_dma2 semaphore(%run_scoped3A : memref<!tpu.dma_semaphore, #tpu.memory_space<semaphore_mem>>) src(%dma_wait3A_126 : memref<4096xf32, #tpu.memory_space<hbm>>) dst(%arg6 : memref<4096xf32, #tpu.memory_space<vmem>>)
        tpu.yield
      }) : () -> ()
      %scan3A = arith.constant 0 : i32
      %scan3A_6 = arith.constant 0 : i32
      %scan3A_7 = arith.constant 256 : i32
      %scan3A_8 = arith.addi %scan3A_6, %scan3A_7 : i32
      %scan3A_9 = arith.constant 1 : i32
      scf.for %scan3A_117 = %scan3A_6 to %scan3A_8 step %scan3A_9  : i32 {
        %mul3A_118 = arith.constant 16 : i32
        %mul3A_119 = arith.muli %scan3A_117, %mul3A_118 : i32
        %get3A = arith.index_cast %mul3A_119 : i32 to index
        %get3A_120 = tpu.vector_load %arg6[%get3A] {strides = array<i32>} : memref<4096xf32, #tpu.memory_space<vmem>>, vector<16xf32>,
        %bitcast_convert_type3A = tpu.bitcast %get3A_120 : vector<16xf32> -> vector<16xi32>
        %mul3A_121 = arith.constant 16 : i32
        %mul3A_122 = arith.muli %scan3A_117, %mul3A_121 : i32
        %add3A_123 = vector.broadcast %mul3A_122 : i32 to vector<16xi32>
        %add3A_124 = arith.addi %add3A_123, %iota3A : vector<16xi32>
        %and3A = arith.constant 255 : i32
        %and3A_125 = vector.broadcast %and3A : i32 to vector<16xi32>
        %and3A_126 = arith.andi %add3A_124, %and3A_125 : vector<16xi32>
        %shift_left3A = arith.constant 4 : i32
        %shift_left3A_127 = vector.broadcast %shift_left3A : i32 to vector<16xi32>
        %shift_left3A_128 = arith.shli %and3A_126, %shift_left3A_127 : vector<16xi32>
        %shift_right_arithmetic3A = arith.constant 8 : i32
        %shift_right_arithmetic3A_129 = vector.broadcast %shift_right_arithmetic3A : i32 to vector<16xi32>
        %shift_right_arithmetic3A_130 = arith.shrsi %add3A_124, %shift_right_arithmetic3A_129 : vector<16xi32>
        %or3A = arith.ori %shift_left3A_128, %shift_right_arithmetic3A_130 : vector<16xi32>
        tpu.vector_store_idx %arg7[%or3A], %bitcast_convert_type3A : memref<4096xi32, #tpu.memory_space<vmem>>[vector<16xi32>], vector<16xi32>,
        tpu.vector_store_idx %arg9[%or3A], %add3A_124 : memref<4096xi32, #tpu.memory_space<vmem>>[vector<16xi32>], vector<16xi32>,
      }
      %scan3A_10 = arith.constant 256 : i32
      %scan3A_11 = arith.constant 0 : i32
      %scan3A_12 = arith.constant 0 : i32
      %scan3A_13 = arith.constant 256 : i32
      %scan3A_14 = arith.addi %scan3A_12, %scan3A_13 : i32
      %scan3A_15 = arith.constant 1 : i32
      scf.for %scan3A_117 = %scan3A_12 to %scan3A_14 step %scan3A_15  : i32 {
        %mul3A_118 = arith.constant 16 : i32
        %mul3A_119 = arith.muli %scan3A_117, %mul3A_118 : i32
        %swap3A = arith.index_cast %mul3A_119 : i32 to index
        %swap3A_120 = tpu.vector_load %arg11[%swap3A] {strides = array<i32>} : memref<4096xi32, #tpu.memory_space<vmem>>, vector<16xi32>,
        tpu.vector_store %arg11[%swap3A], %broadcast_in_dim3A_0 {strides = array<i32>} : memref<4096xi32, #tpu.memory_space<vmem>>, vector<16xi32>,
      }
      %scan3A_16 = arith.constant 256 : i32
      %scan3A_17 = arith.constant 0 : i32
      %scan3A_18 = arith.constant 0 : i32
      %scan3A_19 = arith.constant 128 : i32
      %scan3A_20 = arith.addi %scan3A_18, %scan3A_19 : i32
      %scan3A_21 = arith.constant 1 : i32
      scf.for %scan3A_117 = %scan3A_18 to %scan3A_20 step %scan3A_21  : i32 {
        %mul3A_118 = arith.constant 2 : i32
        %mul3A_119 = arith.muli %mul3A_118, %scan3A_117 : i32
        %add3A_120 = arith.constant 0 : i32
        %add3A_121 = arith.addi %mul3A_119, %add3A_120 : i32
        %mul3A_122 = arith.constant 16 : i32
        %mul3A_123 = arith.muli %add3A_121, %mul3A_122 : i32
        %get3A = arith.index_cast %mul3A_123 : i32 to index
        %get3A_124 = tpu.vector_load %arg7[%get3A] {strides = array<i32>} : memref<4096xi32, #tpu.memory_space<vmem>>, vector<16xi32>,
        %shift_right_arithmetic3A = arith.constant 0 : i32
        %shift_right_arithmetic3A_125 = vector.broadcast %shift_right_arithmetic3A : i32 to vector<16xi32>
        %shift_right_arithmetic3A_126 = arith.shrsi %get3A_124, %shift_right_arithmetic3A_125 : vector<16xi32>
        %and3A = arith.constant 255 : i32
        %and3A_127 = vector.broadcast %and3A : i32 to vector<16xi32>
        %and3A_128 = arith.andi %shift_right_arithmetic3A_126, %and3A_127 : vector<16xi32>
        %shift_left3A = arith.constant 4 : i32
        %shift_left3A_129 = vector.broadcast %shift_left3A : i32 to vector<16xi32>
        %shift_left3A_130 = arith.shli %and3A_128, %shift_left3A_129 : vector<16xi32>
        %or3A = arith.ori %shift_left3A_130, %iota3A : vector<16xi32>
        tpu.vector_store_idx %arg11[%or3A], %broadcast_in_dim3A_2 {add = true} : memref<4096xi32, #tpu.memory_space<vmem>>[vector<16xi32>], vector<16xi32>,
        %mul3A_131 = arith.constant 2 : i32
        %mul3A_132 = arith.muli %mul3A_131, %scan3A_117 : i32
        %add3A_133 = arith.constant 1 : i32
        %add3A_134 = arith.addi %mul3A_132, %add3A_133 : i32
        %mul3A_135 = arith.constant 16 : i32
        %mul3A_136 = arith.muli %add3A_134, %mul3A_135 : i32
        %get3A_137 = arith.index_cast %mul3A_136 : i32 to index
        %get3A_138 = tpu.vector_load %arg7[%get3A_137] {strides = array<i32>} : memref<4096xi32, #tpu.memory_space<vmem>>, vector<16xi32>,
        %shift_right_arithmetic3A_139 = arith.constant 0 : i32
        %shift_right_arithmetic3A_140 = vector.broadcast %shift_right_arithmetic3A_139 : i32 to vector<16xi32>
        %shift_right_arithmetic3A_141 = arith.shrsi %get3A_138, %shift_right_arithmetic3A_140 : vector<16xi32>
        %and3A_142 = arith.constant 255 : i32
        %and3A_143 = vector.broadcast %and3A_142 : i32 to vector<16xi32>
        %and3A_144 = arith.andi %shift_right_arithmetic3A_141, %and3A_143 : vector<16xi32>
        %shift_left3A_145 = arith.constant 4 : i32
        %shift_left3A_146 = vector.broadcast %shift_left3A_145 : i32 to vector<16xi32>
        %shift_left3A_147 = arith.shli %and3A_144, %shift_left3A_146 : vector<16xi32>
        %or3A_148 = arith.ori %shift_left3A_147, %iota3A : vector<16xi32>
        tpu.vector_store_idx %arg11[%or3A_148], %broadcast_in_dim3A_2 {add = true} : memref<4096xi32, #tpu.memory_space<vmem>>[vector<16xi32>], vector<16xi32>,
      }
      %scan3A_22 = arith.constant 128 : i32
      %scan3A_23 = arith.constant 0 : i32
      %scan3A_24 = arith.constant 0 : i32
      %scan3A_25 = arith.constant 256 : i32
      %scan3A_26 = arith.addi %scan3A_24, %scan3A_25 : i32
      %scan3A_27 = arith.constant 1 : i32
      %scan3A_28 = scf.for %scan3A_117 = %scan3A_24 to %scan3A_26 step %scan3A_27 iter_args(%scan3A_118 = %scan3A_23) -> (i32)  : i32 {
        %mul3A_119 = arith.constant 16 : i32
        %mul3A_120 = arith.muli %scan3A_117, %mul3A_119 : i32
        %get3A = arith.index_cast %mul3A_120 : i32 to index
        %get3A_121 = tpu.vector_load %arg11[%get3A] {strides = array<i32>} : memref<4096xi32, #tpu.memory_space<vmem>>, vector<16xi32>,
        %broadcast_in_dim3A_122 = arith.constant true
        %broadcast_in_dim3A_123 = vector.broadcast %broadcast_in_dim3A_122 : i1 to vector<16xi1>
        %masked_cumsum3A = tpu.scan <sum>, %get3A_121 masked %broadcast_in_dim3A_123 : vector<16xi32>, vector<16xi1> -> vector<16xi32>
        %sub3A = arith.subi %masked_cumsum3A, %get3A_121 : vector<16xi32>
        %add3A_124 = vector.broadcast %scan3A_118 : i32 to vector<16xi32>
        %add3A_125 = arith.addi %sub3A, %add3A_124 : vector<16xi32>
        %mul3A_126 = arith.constant 16 : i32
        %mul3A_127 = arith.muli %scan3A_117, %mul3A_126 : i32
        %swap3A = arith.index_cast %mul3A_127 : i32 to index
        %swap3A_128 = tpu.vector_load %arg12[%swap3A] {strides = array<i32>} : memref<4096xi32, #tpu.memory_space<vmem>>, vector<16xi32>,
        tpu.vector_store %arg12[%swap3A], %add3A_125 {strides = array<i32>} : memref<4096xi32, #tpu.memory_space<vmem>>, vector<16xi32>,
        %reduce_sum3A = arith.constant true
        %reduce_sum3A_129 = vector.broadcast %reduce_sum3A : i1 to vector<16xi1>
        %reduce_sum3A_130 = tpu.scan <sum>, %get3A_121 masked %reduce_sum3A_129 : vector<16xi32>, vector<16xi1> -> vector<16xi32>
        %reduce_sum3A_131 = vector.extract %reduce_sum3A_130[15] : i32 from vector<16xi32>
        %add3A_132 = arith.addi %scan3A_118, %reduce_sum3A_131 : i32
        scf.yield %add3A_132 : i32
      }
      %scan3A_29 = arith.constant 256 : i32
      %scan3A_30 = arith.constant 0 : i32
      %scan3A_31 = arith.constant 0 : i32
      %scan3A_32 = arith.constant 128 : i32
      %scan3A_33 = arith.addi %scan3A_31, %scan3A_32 : i32
      %scan3A_34 = arith.constant 1 : i32
      scf.for %scan3A_117 = %scan3A_31 to %scan3A_33 step %scan3A_34  : i32 {
        %mul3A_118 = arith.constant 2 : i32
        %mul3A_119 = arith.muli %mul3A_118, %scan3A_117 : i32
        %add3A_120 = arith.constant 0 : i32
        %add3A_121 = arith.addi %mul3A_119, %add3A_120 : i32
        %mul3A_122 = arith.constant 16 : i32
        %mul3A_123 = arith.muli %add3A_121, %mul3A_122 : i32
        %get3A = arith.index_cast %mul3A_123 : i32 to index
        %get3A_124 = tpu.vector_load %arg7[%get3A] {strides = array<i32>} : memref<4096xi32, #tpu.memory_space<vmem>>, vector<16xi32>,
        %mul3A_125 = arith.constant 2 : i32
        %mul3A_126 = arith.muli %mul3A_125, %scan3A_117 : i32
        %add3A_127 = arith.constant 0 : i32
        %add3A_128 = arith.addi %mul3A_126, %add3A_127 : i32
        %mul3A_129 = arith.constant 16 : i32
        %mul3A_130 = arith.muli %add3A_128, %mul3A_129 : i32
        %get3A_131 = arith.index_cast %mul3A_130 : i32 to index
        %get3A_132 = tpu.vector_load %arg9[%get3A_131] {strides = array<i32>} : memref<4096xi32, #tpu.memory_space<vmem>>, vector<16xi32>,
        %shift_right_arithmetic3A = arith.constant 0 : i32
        %shift_right_arithmetic3A_133 = vector.broadcast %shift_right_arithmetic3A : i32 to vector<16xi32>
        %shift_right_arithmetic3A_134 = arith.shrsi %get3A_124, %shift_right_arithmetic3A_133 : vector<16xi32>
        %and3A = arith.constant 255 : i32
        %and3A_135 = vector.broadcast %and3A : i32 to vector<16xi32>
        %and3A_136 = arith.andi %shift_right_arithmetic3A_134, %and3A_135 : vector<16xi32>
        %shift_left3A = arith.constant 4 : i32
        %shift_left3A_137 = vector.broadcast %shift_left3A : i32 to vector<16xi32>
        %shift_left3A_138 = arith.shli %and3A_136, %shift_left3A_137 : vector<16xi32>
        %or3A = arith.ori %shift_left3A_138, %iota3A : vector<16xi32>
        %gather3A = tpu.vector_load_idx %arg12[%or3A] : memref<4096xi32, #tpu.memory_space<vmem>>[vector<16xi32>], vector<16xi32>,
        %add3A_139 = arith.constant 1 : i32
        %add3A_140 = vector.broadcast %add3A_139 : i32 to vector<16xi32>
        %add3A_141 = arith.addi %gather3A, %add3A_140 : vector<16xi32>
        tpu.vector_store_idx %arg12[%or3A], %add3A_141 : memref<4096xi32, #tpu.memory_space<vmem>>[vector<16xi32>], vector<16xi32>,
        %and3A_142 = arith.constant 255 : i32
        %and3A_143 = vector.broadcast %and3A_142 : i32 to vector<16xi32>
        %and3A_144 = arith.andi %gather3A, %and3A_143 : vector<16xi32>
        %shift_left3A_145 = arith.constant 4 : i32
        %shift_left3A_146 = vector.broadcast %shift_left3A_145 : i32 to vector<16xi32>
        %shift_left3A_147 = arith.shli %and3A_144, %shift_left3A_146 : vector<16xi32>
        %shift_right_arithmetic3A_148 = arith.constant 8 : i32
        %shift_right_arithmetic3A_149 = vector.broadcast %shift_right_arithmetic3A_148 : i32 to vector<16xi32>
        %shift_right_arithmetic3A_150 = arith.shrsi %gather3A, %shift_right_arithmetic3A_149 : vector<16xi32>
        %or3A_151 = arith.ori %shift_left3A_147, %shift_right_arithmetic3A_150 : vector<16xi32>
        tpu.vector_store_idx %arg8[%or3A_151], %get3A_124 : memref<4096xi32, #tpu.memory_space<vmem>>[vector<16xi32>], vector<16xi32>,
        tpu.vector_store_idx %arg10[%or3A_151], %get3A_132 : memref<4096xi32, #tpu.memory_space<vmem>>[vector<16xi32>], vector<16xi32>,
        %mul3A_152 = arith.constant 2 : i32
        %mul3A_153 = arith.muli %mul3A_152, %scan3A_117 : i32
        %add3A_154 = arith.constant 1 : i32
        %add3A_155 = arith.addi %mul3A_153, %add3A_154 : i32
        %mul3A_156 = arith.constant 16 : i32
        %mul3A_157 = arith.muli %add3A_155, %mul3A_156 : i32
        %get3A_158 = arith.index_cast %mul3A_157 : i32 to index
        %get3A_159 = tpu.vector_load %arg7[%get3A_158] {strides = array<i32>} : memref<4096xi32, #tpu.memory_space<vmem>>, vector<16xi32>,
        %mul3A_160 = arith.constant 2 : i32
        %mul3A_161 = arith.muli %mul3A_160, %scan3A_117 : i32
        %add3A_162 = arith.constant 1 : i32
        %add3A_163 = arith.addi %mul3A_161, %add3A_162 : i32
        %mul3A_164 = arith.constant 16 : i32
        %mul3A_165 = arith.muli %add3A_163, %mul3A_164 : i32
        %get3A_166 = arith.index_cast %mul3A_165 : i32 to index
        %get3A_167 = tpu.vector_load %arg9[%get3A_166] {strides = array<i32>} : memref<4096xi32, #tpu.memory_space<vmem>>, vector<16xi32>,
        %shift_right_arithmetic3A_168 = arith.constant 0 : i32
        %shift_right_arithmetic3A_169 = vector.broadcast %shift_right_arithmetic3A_168 : i32 to vector<16xi32>
        %shift_right_arithmetic3A_170 = arith.shrsi %get3A_159, %shift_right_arithmetic3A_169 : vector<16xi32>
        %and3A_171 = arith.constant 255 : i32
        %and3A_172 = vector.broadcast %and3A_171 : i32 to vector<16xi32>
        %and3A_173 = arith.andi %shift_right_arithmetic3A_170, %and3A_172 : vector<16xi32>
        %shift_left3A_174 = arith.constant 4 : i32
        %shift_left3A_175 = vector.broadcast %shift_left3A_174 : i32 to vector<16xi32>
        %shift_left3A_176 = arith.shli %and3A_173, %shift_left3A_175 : vector<16xi32>
        %or3A_177 = arith.ori %shift_left3A_176, %iota3A : vector<16xi32>
        %gather3A_178 = tpu.vector_load_idx %arg12[%or3A_177] : memref<4096xi32, #tpu.memory_space<vmem>>[vector<16xi32>], vector<16xi32>,
        %add3A_179 = arith.constant 1 : i32
        %add3A_180 = vector.broadcast %add3A_179 : i32 to vector<16xi32>
        %add3A_181 = arith.addi %gather3A_178, %add3A_180 : vector<16xi32>
        tpu.vector_store_idx %arg12[%or3A_177], %add3A_181 : memref<4096xi32, #tpu.memory_space<vmem>>[vector<16xi32>], vector<16xi32>,
        %and3A_182 = arith.constant 255 : i32
        %and3A_183 = vector.broadcast %and3A_182 : i32 to vector<16xi32>
        %and3A_184 = arith.andi %gather3A_178, %and3A_183 : vector<16xi32>
        %shift_left3A_185 = arith.constant 4 : i32
        %shift_left3A_186 = vector.broadcast %shift_left3A_185 : i32 to vector<16xi32>
        %shift_left3A_187 = arith.shli %and3A_184, %shift_left3A_186 : vector<16xi32>
        %shift_right_arithmetic3A_188 = arith.constant 8 : i32
        %shift_right_arithmetic3A_189 = vector.broadcast %shift_right_arithmetic3A_188 : i32 to vector<16xi32>
        %shift_right_arithmetic3A_190 = arith.shrsi %gather3A_178, %shift_right_arithmetic3A_189 : vector<16xi32>
        %or3A_191 = arith.ori %shift_left3A_187, %shift_right_arithmetic3A_190 : vector<16xi32>
        tpu.vector_store_idx %arg8[%or3A_191], %get3A_159 : memref<4096xi32, #tpu.memory_space<vmem>>[vector<16xi32>], vector<16xi32>,
        tpu.vector_store_idx %arg10[%or3A_191], %get3A_167 : memref<4096xi32, #tpu.memory_space<vmem>>[vector<16xi32>], vector<16xi32>,
      }
      %scan3A_35 = arith.constant 128 : i32
      %scan3A_36 = arith.constant 0 : i32
      %scan3A_37 = arith.constant 0 : i32
      %scan3A_38 = arith.constant 256 : i32
      %scan3A_39 = arith.addi %scan3A_37, %scan3A_38 : i32
      %scan3A_40 = arith.constant 1 : i32
      scf.for %scan3A_117 = %scan3A_37 to %scan3A_39 step %scan3A_40  : i32 {
        %mul3A_118 = arith.constant 16 : i32
        %mul3A_119 = arith.muli %scan3A_117, %mul3A_118 : i32
        %swap3A = arith.index_cast %mul3A_119 : i32 to index
        %swap3A_120 = tpu.vector_load %arg11[%swap3A] {strides = array<i32>} : memref<4096xi32, #tpu.memory_space<vmem>>, vector<16xi32>,
        tpu.vector_store %arg11[%swap3A], %broadcast_in_dim3A_0 {strides = array<i32>} : memref<4096xi32, #tpu.memory_space<vmem>>, vector<16xi32>,
      }
      %scan3A_41 = arith.constant 256 : i32
      %scan3A_42 = arith.constant 0 : i32
      %scan3A_43 = arith.constant 0 : i32
      %scan3A_44 = arith.constant 128 : i32
      %scan3A_45 = arith.addi %scan3A_43, %scan3A_44 : i32
      %scan3A_46 = arith.constant 1 : i32
      scf.for %scan3A_117 = %scan3A_43 to %scan3A_45 step %scan3A_46  : i32 {
        %mul3A_118 = arith.constant 2 : i32
        %mul3A_119 = arith.muli %mul3A_118, %scan3A_117 : i32
        %add3A_120 = arith.constant 0 : i32
        %add3A_121 = arith.addi %mul3A_119, %add3A_120 : i32
        %mul3A_122 = arith.constant 16 : i32
        %mul3A_123 = arith.muli %add3A_121, %mul3A_122 : i32
        %get3A = arith.index_cast %mul3A_123 : i32 to index
        %get3A_124 = tpu.vector_load %arg8[%get3A] {strides = array<i32>} : memref<4096xi32, #tpu.memory_space<vmem>>, vector<16xi32>,
        %shift_right_arithmetic3A = arith.constant 8 : i32
        %shift_right_arithmetic3A_125 = vector.broadcast %shift_right_arithmetic3A : i32 to vector<16xi32>
        %shift_right_arithmetic3A_126 = arith.shrsi %get3A_124, %shift_right_arithmetic3A_125 : vector<16xi32>
        %and3A = arith.constant 255 : i32
        %and3A_127 = vector.broadcast %and3A : i32 to vector<16xi32>
        %and3A_128 = arith.andi %shift_right_arithmetic3A_126, %and3A_127 : vector<16xi32>
        %shift_left3A = arith.constant 4 : i32
        %shift_left3A_129 = vector.broadcast %shift_left3A : i32 to vector<16xi32>
        %shift_left3A_130 = arith.shli %and3A_128, %shift_left3A_129 : vector<16xi32>
        %or3A = arith.ori %shift_left3A_130, %iota3A : vector<16xi32>
        tpu.vector_store_idx %arg11[%or3A], %broadcast_in_dim3A_2 {add = true} : memref<4096xi32, #tpu.memory_space<vmem>>[vector<16xi32>], vector<16xi32>,
        %mul3A_131 = arith.constant 2 : i32
        %mul3A_132 = arith.muli %mul3A_131, %scan3A_117 : i32
        %add3A_133 = arith.constant 1 : i32
        %add3A_134 = arith.addi %mul3A_132, %add3A_133 : i32
        %mul3A_135 = arith.constant 16 : i32
        %mul3A_136 = arith.muli %add3A_134, %mul3A_135 : i32
        %get3A_137 = arith.index_cast %mul3A_136 : i32 to index
        %get3A_138 = tpu.vector_load %arg8[%get3A_137] {strides = array<i32>} : memref<4096xi32, #tpu.memory_space<vmem>>, vector<16xi32>,
        %shift_right_arithmetic3A_139 = arith.constant 8 : i32
        %shift_right_arithmetic3A_140 = vector.broadcast %shift_right_arithmetic3A_139 : i32 to vector<16xi32>
        %shift_right_arithmetic3A_141 = arith.shrsi %get3A_138, %shift_right_arithmetic3A_140 : vector<16xi32>
        %and3A_142 = arith.constant 255 : i32
        %and3A_143 = vector.broadcast %and3A_142 : i32 to vector<16xi32>
        %and3A_144 = arith.andi %shift_right_arithmetic3A_141, %and3A_143 : vector<16xi32>
        %shift_left3A_145 = arith.constant 4 : i32
        %shift_left3A_146 = vector.broadcast %shift_left3A_145 : i32 to vector<16xi32>
        %shift_left3A_147 = arith.shli %and3A_144, %shift_left3A_146 : vector<16xi32>
        %or3A_148 = arith.ori %shift_left3A_147, %iota3A : vector<16xi32>
        tpu.vector_store_idx %arg11[%or3A_148], %broadcast_in_dim3A_2 {add = true} : memref<4096xi32, #tpu.memory_space<vmem>>[vector<16xi32>], vector<16xi32>,
      }
      %scan3A_47 = arith.constant 128 : i32
      %scan3A_48 = arith.constant 0 : i32
      %scan3A_49 = arith.constant 0 : i32
      %scan3A_50 = arith.constant 256 : i32
      %scan3A_51 = arith.addi %scan3A_49, %scan3A_50 : i32
      %scan3A_52 = arith.constant 1 : i32
      %scan3A_53 = scf.for %scan3A_117 = %scan3A_49 to %scan3A_51 step %scan3A_52 iter_args(%scan3A_118 = %scan3A_48) -> (i32)  : i32 {
        %mul3A_119 = arith.constant 16 : i32
        %mul3A_120 = arith.muli %scan3A_117, %mul3A_119 : i32
        %get3A = arith.index_cast %mul3A_120 : i32 to index
        %get3A_121 = tpu.vector_load %arg11[%get3A] {strides = array<i32>} : memref<4096xi32, #tpu.memory_space<vmem>>, vector<16xi32>,
        %broadcast_in_dim3A_122 = arith.constant true
        %broadcast_in_dim3A_123 = vector.broadcast %broadcast_in_dim3A_122 : i1 to vector<16xi1>
        %masked_cumsum3A = tpu.scan <sum>, %get3A_121 masked %broadcast_in_dim3A_123 : vector<16xi32>, vector<16xi1> -> vector<16xi32>
        %sub3A = arith.subi %masked_cumsum3A, %get3A_121 : vector<16xi32>
        %add3A_124 = vector.broadcast %scan3A_118 : i32 to vector<16xi32>
        %add3A_125 = arith.addi %sub3A, %add3A_124 : vector<16xi32>
        %mul3A_126 = arith.constant 16 : i32
        %mul3A_127 = arith.muli %scan3A_117, %mul3A_126 : i32
        %swap3A = arith.index_cast %mul3A_127 : i32 to index
        %swap3A_128 = tpu.vector_load %arg12[%swap3A] {strides = array<i32>} : memref<4096xi32, #tpu.memory_space<vmem>>, vector<16xi32>,
        tpu.vector_store %arg12[%swap3A], %add3A_125 {strides = array<i32>} : memref<4096xi32, #tpu.memory_space<vmem>>, vector<16xi32>,
        %reduce_sum3A = arith.constant true
        %reduce_sum3A_129 = vector.broadcast %reduce_sum3A : i1 to vector<16xi1>
        %reduce_sum3A_130 = tpu.scan <sum>, %get3A_121 masked %reduce_sum3A_129 : vector<16xi32>, vector<16xi1> -> vector<16xi32>
        %reduce_sum3A_131 = vector.extract %reduce_sum3A_130[15] : i32 from vector<16xi32>
        %add3A_132 = arith.addi %scan3A_118, %reduce_sum3A_131 : i32
        scf.yield %add3A_132 : i32
      }
      %scan3A_54 = arith.constant 256 : i32
      %scan3A_55 = arith.constant 0 : i32
      %scan3A_56 = arith.constant 0 : i32
      %scan3A_57 = arith.constant 128 : i32
      %scan3A_58 = arith.addi %scan3A_56, %scan3A_57 : i32
      %scan3A_59 = arith.constant 1 : i32
      scf.for %scan3A_117 = %scan3A_56 to %scan3A_58 step %scan3A_59  : i32 {
        %mul3A_118 = arith.constant 2 : i32
        %mul3A_119 = arith.muli %mul3A_118, %scan3A_117 : i32
        %add3A_120 = arith.constant 0 : i32
        %add3A_121 = arith.addi %mul3A_119, %add3A_120 : i32
        %mul3A_122 = arith.constant 16 : i32
        %mul3A_123 = arith.muli %add3A_121, %mul3A_122 : i32
        %get3A = arith.index_cast %mul3A_123 : i32 to index
        %get3A_124 = tpu.vector_load %arg8[%get3A] {strides = array<i32>} : memref<4096xi32, #tpu.memory_space<vmem>>, vector<16xi32>,
        %mul3A_125 = arith.constant 2 : i32
        %mul3A_126 = arith.muli %mul3A_125, %scan3A_117 : i32
        %add3A_127 = arith.constant 0 : i32
        %add3A_128 = arith.addi %mul3A_126, %add3A_127 : i32
        %mul3A_129 = arith.constant 16 : i32
        %mul3A_130 = arith.muli %add3A_128, %mul3A_129 : i32
        %get3A_131 = arith.index_cast %mul3A_130 : i32 to index
        %get3A_132 = tpu.vector_load %arg10[%get3A_131] {strides = array<i32>} : memref<4096xi32, #tpu.memory_space<vmem>>, vector<16xi32>,
        %shift_right_arithmetic3A = arith.constant 8 : i32
        %shift_right_arithmetic3A_133 = vector.broadcast %shift_right_arithmetic3A : i32 to vector<16xi32>
        %shift_right_arithmetic3A_134 = arith.shrsi %get3A_124, %shift_right_arithmetic3A_133 : vector<16xi32>
        %and3A = arith.constant 255 : i32
        %and3A_135 = vector.broadcast %and3A : i32 to vector<16xi32>
        %and3A_136 = arith.andi %shift_right_arithmetic3A_134, %and3A_135 : vector<16xi32>
        %shift_left3A = arith.constant 4 : i32
        %shift_left3A_137 = vector.broadcast %shift_left3A : i32 to vector<16xi32>
        %shift_left3A_138 = arith.shli %and3A_136, %shift_left3A_137 : vector<16xi32>
        %or3A = arith.ori %shift_left3A_138, %iota3A : vector<16xi32>
        %gather3A = tpu.vector_load_idx %arg12[%or3A] : memref<4096xi32, #tpu.memory_space<vmem>>[vector<16xi32>], vector<16xi32>,
        %add3A_139 = arith.constant 1 : i32
        %add3A_140 = vector.broadcast %add3A_139 : i32 to vector<16xi32>
        %add3A_141 = arith.addi %gather3A, %add3A_140 : vector<16xi32>
        tpu.vector_store_idx %arg12[%or3A], %add3A_141 : memref<4096xi32, #tpu.memory_space<vmem>>[vector<16xi32>], vector<16xi32>,
        %and3A_142 = arith.constant 255 : i32
        %and3A_143 = vector.broadcast %and3A_142 : i32 to vector<16xi32>
        %and3A_144 = arith.andi %gather3A, %and3A_143 : vector<16xi32>
        %shift_left3A_145 = arith.constant 4 : i32
        %shift_left3A_146 = vector.broadcast %shift_left3A_145 : i32 to vector<16xi32>
        %shift_left3A_147 = arith.shli %and3A_144, %shift_left3A_146 : vector<16xi32>
        %shift_right_arithmetic3A_148 = arith.constant 8 : i32
        %shift_right_arithmetic3A_149 = vector.broadcast %shift_right_arithmetic3A_148 : i32 to vector<16xi32>
        %shift_right_arithmetic3A_150 = arith.shrsi %gather3A, %shift_right_arithmetic3A_149 : vector<16xi32>
        %or3A_151 = arith.ori %shift_left3A_147, %shift_right_arithmetic3A_150 : vector<16xi32>
        tpu.vector_store_idx %arg7[%or3A_151], %get3A_124 : memref<4096xi32, #tpu.memory_space<vmem>>[vector<16xi32>], vector<16xi32>,
        tpu.vector_store_idx %arg9[%or3A_151], %get3A_132 : memref<4096xi32, #tpu.memory_space<vmem>>[vector<16xi32>], vector<16xi32>,
        %mul3A_152 = arith.constant 2 : i32
        %mul3A_153 = arith.muli %mul3A_152, %scan3A_117 : i32
        %add3A_154 = arith.constant 1 : i32
        %add3A_155 = arith.addi %mul3A_153, %add3A_154 : i32
        %mul3A_156 = arith.constant 16 : i32
        %mul3A_157 = arith.muli %add3A_155, %mul3A_156 : i32
        %get3A_158 = arith.index_cast %mul3A_157 : i32 to index
        %get3A_159 = tpu.vector_load %arg8[%get3A_158] {strides = array<i32>} : memref<4096xi32, #tpu.memory_space<vmem>>, vector<16xi32>,
        %mul3A_160 = arith.constant 2 : i32
        %mul3A_161 = arith.muli %mul3A_160, %scan3A_117 : i32
        %add3A_162 = arith.constant 1 : i32
        %add3A_163 = arith.addi %mul3A_161, %add3A_162 : i32
        %mul3A_164 = arith.constant 16 : i32
        %mul3A_165 = arith.muli %add3A_163, %mul3A_164 : i32
        %get3A_166 = arith.index_cast %mul3A_165 : i32 to index
        %get3A_167 = tpu.vector_load %arg10[%get3A_166] {strides = array<i32>} : memref<4096xi32, #tpu.memory_space<vmem>>, vector<16xi32>,
        %shift_right_arithmetic3A_168 = arith.constant 8 : i32
        %shift_right_arithmetic3A_169 = vector.broadcast %shift_right_arithmetic3A_168 : i32 to vector<16xi32>
        %shift_right_arithmetic3A_170 = arith.shrsi %get3A_159, %shift_right_arithmetic3A_169 : vector<16xi32>
        %and3A_171 = arith.constant 255 : i32
        %and3A_172 = vector.broadcast %and3A_171 : i32 to vector<16xi32>
        %and3A_173 = arith.andi %shift_right_arithmetic3A_170, %and3A_172 : vector<16xi32>
        %shift_left3A_174 = arith.constant 4 : i32
        %shift_left3A_175 = vector.broadcast %shift_left3A_174 : i32 to vector<16xi32>
        %shift_left3A_176 = arith.shli %and3A_173, %shift_left3A_175 : vector<16xi32>
        %or3A_177 = arith.ori %shift_left3A_176, %iota3A : vector<16xi32>
        %gather3A_178 = tpu.vector_load_idx %arg12[%or3A_177] : memref<4096xi32, #tpu.memory_space<vmem>>[vector<16xi32>], vector<16xi32>,
        %add3A_179 = arith.constant 1 : i32
        %add3A_180 = vector.broadcast %add3A_179 : i32 to vector<16xi32>
        %add3A_181 = arith.addi %gather3A_178, %add3A_180 : vector<16xi32>
        tpu.vector_store_idx %arg12[%or3A_177], %add3A_181 : memref<4096xi32, #tpu.memory_space<vmem>>[vector<16xi32>], vector<16xi32>,
        %and3A_182 = arith.constant 255 : i32
        %and3A_183 = vector.broadcast %and3A_182 : i32 to vector<16xi32>
        %and3A_184 = arith.andi %gather3A_178, %and3A_183 : vector<16xi32>
        %shift_left3A_185 = arith.constant 4 : i32
        %shift_left3A_186 = vector.broadcast %shift_left3A_185 : i32 to vector<16xi32>
        %shift_left3A_187 = arith.shli %and3A_184, %shift_left3A_186 : vector<16xi32>
        %shift_right_arithmetic3A_188 = arith.constant 8 : i32
        %shift_right_arithmetic3A_189 = vector.broadcast %shift_right_arithmetic3A_188 : i32 to vector<16xi32>
        %shift_right_arithmetic3A_190 = arith.shrsi %gather3A_178, %shift_right_arithmetic3A_189 : vector<16xi32>
        %or3A_191 = arith.ori %shift_left3A_187, %shift_right_arithmetic3A_190 : vector<16xi32>
        tpu.vector_store_idx %arg7[%or3A_191], %get3A_159 : memref<4096xi32, #tpu.memory_space<vmem>>[vector<16xi32>], vector<16xi32>,
        tpu.vector_store_idx %arg9[%or3A_191], %get3A_167 : memref<4096xi32, #tpu.memory_space<vmem>>[vector<16xi32>], vector<16xi32>,
      }
      %scan3A_60 = arith.constant 128 : i32
      %scan3A_61 = arith.constant 0 : i32
      %scan3A_62 = arith.constant 0 : i32
      %scan3A_63 = arith.constant 256 : i32
      %scan3A_64 = arith.addi %scan3A_62, %scan3A_63 : i32
      %scan3A_65 = arith.constant 1 : i32
      scf.for %scan3A_117 = %scan3A_62 to %scan3A_64 step %scan3A_65  : i32 {
        %mul3A_118 = arith.constant 16 : i32
        %mul3A_119 = arith.muli %scan3A_117, %mul3A_118 : i32
        %swap3A = arith.index_cast %mul3A_119 : i32 to index
        %swap3A_120 = tpu.vector_load %arg11[%swap3A] {strides = array<i32>} : memref<4096xi32, #tpu.memory_space<vmem>>, vector<16xi32>,
        tpu.vector_store %arg11[%swap3A], %broadcast_in_dim3A_0 {strides = array<i32>} : memref<4096xi32, #tpu.memory_space<vmem>>, vector<16xi32>,
      }
      %scan3A_66 = arith.constant 256 : i32
      %scan3A_67 = arith.constant 0 : i32
      %scan3A_68 = arith.constant 0 : i32
      %scan3A_69 = arith.constant 128 : i32
      %scan3A_70 = arith.addi %scan3A_68, %scan3A_69 : i32
      %scan3A_71 = arith.constant 1 : i32
      scf.for %scan3A_117 = %scan3A_68 to %scan3A_70 step %scan3A_71  : i32 {
        %mul3A_118 = arith.constant 2 : i32
        %mul3A_119 = arith.muli %mul3A_118, %scan3A_117 : i32
        %add3A_120 = arith.constant 0 : i32
        %add3A_121 = arith.addi %mul3A_119, %add3A_120 : i32
        %mul3A_122 = arith.constant 16 : i32
        %mul3A_123 = arith.muli %add3A_121, %mul3A_122 : i32
        %get3A = arith.index_cast %mul3A_123 : i32 to index
        %get3A_124 = tpu.vector_load %arg7[%get3A] {strides = array<i32>} : memref<4096xi32, #tpu.memory_space<vmem>>, vector<16xi32>,
        %shift_right_arithmetic3A = arith.constant 16 : i32
        %shift_right_arithmetic3A_125 = vector.broadcast %shift_right_arithmetic3A : i32 to vector<16xi32>
        %shift_right_arithmetic3A_126 = arith.shrsi %get3A_124, %shift_right_arithmetic3A_125 : vector<16xi32>
        %and3A = arith.constant 255 : i32
        %and3A_127 = vector.broadcast %and3A : i32 to vector<16xi32>
        %and3A_128 = arith.andi %shift_right_arithmetic3A_126, %and3A_127 : vector<16xi32>
        %shift_left3A = arith.constant 4 : i32
        %shift_left3A_129 = vector.broadcast %shift_left3A : i32 to vector<16xi32>
        %shift_left3A_130 = arith.shli %and3A_128, %shift_left3A_129 : vector<16xi32>
        %or3A = arith.ori %shift_left3A_130, %iota3A : vector<16xi32>
        tpu.vector_store_idx %arg11[%or3A], %broadcast_in_dim3A_2 {add = true} : memref<4096xi32, #tpu.memory_space<vmem>>[vector<16xi32>], vector<16xi32>,
        %mul3A_131 = arith.constant 2 : i32
        %mul3A_132 = arith.muli %mul3A_131, %scan3A_117 : i32
        %add3A_133 = arith.constant 1 : i32
        %add3A_134 = arith.addi %mul3A_132, %add3A_133 : i32
        %mul3A_135 = arith.constant 16 : i32
        %mul3A_136 = arith.muli %add3A_134, %mul3A_135 : i32
        %get3A_137 = arith.index_cast %mul3A_136 : i32 to index
        %get3A_138 = tpu.vector_load %arg7[%get3A_137] {strides = array<i32>} : memref<4096xi32, #tpu.memory_space<vmem>>, vector<16xi32>,
        %shift_right_arithmetic3A_139 = arith.constant 16 : i32
        %shift_right_arithmetic3A_140 = vector.broadcast %shift_right_arithmetic3A_139 : i32 to vector<16xi32>
        %shift_right_arithmetic3A_141 = arith.shrsi %get3A_138, %shift_right_arithmetic3A_140 : vector<16xi32>
        %and3A_142 = arith.constant 255 : i32
        %and3A_143 = vector.broadcast %and3A_142 : i32 to vector<16xi32>
        %and3A_144 = arith.andi %shift_right_arithmetic3A_141, %and3A_143 : vector<16xi32>
        %shift_left3A_145 = arith.constant 4 : i32
        %shift_left3A_146 = vector.broadcast %shift_left3A_145 : i32 to vector<16xi32>
        %shift_left3A_147 = arith.shli %and3A_144, %shift_left3A_146 : vector<16xi32>
        %or3A_148 = arith.ori %shift_left3A_147, %iota3A : vector<16xi32>
        tpu.vector_store_idx %arg11[%or3A_148], %broadcast_in_dim3A_2 {add = true} : memref<4096xi32, #tpu.memory_space<vmem>>[vector<16xi32>], vector<16xi32>,
      }
      %scan3A_72 = arith.constant 128 : i32
      %scan3A_73 = arith.constant 0 : i32
      %scan3A_74 = arith.constant 0 : i32
      %scan3A_75 = arith.constant 256 : i32
      %scan3A_76 = arith.addi %scan3A_74, %scan3A_75 : i32
      %scan3A_77 = arith.constant 1 : i32
      %scan3A_78 = scf.for %scan3A_117 = %scan3A_74 to %scan3A_76 step %scan3A_77 iter_args(%scan3A_118 = %scan3A_73) -> (i32)  : i32 {
        %mul3A_119 = arith.constant 16 : i32
        %mul3A_120 = arith.muli %scan3A_117, %mul3A_119 : i32
        %get3A = arith.index_cast %mul3A_120 : i32 to index
        %get3A_121 = tpu.vector_load %arg11[%get3A] {strides = array<i32>} : memref<4096xi32, #tpu.memory_space<vmem>>, vector<16xi32>,
        %broadcast_in_dim3A_122 = arith.constant true
        %broadcast_in_dim3A_123 = vector.broadcast %broadcast_in_dim3A_122 : i1 to vector<16xi1>
        %masked_cumsum3A = tpu.scan <sum>, %get3A_121 masked %broadcast_in_dim3A_123 : vector<16xi32>, vector<16xi1> -> vector<16xi32>
        %sub3A = arith.subi %masked_cumsum3A, %get3A_121 : vector<16xi32>
        %add3A_124 = vector.broadcast %scan3A_118 : i32 to vector<16xi32>
        %add3A_125 = arith.addi %sub3A, %add3A_124 : vector<16xi32>
        %mul3A_126 = arith.constant 16 : i32
        %mul3A_127 = arith.muli %scan3A_117, %mul3A_126 : i32
        %swap3A = arith.index_cast %mul3A_127 : i32 to index
        %swap3A_128 = tpu.vector_load %arg12[%swap3A] {strides = array<i32>} : memref<4096xi32, #tpu.memory_space<vmem>>, vector<16xi32>,
        tpu.vector_store %arg12[%swap3A], %add3A_125 {strides = array<i32>} : memref<4096xi32, #tpu.memory_space<vmem>>, vector<16xi32>,
        %reduce_sum3A = arith.constant true
        %reduce_sum3A_129 = vector.broadcast %reduce_sum3A : i1 to vector<16xi1>
        %reduce_sum3A_130 = tpu.scan <sum>, %get3A_121 masked %reduce_sum3A_129 : vector<16xi32>, vector<16xi1> -> vector<16xi32>
        %reduce_sum3A_131 = vector.extract %reduce_sum3A_130[15] : i32 from vector<16xi32>
        %add3A_132 = arith.addi %scan3A_118, %reduce_sum3A_131 : i32
        scf.yield %add3A_132 : i32
      }
      %scan3A_79 = arith.constant 256 : i32
      %scan3A_80 = arith.constant 0 : i32
      %scan3A_81 = arith.constant 0 : i32
      %scan3A_82 = arith.constant 128 : i32
      %scan3A_83 = arith.addi %scan3A_81, %scan3A_82 : i32
      %scan3A_84 = arith.constant 1 : i32
      scf.for %scan3A_117 = %scan3A_81 to %scan3A_83 step %scan3A_84  : i32 {
        %mul3A_118 = arith.constant 2 : i32
        %mul3A_119 = arith.muli %mul3A_118, %scan3A_117 : i32
        %add3A_120 = arith.constant 0 : i32
        %add3A_121 = arith.addi %mul3A_119, %add3A_120 : i32
        %mul3A_122 = arith.constant 16 : i32
        %mul3A_123 = arith.muli %add3A_121, %mul3A_122 : i32
        %get3A = arith.index_cast %mul3A_123 : i32 to index
        %get3A_124 = tpu.vector_load %arg7[%get3A] {strides = array<i32>} : memref<4096xi32, #tpu.memory_space<vmem>>, vector<16xi32>,
        %mul3A_125 = arith.constant 2 : i32
        %mul3A_126 = arith.muli %mul3A_125, %scan3A_117 : i32
        %add3A_127 = arith.constant 0 : i32
        %add3A_128 = arith.addi %mul3A_126, %add3A_127 : i32
        %mul3A_129 = arith.constant 16 : i32
        %mul3A_130 = arith.muli %add3A_128, %mul3A_129 : i32
        %get3A_131 = arith.index_cast %mul3A_130 : i32 to index
        %get3A_132 = tpu.vector_load %arg9[%get3A_131] {strides = array<i32>} : memref<4096xi32, #tpu.memory_space<vmem>>, vector<16xi32>,
        %shift_right_arithmetic3A = arith.constant 16 : i32
        %shift_right_arithmetic3A_133 = vector.broadcast %shift_right_arithmetic3A : i32 to vector<16xi32>
        %shift_right_arithmetic3A_134 = arith.shrsi %get3A_124, %shift_right_arithmetic3A_133 : vector<16xi32>
        %and3A = arith.constant 255 : i32
        %and3A_135 = vector.broadcast %and3A : i32 to vector<16xi32>
        %and3A_136 = arith.andi %shift_right_arithmetic3A_134, %and3A_135 : vector<16xi32>
        %shift_left3A = arith.constant 4 : i32
        %shift_left3A_137 = vector.broadcast %shift_left3A : i32 to vector<16xi32>
        %shift_left3A_138 = arith.shli %and3A_136, %shift_left3A_137 : vector<16xi32>
        %or3A = arith.ori %shift_left3A_138, %iota3A : vector<16xi32>
        %gather3A = tpu.vector_load_idx %arg12[%or3A] : memref<4096xi32, #tpu.memory_space<vmem>>[vector<16xi32>], vector<16xi32>,
        %add3A_139 = arith.constant 1 : i32
        %add3A_140 = vector.broadcast %add3A_139 : i32 to vector<16xi32>
        %add3A_141 = arith.addi %gather3A, %add3A_140 : vector<16xi32>
        tpu.vector_store_idx %arg12[%or3A], %add3A_141 : memref<4096xi32, #tpu.memory_space<vmem>>[vector<16xi32>], vector<16xi32>,
        %and3A_142 = arith.constant 255 : i32
        %and3A_143 = vector.broadcast %and3A_142 : i32 to vector<16xi32>
        %and3A_144 = arith.andi %gather3A, %and3A_143 : vector<16xi32>
        %shift_left3A_145 = arith.constant 4 : i32
        %shift_left3A_146 = vector.broadcast %shift_left3A_145 : i32 to vector<16xi32>
        %shift_left3A_147 = arith.shli %and3A_144, %shift_left3A_146 : vector<16xi32>
        %shift_right_arithmetic3A_148 = arith.constant 8 : i32
        %shift_right_arithmetic3A_149 = vector.broadcast %shift_right_arithmetic3A_148 : i32 to vector<16xi32>
        %shift_right_arithmetic3A_150 = arith.shrsi %gather3A, %shift_right_arithmetic3A_149 : vector<16xi32>
        %or3A_151 = arith.ori %shift_left3A_147, %shift_right_arithmetic3A_150 : vector<16xi32>
        tpu.vector_store_idx %arg8[%or3A_151], %get3A_124 : memref<4096xi32, #tpu.memory_space<vmem>>[vector<16xi32>], vector<16xi32>,
        tpu.vector_store_idx %arg10[%or3A_151], %get3A_132 : memref<4096xi32, #tpu.memory_space<vmem>>[vector<16xi32>], vector<16xi32>,
        %mul3A_152 = arith.constant 2 : i32
        %mul3A_153 = arith.muli %mul3A_152, %scan3A_117 : i32
        %add3A_154 = arith.constant 1 : i32
        %add3A_155 = arith.addi %mul3A_153, %add3A_154 : i32
        %mul3A_156 = arith.constant 16 : i32
        %mul3A_157 = arith.muli %add3A_155, %mul3A_156 : i32
        %get3A_158 = arith.index_cast %mul3A_157 : i32 to index
        %get3A_159 = tpu.vector_load %arg7[%get3A_158] {strides = array<i32>} : memref<4096xi32, #tpu.memory_space<vmem>>, vector<16xi32>,
        %mul3A_160 = arith.constant 2 : i32
        %mul3A_161 = arith.muli %mul3A_160, %scan3A_117 : i32
        %add3A_162 = arith.constant 1 : i32
        %add3A_163 = arith.addi %mul3A_161, %add3A_162 : i32
        %mul3A_164 = arith.constant 16 : i32
        %mul3A_165 = arith.muli %add3A_163, %mul3A_164 : i32
        %get3A_166 = arith.index_cast %mul3A_165 : i32 to index
        %get3A_167 = tpu.vector_load %arg9[%get3A_166] {strides = array<i32>} : memref<4096xi32, #tpu.memory_space<vmem>>, vector<16xi32>,
        %shift_right_arithmetic3A_168 = arith.constant 16 : i32
        %shift_right_arithmetic3A_169 = vector.broadcast %shift_right_arithmetic3A_168 : i32 to vector<16xi32>
        %shift_right_arithmetic3A_170 = arith.shrsi %get3A_159, %shift_right_arithmetic3A_169 : vector<16xi32>
        %and3A_171 = arith.constant 255 : i32
        %and3A_172 = vector.broadcast %and3A_171 : i32 to vector<16xi32>
        %and3A_173 = arith.andi %shift_right_arithmetic3A_170, %and3A_172 : vector<16xi32>
        %shift_left3A_174 = arith.constant 4 : i32
        %shift_left3A_175 = vector.broadcast %shift_left3A_174 : i32 to vector<16xi32>
        %shift_left3A_176 = arith.shli %and3A_173, %shift_left3A_175 : vector<16xi32>
        %or3A_177 = arith.ori %shift_left3A_176, %iota3A : vector<16xi32>
        %gather3A_178 = tpu.vector_load_idx %arg12[%or3A_177] : memref<4096xi32, #tpu.memory_space<vmem>>[vector<16xi32>], vector<16xi32>,
        %add3A_179 = arith.constant 1 : i32
        %add3A_180 = vector.broadcast %add3A_179 : i32 to vector<16xi32>
        %add3A_181 = arith.addi %gather3A_178, %add3A_180 : vector<16xi32>
        tpu.vector_store_idx %arg12[%or3A_177], %add3A_181 : memref<4096xi32, #tpu.memory_space<vmem>>[vector<16xi32>], vector<16xi32>,
        %and3A_182 = arith.constant 255 : i32
        %and3A_183 = vector.broadcast %and3A_182 : i32 to vector<16xi32>
        %and3A_184 = arith.andi %gather3A_178, %and3A_183 : vector<16xi32>
        %shift_left3A_185 = arith.constant 4 : i32
        %shift_left3A_186 = vector.broadcast %shift_left3A_185 : i32 to vector<16xi32>
        %shift_left3A_187 = arith.shli %and3A_184, %shift_left3A_186 : vector<16xi32>
        %shift_right_arithmetic3A_188 = arith.constant 8 : i32
        %shift_right_arithmetic3A_189 = vector.broadcast %shift_right_arithmetic3A_188 : i32 to vector<16xi32>
        %shift_right_arithmetic3A_190 = arith.shrsi %gather3A_178, %shift_right_arithmetic3A_189 : vector<16xi32>
        %or3A_191 = arith.ori %shift_left3A_187, %shift_right_arithmetic3A_190 : vector<16xi32>
        tpu.vector_store_idx %arg8[%or3A_191], %get3A_159 : memref<4096xi32, #tpu.memory_space<vmem>>[vector<16xi32>], vector<16xi32>,
        tpu.vector_store_idx %arg10[%or3A_191], %get3A_167 : memref<4096xi32, #tpu.memory_space<vmem>>[vector<16xi32>], vector<16xi32>,
      }
      %scan3A_85 = arith.constant 128 : i32
      %scan3A_86 = arith.constant 0 : i32
      %scan3A_87 = arith.constant 0 : i32
      %scan3A_88 = arith.constant 64 : i32
      %scan3A_89 = arith.addi %scan3A_87, %scan3A_88 : i32
      %scan3A_90 = arith.constant 1 : i32
      scf.for %scan3A_117 = %scan3A_87 to %scan3A_89 step %scan3A_90  : i32 {
        %mul3A_118 = arith.constant 16 : i32
        %mul3A_119 = arith.muli %scan3A_117, %mul3A_118 : i32
        %swap3A = arith.index_cast %mul3A_119 : i32 to index
        %swap3A_120 = tpu.vector_load %arg11[%swap3A] {strides = array<i32>} : memref<4096xi32, #tpu.memory_space<vmem>>, vector<16xi32>,
        tpu.vector_store %arg11[%swap3A], %broadcast_in_dim3A_0 {strides = array<i32>} : memref<4096xi32, #tpu.memory_space<vmem>>, vector<16xi32>,
      }
      %scan3A_91 = arith.constant 64 : i32
      %scan3A_92 = arith.constant 0 : i32
      %scan3A_93 = arith.constant 0 : i32
      %scan3A_94 = arith.constant 128 : i32
      %scan3A_95 = arith.addi %scan3A_93, %scan3A_94 : i32
      %scan3A_96 = arith.constant 1 : i32
      scf.for %scan3A_117 = %scan3A_93 to %scan3A_95 step %scan3A_96  : i32 {
        %mul3A_118 = arith.constant 2 : i32
        %mul3A_119 = arith.muli %mul3A_118, %scan3A_117 : i32
        %add3A_120 = arith.constant 0 : i32
        %add3A_121 = arith.addi %mul3A_119, %add3A_120 : i32
        %mul3A_122 = arith.constant 16 : i32
        %mul3A_123 = arith.muli %add3A_121, %mul3A_122 : i32
        %get3A = arith.index_cast %mul3A_123 : i32 to index
        %get3A_124 = tpu.vector_load %arg8[%get3A] {strides = array<i32>} : memref<4096xi32, #tpu.memory_space<vmem>>, vector<16xi32>,
        %shift_right_arithmetic3A = arith.constant 24 : i32
        %shift_right_arithmetic3A_125 = vector.broadcast %shift_right_arithmetic3A : i32 to vector<16xi32>
        %shift_right_arithmetic3A_126 = arith.shrsi %get3A_124, %shift_right_arithmetic3A_125 : vector<16xi32>
        %and3A = arith.constant 255 : i32
        %and3A_127 = vector.broadcast %and3A : i32 to vector<16xi32>
        %and3A_128 = arith.andi %shift_right_arithmetic3A_126, %and3A_127 : vector<16xi32>
        %shift_left3A = arith.constant 4 : i32
        %shift_left3A_129 = vector.broadcast %shift_left3A : i32 to vector<16xi32>
        %shift_left3A_130 = arith.shli %and3A_128, %shift_left3A_129 : vector<16xi32>
        %or3A = arith.ori %shift_left3A_130, %iota3A : vector<16xi32>
        tpu.vector_store_idx %arg11[%or3A], %broadcast_in_dim3A_2 {add = true} : memref<4096xi32, #tpu.memory_space<vmem>>[vector<16xi32>], vector<16xi32>,
        %mul3A_131 = arith.constant 2 : i32
        %mul3A_132 = arith.muli %mul3A_131, %scan3A_117 : i32
        %add3A_133 = arith.constant 1 : i32
        %add3A_134 = arith.addi %mul3A_132, %add3A_133 : i32
        %mul3A_135 = arith.constant 16 : i32
        %mul3A_136 = arith.muli %add3A_134, %mul3A_135 : i32
        %get3A_137 = arith.index_cast %mul3A_136 : i32 to index
        %get3A_138 = tpu.vector_load %arg8[%get3A_137] {strides = array<i32>} : memref<4096xi32, #tpu.memory_space<vmem>>, vector<16xi32>,
        %shift_right_arithmetic3A_139 = arith.constant 24 : i32
        %shift_right_arithmetic3A_140 = vector.broadcast %shift_right_arithmetic3A_139 : i32 to vector<16xi32>
        %shift_right_arithmetic3A_141 = arith.shrsi %get3A_138, %shift_right_arithmetic3A_140 : vector<16xi32>
        %and3A_142 = arith.constant 255 : i32
        %and3A_143 = vector.broadcast %and3A_142 : i32 to vector<16xi32>
        %and3A_144 = arith.andi %shift_right_arithmetic3A_141, %and3A_143 : vector<16xi32>
        %shift_left3A_145 = arith.constant 4 : i32
        %shift_left3A_146 = vector.broadcast %shift_left3A_145 : i32 to vector<16xi32>
        %shift_left3A_147 = arith.shli %and3A_144, %shift_left3A_146 : vector<16xi32>
        %or3A_148 = arith.ori %shift_left3A_147, %iota3A : vector<16xi32>
        tpu.vector_store_idx %arg11[%or3A_148], %broadcast_in_dim3A_2 {add = true} : memref<4096xi32, #tpu.memory_space<vmem>>[vector<16xi32>], vector<16xi32>,
      }
      %scan3A_97 = arith.constant 128 : i32
      %scan3A_98 = arith.constant 0 : i32
      %scan3A_99 = arith.constant 0 : i32
      %scan3A_100 = arith.constant 64 : i32
      %scan3A_101 = arith.addi %scan3A_99, %scan3A_100 : i32
      %scan3A_102 = arith.constant 1 : i32
      %scan3A_103 = scf.for %scan3A_117 = %scan3A_99 to %scan3A_101 step %scan3A_102 iter_args(%scan3A_118 = %scan3A_98) -> (i32)  : i32 {
        %mul3A_119 = arith.constant 16 : i32
        %mul3A_120 = arith.muli %scan3A_117, %mul3A_119 : i32
        %get3A = arith.index_cast %mul3A_120 : i32 to index
        %get3A_121 = tpu.vector_load %arg11[%get3A] {strides = array<i32>} : memref<4096xi32, #tpu.memory_space<vmem>>, vector<16xi32>,
        %broadcast_in_dim3A_122 = arith.constant true
        %broadcast_in_dim3A_123 = vector.broadcast %broadcast_in_dim3A_122 : i1 to vector<16xi1>
        %masked_cumsum3A = tpu.scan <sum>, %get3A_121 masked %broadcast_in_dim3A_123 : vector<16xi32>, vector<16xi1> -> vector<16xi32>
        %sub3A = arith.subi %masked_cumsum3A, %get3A_121 : vector<16xi32>
        %add3A_124 = vector.broadcast %scan3A_118 : i32 to vector<16xi32>
        %add3A_125 = arith.addi %sub3A, %add3A_124 : vector<16xi32>
        %mul3A_126 = arith.constant 16 : i32
        %mul3A_127 = arith.muli %scan3A_117, %mul3A_126 : i32
        %swap3A = arith.index_cast %mul3A_127 : i32 to index
        %swap3A_128 = tpu.vector_load %arg12[%swap3A] {strides = array<i32>} : memref<4096xi32, #tpu.memory_space<vmem>>, vector<16xi32>,
        tpu.vector_store %arg12[%swap3A], %add3A_125 {strides = array<i32>} : memref<4096xi32, #tpu.memory_space<vmem>>, vector<16xi32>,
        %reduce_sum3A = arith.constant true
        %reduce_sum3A_129 = vector.broadcast %reduce_sum3A : i1 to vector<16xi1>
        %reduce_sum3A_130 = tpu.scan <sum>, %get3A_121 masked %reduce_sum3A_129 : vector<16xi32>, vector<16xi1> -> vector<16xi32>
        %reduce_sum3A_131 = vector.extract %reduce_sum3A_130[15] : i32 from vector<16xi32>
        %add3A_132 = arith.addi %scan3A_118, %reduce_sum3A_131 : i32
        scf.yield %add3A_132 : i32
      }
      %scan3A_104 = arith.constant 64 : i32
      %scan3A_105 = arith.constant 0 : i32
      %scan3A_106 = arith.constant 0 : i32
      %scan3A_107 = arith.constant 128 : i32
      %scan3A_108 = arith.addi %scan3A_106, %scan3A_107 : i32
      %scan3A_109 = arith.constant 1 : i32
      scf.for %scan3A_117 = %scan3A_106 to %scan3A_108 step %scan3A_109  : i32 {
        %mul3A_118 = arith.constant 2 : i32
        %mul3A_119 = arith.muli %mul3A_118, %scan3A_117 : i32
        %add3A_120 = arith.constant 0 : i32
        %add3A_121 = arith.addi %mul3A_119, %add3A_120 : i32
        %mul3A_122 = arith.constant 16 : i32
        %mul3A_123 = arith.muli %add3A_121, %mul3A_122 : i32
        %get3A = arith.index_cast %mul3A_123 : i32 to index
        %get3A_124 = tpu.vector_load %arg8[%get3A] {strides = array<i32>} : memref<4096xi32, #tpu.memory_space<vmem>>, vector<16xi32>,
        %mul3A_125 = arith.constant 2 : i32
        %mul3A_126 = arith.muli %mul3A_125, %scan3A_117 : i32
        %add3A_127 = arith.constant 0 : i32
        %add3A_128 = arith.addi %mul3A_126, %add3A_127 : i32
        %mul3A_129 = arith.constant 16 : i32
        %mul3A_130 = arith.muli %add3A_128, %mul3A_129 : i32
        %get3A_131 = arith.index_cast %mul3A_130 : i32 to index
        %get3A_132 = tpu.vector_load %arg10[%get3A_131] {strides = array<i32>} : memref<4096xi32, #tpu.memory_space<vmem>>, vector<16xi32>,
        %shift_right_arithmetic3A = arith.constant 24 : i32
        %shift_right_arithmetic3A_133 = vector.broadcast %shift_right_arithmetic3A : i32 to vector<16xi32>
        %shift_right_arithmetic3A_134 = arith.shrsi %get3A_124, %shift_right_arithmetic3A_133 : vector<16xi32>
        %and3A = arith.constant 255 : i32
        %and3A_135 = vector.broadcast %and3A : i32 to vector<16xi32>
        %and3A_136 = arith.andi %shift_right_arithmetic3A_134, %and3A_135 : vector<16xi32>
        %shift_left3A = arith.constant 4 : i32
        %shift_left3A_137 = vector.broadcast %shift_left3A : i32 to vector<16xi32>
        %shift_left3A_138 = arith.shli %and3A_136, %shift_left3A_137 : vector<16xi32>
        %or3A = arith.ori %shift_left3A_138, %iota3A : vector<16xi32>
        %gather3A = tpu.vector_load_idx %arg12[%or3A] : memref<4096xi32, #tpu.memory_space<vmem>>[vector<16xi32>], vector<16xi32>,
        %add3A_139 = arith.constant 1 : i32
        %add3A_140 = vector.broadcast %add3A_139 : i32 to vector<16xi32>
        %add3A_141 = arith.addi %gather3A, %add3A_140 : vector<16xi32>
        tpu.vector_store_idx %arg12[%or3A], %add3A_141 : memref<4096xi32, #tpu.memory_space<vmem>>[vector<16xi32>], vector<16xi32>,
        tpu.vector_store_idx %arg13[%get3A_132], %gather3A : memref<4096xi32, #tpu.memory_space<vmem>>[vector<16xi32>], vector<16xi32>,
        %mul3A_142 = arith.constant 4096 : i32
        %mul3A_143 = arith.muli %add3A, %mul3A_142 : i32
        %add3A_144 = vector.broadcast %mul3A_143 : i32 to vector<16xi32>
        %add3A_145 = arith.addi %get3A_132, %add3A_144 : vector<16xi32>
        tpu.vector_store_idx %arg14[%gather3A], %add3A_145 : memref<4096xi32, #tpu.memory_space<vmem>>[vector<16xi32>], vector<16xi32>,
        %mul3A_146 = arith.constant 2 : i32
        %mul3A_147 = arith.muli %mul3A_146, %scan3A_117 : i32
        %add3A_148 = arith.constant 1 : i32
        %add3A_149 = arith.addi %mul3A_147, %add3A_148 : i32
        %mul3A_150 = arith.constant 16 : i32
        %mul3A_151 = arith.muli %add3A_149, %mul3A_150 : i32
        %get3A_152 = arith.index_cast %mul3A_151 : i32 to index
        %get3A_153 = tpu.vector_load %arg8[%get3A_152] {strides = array<i32>} : memref<4096xi32, #tpu.memory_space<vmem>>, vector<16xi32>,
        %mul3A_154 = arith.constant 2 : i32
        %mul3A_155 = arith.muli %mul3A_154, %scan3A_117 : i32
        %add3A_156 = arith.constant 1 : i32
        %add3A_157 = arith.addi %mul3A_155, %add3A_156 : i32
        %mul3A_158 = arith.constant 16 : i32
        %mul3A_159 = arith.muli %add3A_157, %mul3A_158 : i32
        %get3A_160 = arith.index_cast %mul3A_159 : i32 to index
        %get3A_161 = tpu.vector_load %arg10[%get3A_160] {strides = array<i32>} : memref<4096xi32, #tpu.memory_space<vmem>>, vector<16xi32>,
        %shift_right_arithmetic3A_162 = arith.constant 24 : i32
        %shift_right_arithmetic3A_163 = vector.broadcast %shift_right_arithmetic3A_162 : i32 to vector<16xi32>
        %shift_right_arithmetic3A_164 = arith.shrsi %get3A_153, %shift_right_arithmetic3A_163 : vector<16xi32>
        %and3A_165 = arith.constant 255 : i32
        %and3A_166 = vector.broadcast %and3A_165 : i32 to vector<16xi32>
        %and3A_167 = arith.andi %shift_right_arithmetic3A_164, %and3A_166 : vector<16xi32>
        %shift_left3A_168 = arith.constant 4 : i32
        %shift_left3A_169 = vector.broadcast %shift_left3A_168 : i32 to vector<16xi32>
        %shift_left3A_170 = arith.shli %and3A_167, %shift_left3A_169 : vector<16xi32>
        %or3A_171 = arith.ori %shift_left3A_170, %iota3A : vector<16xi32>
        %gather3A_172 = tpu.vector_load_idx %arg12[%or3A_171] : memref<4096xi32, #tpu.memory_space<vmem>>[vector<16xi32>], vector<16xi32>,
        %add3A_173 = arith.constant 1 : i32
        %add3A_174 = vector.broadcast %add3A_173 : i32 to vector<16xi32>
        %add3A_175 = arith.addi %gather3A_172, %add3A_174 : vector<16xi32>
        tpu.vector_store_idx %arg12[%or3A_171], %add3A_175 : memref<4096xi32, #tpu.memory_space<vmem>>[vector<16xi32>], vector<16xi32>,
        tpu.vector_store_idx %arg13[%get3A_161], %gather3A_172 : memref<4096xi32, #tpu.memory_space<vmem>>[vector<16xi32>], vector<16xi32>,
        %mul3A_176 = arith.constant 4096 : i32
        %mul3A_177 = arith.muli %add3A, %mul3A_176 : i32
        %add3A_178 = vector.broadcast %mul3A_177 : i32 to vector<16xi32>
        %add3A_179 = arith.addi %get3A_161, %add3A_178 : vector<16xi32>
        tpu.vector_store_idx %arg14[%gather3A_172], %add3A_179 : memref<4096xi32, #tpu.memory_space<vmem>>[vector<16xi32>], vector<16xi32>,
      }
      %scan3A_110 = arith.constant 128 : i32
      %scan3A_111 = arith.constant 0 : i32
      %scan3A_112 = arith.constant 0 : i32
      %scan3A_113 = arith.constant 256 : i32
      %scan3A_114 = arith.addi %scan3A_112, %scan3A_113 : i32
      %scan3A_115 = arith.constant 1 : i32
      scf.for %scan3A_117 = %scan3A_112 to %scan3A_114 step %scan3A_115  : i32 {
        %mul3A_118 = arith.constant 16 : i32
        %mul3A_119 = arith.muli %scan3A_117, %mul3A_118 : i32
        %get3A = arith.index_cast %mul3A_119 : i32 to index
        %get3A_120 = tpu.vector_load %arg13[%get3A] {strides = array<i32>} : memref<4096xi32, #tpu.memory_space<vmem>>, vector<16xi32>,
        %ge3A = arith.constant 1024 : i32
        %ge3A_121 = vector.broadcast %ge3A : i32 to vector<16xi32>
        %ge3A_122 = arith.cmpi sge, %get3A_120, %ge3A_121 : vector<16xi32>
        %jit3A = arith.constant 1.000000e+00 : f32
        %jit3A_123 = arith.constant 0.000000e+00 : f32
        %broadcast_in_dim3A_124 = vector.broadcast %jit3A : f32 to vector<16xf32>
        %broadcast_in_dim3A_125 = vector.broadcast %jit3A_123 : f32 to vector<16xf32>
        %select_n3A = arith.select %ge3A_122, %broadcast_in_dim3A_124, %broadcast_in_dim3A_125 : vector<16xi1>, vector<16xf32>
        %mul3A_126 = arith.constant 16 : i32
        %mul3A_127 = arith.muli %scan3A_117, %mul3A_126 : i32
        %swap3A = arith.index_cast %mul3A_127 : i32 to index
        %swap3A_128 = tpu.vector_load %arg15[%swap3A] {strides = array<i32>} : memref<4096xf32, #tpu.memory_space<vmem>>, vector<16xf32>,
        tpu.vector_store %arg15[%swap3A], %select_n3A {strides = array<i32>} : memref<4096xf32, #tpu.memory_space<vmem>>, vector<16xf32>,
      }
      %scan3A_116 = arith.constant 256 : i32
      "tpu.region"() ({
        %run_scoped3A = tpu.sem_alloc : memref<!tpu.dma_semaphore, #tpu.memory_space<semaphore_mem>>
        %dma_start3A = arith.constant 0 : i32
        %dma_start3A_117 = tpu.memref_slice %arg3[%add3A, %dma_start3A] : memref<8x4096xi32, #tpu.memory_space<hbm>> -> memref<1x4096xi32, #tpu.memory_space<hbm>>
        %dma_start3A_118 = tpu.memref_squeeze %dma_start3A_117 : memref<1x4096xi32, #tpu.memory_space<hbm>> -> memref<4096xi32, #tpu.memory_space<hbm>>
        %dma_start3A_119 = arith.constant 0 : i32
        %dma_start3A_120 = tpu.memref_slice %arg3[%add3A, %dma_start3A_119] : memref<8x4096xi32, #tpu.memory_space<hbm>> -> memref<1x4096xi32, #tpu.memory_space<hbm>>
        %dma_start3A_121 = tpu.memref_squeeze %dma_start3A_120 : memref<1x4096xi32, #tpu.memory_space<hbm>> -> memref<4096xi32, #tpu.memory_space<hbm>>
        tpu.enqueue_dma source(%arg13 : memref<4096xi32, #tpu.memory_space<vmem>>) target(%dma_start3A_121 : memref<4096xi32, #tpu.memory_space<hbm>>) target_semaphore(%run_scoped3A : memref<!tpu.dma_semaphore, #tpu.memory_space<semaphore_mem>>)
        %dma_wait3A = arith.constant 0 : i32
        %dma_wait3A_122 = tpu.memref_slice %arg3[%add3A, %dma_wait3A] : memref<8x4096xi32, #tpu.memory_space<hbm>> -> memref<1x4096xi32, #tpu.memory_space<hbm>>
        %dma_wait3A_123 = tpu.memref_squeeze %dma_wait3A_122 : memref<1x4096xi32, #tpu.memory_space<hbm>> -> memref<4096xi32, #tpu.memory_space<hbm>>
        %dma_wait3A_124 = arith.constant 0 : i32
        %dma_wait3A_125 = tpu.memref_slice %arg3[%add3A, %dma_wait3A_124] : memref<8x4096xi32, #tpu.memory_space<hbm>> -> memref<1x4096xi32, #tpu.memory_space<hbm>>
        %dma_wait3A_126 = tpu.memref_squeeze %dma_wait3A_125 : memref<1x4096xi32, #tpu.memory_space<hbm>> -> memref<4096xi32, #tpu.memory_space<hbm>>
        tpu.wait_dma2 semaphore(%run_scoped3A : memref<!tpu.dma_semaphore, #tpu.memory_space<semaphore_mem>>) src(%arg13 : memref<4096xi32, #tpu.memory_space<vmem>>) dst(%dma_wait3A_126 : memref<4096xi32, #tpu.memory_space<hbm>>)
        tpu.yield
      }) : () -> ()
      "tpu.region"() ({
        %run_scoped3A = tpu.sem_alloc : memref<!tpu.dma_semaphore, #tpu.memory_space<semaphore_mem>>
        %dma_start3A = arith.constant 0 : i32
        %dma_start3A_117 = tpu.memref_slice %arg4[%add3A, %dma_start3A] : memref<8x4096xf32, #tpu.memory_space<hbm>> -> memref<1x4096xf32, #tpu.memory_space<hbm>>
        %dma_start3A_118 = tpu.memref_squeeze %dma_start3A_117 : memref<1x4096xf32, #tpu.memory_space<hbm>> -> memref<4096xf32, #tpu.memory_space<hbm>>
        %dma_start3A_119 = arith.constant 0 : i32
        %dma_start3A_120 = tpu.memref_slice %arg4[%add3A, %dma_start3A_119] : memref<8x4096xf32, #tpu.memory_space<hbm>> -> memref<1x4096xf32, #tpu.memory_space<hbm>>
        %dma_start3A_121 = tpu.memref_squeeze %dma_start3A_120 : memref<1x4096xf32, #tpu.memory_space<hbm>> -> memref<4096xf32, #tpu.memory_space<hbm>>
        tpu.enqueue_dma source(%arg15 : memref<4096xf32, #tpu.memory_space<vmem>>) target(%dma_start3A_121 : memref<4096xf32, #tpu.memory_space<hbm>>) target_semaphore(%run_scoped3A : memref<!tpu.dma_semaphore, #tpu.memory_space<semaphore_mem>>)
        %dma_wait3A = arith.constant 0 : i32
        %dma_wait3A_122 = tpu.memref_slice %arg4[%add3A, %dma_wait3A] : memref<8x4096xf32, #tpu.memory_space<hbm>> -> memref<1x4096xf32, #tpu.memory_space<hbm>>
        %dma_wait3A_123 = tpu.memref_squeeze %dma_wait3A_122 : memref<1x4096xf32, #tpu.memory_space<hbm>> -> memref<4096xf32, #tpu.memory_space<hbm>>
        %dma_wait3A_124 = arith.constant 0 : i32
        %dma_wait3A_125 = tpu.memref_slice %arg4[%add3A, %dma_wait3A_124] : memref<8x4096xf32, #tpu.memory_space<hbm>> -> memref<1x4096xf32, #tpu.memory_space<hbm>>
        %dma_wait3A_126 = tpu.memref_squeeze %dma_wait3A_125 : memref<1x4096xf32, #tpu.memory_space<hbm>> -> memref<4096xf32, #tpu.memory_space<hbm>>
        tpu.wait_dma2 semaphore(%run_scoped3A : memref<!tpu.dma_semaphore, #tpu.memory_space<semaphore_mem>>) src(%arg15 : memref<4096xf32, #tpu.memory_space<vmem>>) dst(%dma_wait3A_126 : memref<4096xf32, #tpu.memory_space<hbm>>)
        tpu.yield
      }) : () -> ()
      "tpu.region"() ({
        %run_scoped3A = tpu.sem_alloc : memref<!tpu.dma_semaphore, #tpu.memory_space<semaphore_mem>>
        %dma_start3A = arith.constant 0 : i32
        %dma_start3A_117 = tpu.memref_slice %arg5[%add3A, %dma_start3A] : memref<8x4096xi32, #tpu.memory_space<hbm>> -> memref<1x4096xi32, #tpu.memory_space<hbm>>
        %dma_start3A_118 = tpu.memref_squeeze %dma_start3A_117 : memref<1x4096xi32, #tpu.memory_space<hbm>> -> memref<4096xi32, #tpu.memory_space<hbm>>
        %dma_start3A_119 = arith.constant 0 : i32
        %dma_start3A_120 = tpu.memref_slice %arg5[%add3A, %dma_start3A_119] : memref<8x4096xi32, #tpu.memory_space<hbm>> -> memref<1x4096xi32, #tpu.memory_space<hbm>>
        %dma_start3A_121 = tpu.memref_squeeze %dma_start3A_120 : memref<1x4096xi32, #tpu.memory_space<hbm>> -> memref<4096xi32, #tpu.memory_space<hbm>>
        tpu.enqueue_dma source(%arg14 : memref<4096xi32, #tpu.memory_space<vmem>>) target(%dma_start3A_121 : memref<4096xi32, #tpu.memory_space<hbm>>) target_semaphore(%run_scoped3A : memref<!tpu.dma_semaphore, #tpu.memory_space<semaphore_mem>>)
        %dma_wait3A = arith.constant 0 : i32
        %dma_wait3A_122 = tpu.memref_slice %arg5[%add3A, %dma_wait3A] : memref<8x4096xi32, #tpu.memory_space<hbm>> -> memref<1x4096xi32, #tpu.memory_space<hbm>>
        %dma_wait3A_123 = tpu.memref_squeeze %dma_wait3A_122 : memref<1x4096xi32, #tpu.memory_space<hbm>> -> memref<4096xi32, #tpu.memory_space<hbm>>
        %dma_wait3A_124 = arith.constant 0 : i32
        %dma_wait3A_125 = tpu.memref_slice %arg5[%add3A, %dma_wait3A_124] : memref<8x4096xi32, #tpu.memory_space<hbm>> -> memref<1x4096xi32, #tpu.memory_space<hbm>>
        %dma_wait3A_126 = tpu.memref_squeeze %dma_wait3A_125 : memref<1x4096xi32, #tpu.memory_space<hbm>> -> memref<4096xi32, #tpu.memory_space<hbm>>
        tpu.wait_dma2 semaphore(%run_scoped3A : memref<!tpu.dma_semaphore, #tpu.memory_space<semaphore_mem>>) src(%arg14 : memref<4096xi32, #tpu.memory_space<vmem>>) dst(%dma_wait3A_126 : memref<4096xi32, #tpu.memory_space<hbm>>)
        tpu.yield
      }) : () -> ()
    } else {
    }
    return
  }
}

#map = affine_map<(d0, d1) -> (0, 0)>
#map1 = affine_map<(d0, d1) -> (0)>
module attributes {stable_mosaic.version = 14 : i64} {
  func.func @_gather_body(%arg0: i32, %arg1: i32, %arg2: memref<32768x384xf32, #tpu.memory_space<hbm>>, %arg3: memref<8x32768xf32, #tpu.memory_space<hbm>>, %arg4: memref<8x4096xi32, #tpu.memory_space<hbm>>, %arg5: memref<8192x384xf32, #tpu.memory_space<hbm>>, %arg6: memref<196608xf32, #tpu.memory_space<hbm>>, %arg7: memref<4x64xi32, #tpu.memory_space<vmem>>, %arg8: memref<64x384xf32, #tpu.memory_space<vmem>>, %arg9: memref<64x384xf32, #tpu.memory_space<vmem>>, %arg10: memref<1024xi32, #tpu.memory_space<vmem>>, %arg11: memref<32768xf32, #tpu.memory_space<vmem>>, %arg12: memref<1024xf32, #tpu.memory_space<vmem>>, %arg13: memref<1024xf32, #tpu.memory_space<vmem>>, %arg14: memref<1024xf32, #tpu.memory_space<vmem>>, %arg15: memref<1024xf32, #tpu.memory_space<vmem>>, %arg16: memref<1024xf32, #tpu.memory_space<vmem>>, %arg17: memref<1024xf32, #tpu.memory_space<vmem>>, %arg18: memref<!tpu.dma_semaphore, #tpu.memory_space<semaphore_mem>>, %arg19: memref<!tpu.dma_semaphore, #tpu.memory_space<semaphore_mem>>) attributes {dimension_semantics = [#tpu.dimension_semantics<core_parallel>, #tpu.dimension_semantics<subcore_parallel>], iteration_bounds = array<i64: 2, 16>, scalar_prefetch = 0 : i64, scratch_operands = 13 : i64, tpu.core_type = #tpu.core_type<sc_vector_subcore>, window_params = [{transform_indices = #map}, {transform_indices = #map}, {transform_indices = #map}, {transform_indices = #map}, {transform_indices = #map1}]} {
    %mul3A = arith.constant 4 : i32
    %mul3A_0 = arith.muli %arg0, %mul3A : i32
    %jit3A = arith.constant 4 : i32
    %div3A = arith.divsi %arg1, %jit3A : i32
    %sign3A = arith.constant 0 : i32
    %sign3A_1 = arith.cmpi sgt, %arg1, %sign3A : i32
    %sign3A_2 = arith.extui %sign3A_1 : i1 to i32
    %sign3A_3 = arith.constant 0 : i32
    %sign3A_4 = arith.cmpi slt, %arg1, %sign3A_3 : i32
    %sign3A_5 = arith.extui %sign3A_4 : i1 to i32
    %sign3A_6 = arith.subi %sign3A_2, %sign3A_5 : i32
    %sign3A_7 = arith.constant 0 : i32
    %sign3A_8 = arith.cmpi sgt, %jit3A, %sign3A_7 : i32
    %sign3A_9 = arith.extui %sign3A_8 : i1 to i32
    %sign3A_10 = arith.constant 0 : i32
    %sign3A_11 = arith.cmpi slt, %jit3A, %sign3A_10 : i32
    %sign3A_12 = arith.extui %sign3A_11 : i1 to i32
    %sign3A_13 = arith.subi %sign3A_9, %sign3A_12 : i32
    %ne3A = arith.cmpi ne, %sign3A_6, %sign3A_13 : i32
    %rem3A = arith.remsi %arg1, %jit3A : i32
    %ne3A_14 = arith.constant 0 : i32
    %ne3A_15 = arith.cmpi ne, %rem3A, %ne3A_14 : i32
    %and3A = arith.andi %ne3A, %ne3A_15 : i1
    %sub3A = arith.constant 1 : i32
    %sub3A_16 = arith.subi %div3A, %sub3A : i32
    %select_n3A = arith.select %and3A, %sub3A_16, %div3A : i32
    %add3A = arith.addi %mul3A_0, %select_n3A : i32
    %jit3A_17 = arith.constant 4 : i32
    %eq3A = arith.constant 0 : i32
    %eq3A_18 = arith.cmpi eq, %jit3A_17, %eq3A : i32
    %jit3A_19 = arith.constant 1 : i32
    %select_n3A_20 = arith.select %eq3A_18, %jit3A_19, %jit3A_17 : i32
    %rem3A_21 = arith.remsi %arg1, %select_n3A_20 : i32
    %ne3A_22 = arith.constant 0 : i32
    %ne3A_23 = arith.cmpi ne, %rem3A_21, %ne3A_22 : i32
    %lt3A = arith.constant 0 : i32
    %lt3A_24 = arith.cmpi slt, %rem3A_21, %lt3A : i32
    %lt3A_25 = arith.constant 0 : i32
    %lt3A_26 = arith.cmpi slt, %select_n3A_20, %lt3A_25 : i32
    %ne3A_27 = arith.xori %lt3A_24, %lt3A_26 : i1
    %and3A_28 = arith.andi %ne3A_27, %ne3A_23 : i1
    %add3A_29 = arith.addi %rem3A_21, %select_n3A_20 : i32
    %select_n3A_30 = arith.select %and3A_28, %add3A_29, %rem3A_21 : i32
    %mul3A_31 = arith.constant 256 : i32
    %mul3A_32 = arith.muli %select_n3A_30, %mul3A_31 : i32
    %add3A_33 = arith.constant 0 : i32
    %add3A_34 = arith.addi %mul3A_32, %add3A_33 : i32
    %run_scoped3A = arith.constant 0 : i32
    "tpu.region"() ({
      %run_scoped3A_147 = tpu.sem_alloc : memref<!tpu.dma_semaphore, #tpu.memory_space<semaphore_mem>>
      %dma_start3A_148 = arith.constant 0 : i32
      %dma_start3A_149 = tpu.memref_slice %arg7[%run_scoped3A, %dma_start3A_148] : memref<4x64xi32, #tpu.memory_space<vmem>> -> memref<1x64xi32, #tpu.memory_space<vmem>>
      %dma_start3A_150 = tpu.memref_squeeze %dma_start3A_149 : memref<1x64xi32, #tpu.memory_space<vmem>> -> memref<64xi32, #tpu.memory_space<vmem>>
      %dma_start3A_151 = tpu.memref_slice %arg4[%add3A, %add3A_34] : memref<8x4096xi32, #tpu.memory_space<hbm>> -> memref<1x64xi32, #tpu.memory_space<hbm>>
      %dma_start3A_152 = tpu.memref_squeeze %dma_start3A_151 : memref<1x64xi32, #tpu.memory_space<hbm>> -> memref<64xi32, #tpu.memory_space<hbm>>
      %dma_start3A_153 = arith.constant 0 : i32
      %dma_start3A_154 = tpu.memref_slice %arg7[%run_scoped3A, %dma_start3A_153] : memref<4x64xi32, #tpu.memory_space<vmem>> -> memref<1x64xi32, #tpu.memory_space<vmem>>
      %dma_start3A_155 = tpu.memref_squeeze %dma_start3A_154 : memref<1x64xi32, #tpu.memory_space<vmem>> -> memref<64xi32, #tpu.memory_space<vmem>>
      %dma_start3A_156 = tpu.memref_slice %arg4[%add3A, %add3A_34] : memref<8x4096xi32, #tpu.memory_space<hbm>> -> memref<1x64xi32, #tpu.memory_space<hbm>>
      %dma_start3A_157 = tpu.memref_squeeze %dma_start3A_156 : memref<1x64xi32, #tpu.memory_space<hbm>> -> memref<64xi32, #tpu.memory_space<hbm>>
      tpu.enqueue_dma source(%dma_start3A_157 : memref<64xi32, #tpu.memory_space<hbm>>) target(%dma_start3A_155 : memref<64xi32, #tpu.memory_space<vmem>>) target_semaphore(%run_scoped3A_147 : memref<!tpu.dma_semaphore, #tpu.memory_space<semaphore_mem>>)
      %dma_wait3A_158 = arith.constant 0 : i32
      %dma_wait3A_159 = tpu.memref_slice %arg7[%run_scoped3A, %dma_wait3A_158] : memref<4x64xi32, #tpu.memory_space<vmem>> -> memref<1x64xi32, #tpu.memory_space<vmem>>
      %dma_wait3A_160 = tpu.memref_squeeze %dma_wait3A_159 : memref<1x64xi32, #tpu.memory_space<vmem>> -> memref<64xi32, #tpu.memory_space<vmem>>
      %dma_wait3A_161 = tpu.memref_slice %arg4[%add3A, %add3A_34] : memref<8x4096xi32, #tpu.memory_space<hbm>> -> memref<1x64xi32, #tpu.memory_space<hbm>>
      %dma_wait3A_162 = tpu.memref_squeeze %dma_wait3A_161 : memref<1x64xi32, #tpu.memory_space<hbm>> -> memref<64xi32, #tpu.memory_space<hbm>>
      %dma_wait3A_163 = arith.constant 0 : i32
      %dma_wait3A_164 = tpu.memref_slice %arg7[%run_scoped3A, %dma_wait3A_163] : memref<4x64xi32, #tpu.memory_space<vmem>> -> memref<1x64xi32, #tpu.memory_space<vmem>>
      %dma_wait3A_165 = tpu.memref_squeeze %dma_wait3A_164 : memref<1x64xi32, #tpu.memory_space<vmem>> -> memref<64xi32, #tpu.memory_space<vmem>>
      %dma_wait3A_166 = tpu.memref_slice %arg4[%add3A, %add3A_34] : memref<8x4096xi32, #tpu.memory_space<hbm>> -> memref<1x64xi32, #tpu.memory_space<hbm>>
      %dma_wait3A_167 = tpu.memref_squeeze %dma_wait3A_166 : memref<1x64xi32, #tpu.memory_space<hbm>> -> memref<64xi32, #tpu.memory_space<hbm>>
      tpu.wait_dma2 semaphore(%run_scoped3A_147 : memref<!tpu.dma_semaphore, #tpu.memory_space<semaphore_mem>>) src(%dma_wait3A_167 : memref<64xi32, #tpu.memory_space<hbm>>) dst(%dma_wait3A_165 : memref<64xi32, #tpu.memory_space<vmem>>)
      tpu.yield
    }) : () -> ()
    %mul3A_35 = arith.constant 256 : i32
    %mul3A_36 = arith.muli %select_n3A_30, %mul3A_35 : i32
    %add3A_37 = arith.constant 64 : i32
    %add3A_38 = arith.addi %mul3A_36, %add3A_37 : i32
    %run_scoped3A_39 = arith.constant 1 : i32
    "tpu.region"() ({
      %run_scoped3A_147 = tpu.sem_alloc : memref<!tpu.dma_semaphore, #tpu.memory_space<semaphore_mem>>
      %dma_start3A_148 = arith.constant 0 : i32
      %dma_start3A_149 = tpu.memref_slice %arg7[%run_scoped3A_39, %dma_start3A_148] : memref<4x64xi32, #tpu.memory_space<vmem>> -> memref<1x64xi32, #tpu.memory_space<vmem>>
      %dma_start3A_150 = tpu.memref_squeeze %dma_start3A_149 : memref<1x64xi32, #tpu.memory_space<vmem>> -> memref<64xi32, #tpu.memory_space<vmem>>
      %dma_start3A_151 = tpu.memref_slice %arg4[%add3A, %add3A_38] : memref<8x4096xi32, #tpu.memory_space<hbm>> -> memref<1x64xi32, #tpu.memory_space<hbm>>
      %dma_start3A_152 = tpu.memref_squeeze %dma_start3A_151 : memref<1x64xi32, #tpu.memory_space<hbm>> -> memref<64xi32, #tpu.memory_space<hbm>>
      %dma_start3A_153 = arith.constant 0 : i32
      %dma_start3A_154 = tpu.memref_slice %arg7[%run_scoped3A_39, %dma_start3A_153] : memref<4x64xi32, #tpu.memory_space<vmem>> -> memref<1x64xi32, #tpu.memory_space<vmem>>
      %dma_start3A_155 = tpu.memref_squeeze %dma_start3A_154 : memref<1x64xi32, #tpu.memory_space<vmem>> -> memref<64xi32, #tpu.memory_space<vmem>>
      %dma_start3A_156 = tpu.memref_slice %arg4[%add3A, %add3A_38] : memref<8x4096xi32, #tpu.memory_space<hbm>> -> memref<1x64xi32, #tpu.memory_space<hbm>>
      %dma_start3A_157 = tpu.memref_squeeze %dma_start3A_156 : memref<1x64xi32, #tpu.memory_space<hbm>> -> memref<64xi32, #tpu.memory_space<hbm>>
      tpu.enqueue_dma source(%dma_start3A_157 : memref<64xi32, #tpu.memory_space<hbm>>) target(%dma_start3A_155 : memref<64xi32, #tpu.memory_space<vmem>>) target_semaphore(%run_scoped3A_147 : memref<!tpu.dma_semaphore, #tpu.memory_space<semaphore_mem>>)
      %dma_wait3A_158 = arith.constant 0 : i32
      %dma_wait3A_159 = tpu.memref_slice %arg7[%run_scoped3A_39, %dma_wait3A_158] : memref<4x64xi32, #tpu.memory_space<vmem>> -> memref<1x64xi32, #tpu.memory_space<vmem>>
      %dma_wait3A_160 = tpu.memref_squeeze %dma_wait3A_159 : memref<1x64xi32, #tpu.memory_space<vmem>> -> memref<64xi32, #tpu.memory_space<vmem>>
      %dma_wait3A_161 = tpu.memref_slice %arg4[%add3A, %add3A_38] : memref<8x4096xi32, #tpu.memory_space<hbm>> -> memref<1x64xi32, #tpu.memory_space<hbm>>
      %dma_wait3A_162 = tpu.memref_squeeze %dma_wait3A_161 : memref<1x64xi32, #tpu.memory_space<hbm>> -> memref<64xi32, #tpu.memory_space<hbm>>
      %dma_wait3A_163 = arith.constant 0 : i32
      %dma_wait3A_164 = tpu.memref_slice %arg7[%run_scoped3A_39, %dma_wait3A_163] : memref<4x64xi32, #tpu.memory_space<vmem>> -> memref<1x64xi32, #tpu.memory_space<vmem>>
      %dma_wait3A_165 = tpu.memref_squeeze %dma_wait3A_164 : memref<1x64xi32, #tpu.memory_space<vmem>> -> memref<64xi32, #tpu.memory_space<vmem>>
      %dma_wait3A_166 = tpu.memref_slice %arg4[%add3A, %add3A_38] : memref<8x4096xi32, #tpu.memory_space<hbm>> -> memref<1x64xi32, #tpu.memory_space<hbm>>
      %dma_wait3A_167 = tpu.memref_squeeze %dma_wait3A_166 : memref<1x64xi32, #tpu.memory_space<hbm>> -> memref<64xi32, #tpu.memory_space<hbm>>
      tpu.wait_dma2 semaphore(%run_scoped3A_147 : memref<!tpu.dma_semaphore, #tpu.memory_space<semaphore_mem>>) src(%dma_wait3A_167 : memref<64xi32, #tpu.memory_space<hbm>>) dst(%dma_wait3A_165 : memref<64xi32, #tpu.memory_space<vmem>>)
      tpu.yield
    }) : () -> ()
    %mul3A_40 = arith.constant 256 : i32
    %mul3A_41 = arith.muli %select_n3A_30, %mul3A_40 : i32
    %add3A_42 = arith.constant 128 : i32
    %add3A_43 = arith.addi %mul3A_41, %add3A_42 : i32
    %run_scoped3A_44 = arith.constant 2 : i32
    "tpu.region"() ({
      %run_scoped3A_147 = tpu.sem_alloc : memref<!tpu.dma_semaphore, #tpu.memory_space<semaphore_mem>>
      %dma_start3A_148 = arith.constant 0 : i32
      %dma_start3A_149 = tpu.memref_slice %arg7[%run_scoped3A_44, %dma_start3A_148] : memref<4x64xi32, #tpu.memory_space<vmem>> -> memref<1x64xi32, #tpu.memory_space<vmem>>
      %dma_start3A_150 = tpu.memref_squeeze %dma_start3A_149 : memref<1x64xi32, #tpu.memory_space<vmem>> -> memref<64xi32, #tpu.memory_space<vmem>>
      %dma_start3A_151 = tpu.memref_slice %arg4[%add3A, %add3A_43] : memref<8x4096xi32, #tpu.memory_space<hbm>> -> memref<1x64xi32, #tpu.memory_space<hbm>>
      %dma_start3A_152 = tpu.memref_squeeze %dma_start3A_151 : memref<1x64xi32, #tpu.memory_space<hbm>> -> memref<64xi32, #tpu.memory_space<hbm>>
      %dma_start3A_153 = arith.constant 0 : i32
      %dma_start3A_154 = tpu.memref_slice %arg7[%run_scoped3A_44, %dma_start3A_153] : memref<4x64xi32, #tpu.memory_space<vmem>> -> memref<1x64xi32, #tpu.memory_space<vmem>>
      %dma_start3A_155 = tpu.memref_squeeze %dma_start3A_154 : memref<1x64xi32, #tpu.memory_space<vmem>> -> memref<64xi32, #tpu.memory_space<vmem>>
      %dma_start3A_156 = tpu.memref_slice %arg4[%add3A, %add3A_43] : memref<8x4096xi32, #tpu.memory_space<hbm>> -> memref<1x64xi32, #tpu.memory_space<hbm>>
      %dma_start3A_157 = tpu.memref_squeeze %dma_start3A_156 : memref<1x64xi32, #tpu.memory_space<hbm>> -> memref<64xi32, #tpu.memory_space<hbm>>
      tpu.enqueue_dma source(%dma_start3A_157 : memref<64xi32, #tpu.memory_space<hbm>>) target(%dma_start3A_155 : memref<64xi32, #tpu.memory_space<vmem>>) target_semaphore(%run_scoped3A_147 : memref<!tpu.dma_semaphore, #tpu.memory_space<semaphore_mem>>)
      %dma_wait3A_158 = arith.constant 0 : i32
      %dma_wait3A_159 = tpu.memref_slice %arg7[%run_scoped3A_44, %dma_wait3A_158] : memref<4x64xi32, #tpu.memory_space<vmem>> -> memref<1x64xi32, #tpu.memory_space<vmem>>
      %dma_wait3A_160 = tpu.memref_squeeze %dma_wait3A_159 : memref<1x64xi32, #tpu.memory_space<vmem>> -> memref<64xi32, #tpu.memory_space<vmem>>
      %dma_wait3A_161 = tpu.memref_slice %arg4[%add3A, %add3A_43] : memref<8x4096xi32, #tpu.memory_space<hbm>> -> memref<1x64xi32, #tpu.memory_space<hbm>>
      %dma_wait3A_162 = tpu.memref_squeeze %dma_wait3A_161 : memref<1x64xi32, #tpu.memory_space<hbm>> -> memref<64xi32, #tpu.memory_space<hbm>>
      %dma_wait3A_163 = arith.constant 0 : i32
      %dma_wait3A_164 = tpu.memref_slice %arg7[%run_scoped3A_44, %dma_wait3A_163] : memref<4x64xi32, #tpu.memory_space<vmem>> -> memref<1x64xi32, #tpu.memory_space<vmem>>
      %dma_wait3A_165 = tpu.memref_squeeze %dma_wait3A_164 : memref<1x64xi32, #tpu.memory_space<vmem>> -> memref<64xi32, #tpu.memory_space<vmem>>
      %dma_wait3A_166 = tpu.memref_slice %arg4[%add3A, %add3A_43] : memref<8x4096xi32, #tpu.memory_space<hbm>> -> memref<1x64xi32, #tpu.memory_space<hbm>>
      %dma_wait3A_167 = tpu.memref_squeeze %dma_wait3A_166 : memref<1x64xi32, #tpu.memory_space<hbm>> -> memref<64xi32, #tpu.memory_space<hbm>>
      tpu.wait_dma2 semaphore(%run_scoped3A_147 : memref<!tpu.dma_semaphore, #tpu.memory_space<semaphore_mem>>) src(%dma_wait3A_167 : memref<64xi32, #tpu.memory_space<hbm>>) dst(%dma_wait3A_165 : memref<64xi32, #tpu.memory_space<vmem>>)
      tpu.yield
    }) : () -> ()
    %mul3A_45 = arith.constant 256 : i32
    %mul3A_46 = arith.muli %select_n3A_30, %mul3A_45 : i32
    %add3A_47 = arith.constant 192 : i32
    %add3A_48 = arith.addi %mul3A_46, %add3A_47 : i32
    %run_scoped3A_49 = arith.constant 3 : i32
    "tpu.region"() ({
      %run_scoped3A_147 = tpu.sem_alloc : memref<!tpu.dma_semaphore, #tpu.memory_space<semaphore_mem>>
      %dma_start3A_148 = arith.constant 0 : i32
      %dma_start3A_149 = tpu.memref_slice %arg7[%run_scoped3A_49, %dma_start3A_148] : memref<4x64xi32, #tpu.memory_space<vmem>> -> memref<1x64xi32, #tpu.memory_space<vmem>>
      %dma_start3A_150 = tpu.memref_squeeze %dma_start3A_149 : memref<1x64xi32, #tpu.memory_space<vmem>> -> memref<64xi32, #tpu.memory_space<vmem>>
      %dma_start3A_151 = tpu.memref_slice %arg4[%add3A, %add3A_48] : memref<8x4096xi32, #tpu.memory_space<hbm>> -> memref<1x64xi32, #tpu.memory_space<hbm>>
      %dma_start3A_152 = tpu.memref_squeeze %dma_start3A_151 : memref<1x64xi32, #tpu.memory_space<hbm>> -> memref<64xi32, #tpu.memory_space<hbm>>
      %dma_start3A_153 = arith.constant 0 : i32
      %dma_start3A_154 = tpu.memref_slice %arg7[%run_scoped3A_49, %dma_start3A_153] : memref<4x64xi32, #tpu.memory_space<vmem>> -> memref<1x64xi32, #tpu.memory_space<vmem>>
      %dma_start3A_155 = tpu.memref_squeeze %dma_start3A_154 : memref<1x64xi32, #tpu.memory_space<vmem>> -> memref<64xi32, #tpu.memory_space<vmem>>
      %dma_start3A_156 = tpu.memref_slice %arg4[%add3A, %add3A_48] : memref<8x4096xi32, #tpu.memory_space<hbm>> -> memref<1x64xi32, #tpu.memory_space<hbm>>
      %dma_start3A_157 = tpu.memref_squeeze %dma_start3A_156 : memref<1x64xi32, #tpu.memory_space<hbm>> -> memref<64xi32, #tpu.memory_space<hbm>>
      tpu.enqueue_dma source(%dma_start3A_157 : memref<64xi32, #tpu.memory_space<hbm>>) target(%dma_start3A_155 : memref<64xi32, #tpu.memory_space<vmem>>) target_semaphore(%run_scoped3A_147 : memref<!tpu.dma_semaphore, #tpu.memory_space<semaphore_mem>>)
      %dma_wait3A_158 = arith.constant 0 : i32
      %dma_wait3A_159 = tpu.memref_slice %arg7[%run_scoped3A_49, %dma_wait3A_158] : memref<4x64xi32, #tpu.memory_space<vmem>> -> memref<1x64xi32, #tpu.memory_space<vmem>>
      %dma_wait3A_160 = tpu.memref_squeeze %dma_wait3A_159 : memref<1x64xi32, #tpu.memory_space<vmem>> -> memref<64xi32, #tpu.memory_space<vmem>>
      %dma_wait3A_161 = tpu.memref_slice %arg4[%add3A, %add3A_48] : memref<8x4096xi32, #tpu.memory_space<hbm>> -> memref<1x64xi32, #tpu.memory_space<hbm>>
      %dma_wait3A_162 = tpu.memref_squeeze %dma_wait3A_161 : memref<1x64xi32, #tpu.memory_space<hbm>> -> memref<64xi32, #tpu.memory_space<hbm>>
      %dma_wait3A_163 = arith.constant 0 : i32
      %dma_wait3A_164 = tpu.memref_slice %arg7[%run_scoped3A_49, %dma_wait3A_163] : memref<4x64xi32, #tpu.memory_space<vmem>> -> memref<1x64xi32, #tpu.memory_space<vmem>>
      %dma_wait3A_165 = tpu.memref_squeeze %dma_wait3A_164 : memref<1x64xi32, #tpu.memory_space<vmem>> -> memref<64xi32, #tpu.memory_space<vmem>>
      %dma_wait3A_166 = tpu.memref_slice %arg4[%add3A, %add3A_48] : memref<8x4096xi32, #tpu.memory_space<hbm>> -> memref<1x64xi32, #tpu.memory_space<hbm>>
      %dma_wait3A_167 = tpu.memref_squeeze %dma_wait3A_166 : memref<1x64xi32, #tpu.memory_space<hbm>> -> memref<64xi32, #tpu.memory_space<hbm>>
      tpu.wait_dma2 semaphore(%run_scoped3A_147 : memref<!tpu.dma_semaphore, #tpu.memory_space<semaphore_mem>>) src(%dma_wait3A_167 : memref<64xi32, #tpu.memory_space<hbm>>) dst(%dma_wait3A_165 : memref<64xi32, #tpu.memory_space<vmem>>)
      tpu.yield
    }) : () -> ()
    %mul3A_50 = arith.constant 1024 : i32
    %mul3A_51 = arith.muli %select_n3A_30, %mul3A_50 : i32
    "tpu.region"() ({
      %run_scoped3A_147 = tpu.sem_alloc : memref<!tpu.dma_semaphore, #tpu.memory_space<semaphore_mem>>
      %dma_start3A_148 = tpu.memref_slice %arg4[%add3A, %mul3A_51] : memref<8x4096xi32, #tpu.memory_space<hbm>> -> memref<1x1024xi32, #tpu.memory_space<hbm>>
      %dma_start3A_149 = tpu.memref_squeeze %dma_start3A_148 : memref<1x1024xi32, #tpu.memory_space<hbm>> -> memref<1024xi32, #tpu.memory_space<hbm>>
      %dma_start3A_150 = tpu.memref_slice %arg4[%add3A, %mul3A_51] : memref<8x4096xi32, #tpu.memory_space<hbm>> -> memref<1x1024xi32, #tpu.memory_space<hbm>>
      %dma_start3A_151 = tpu.memref_squeeze %dma_start3A_150 : memref<1x1024xi32, #tpu.memory_space<hbm>> -> memref<1024xi32, #tpu.memory_space<hbm>>
      tpu.enqueue_dma source(%dma_start3A_151 : memref<1024xi32, #tpu.memory_space<hbm>>) target(%arg10 : memref<1024xi32, #tpu.memory_space<vmem>>) target_semaphore(%run_scoped3A_147 : memref<!tpu.dma_semaphore, #tpu.memory_space<semaphore_mem>>)
      %dma_wait3A_152 = tpu.memref_slice %arg4[%add3A, %mul3A_51] : memref<8x4096xi32, #tpu.memory_space<hbm>> -> memref<1x1024xi32, #tpu.memory_space<hbm>>
      %dma_wait3A_153 = tpu.memref_squeeze %dma_wait3A_152 : memref<1x1024xi32, #tpu.memory_space<hbm>> -> memref<1024xi32, #tpu.memory_space<hbm>>
      %dma_wait3A_154 = tpu.memref_slice %arg4[%add3A, %mul3A_51] : memref<8x4096xi32, #tpu.memory_space<hbm>> -> memref<1x1024xi32, #tpu.memory_space<hbm>>
      %dma_wait3A_155 = tpu.memref_squeeze %dma_wait3A_154 : memref<1x1024xi32, #tpu.memory_space<hbm>> -> memref<1024xi32, #tpu.memory_space<hbm>>
      tpu.wait_dma2 semaphore(%run_scoped3A_147 : memref<!tpu.dma_semaphore, #tpu.memory_space<semaphore_mem>>) src(%dma_wait3A_155 : memref<1024xi32, #tpu.memory_space<hbm>>) dst(%arg10 : memref<1024xi32, #tpu.memory_space<vmem>>)
      tpu.yield
    }) : () -> ()
    %dma_start3A = arith.constant 0 : i32
    %dma_start3A_52 = arith.constant 0 : i32
    %dma_start3A_53 = tpu.memref_slice %arg7[%dma_start3A, %dma_start3A_52] : memref<4x64xi32, #tpu.memory_space<vmem>> -> memref<1x64xi32, #tpu.memory_space<vmem>>
    %dma_start3A_54 = tpu.memref_squeeze %dma_start3A_53 : memref<1x64xi32, #tpu.memory_space<vmem>> -> memref<64xi32, #tpu.memory_space<vmem>>
    %dma_start3A_55 = arith.constant 0 : i32
    %dma_start3A_56 = arith.constant 0 : i32
    %dma_start3A_57 = tpu.memref_slice %arg2[%dma_start3A_55, %dma_start3A_56] : memref<32768x384xf32, #tpu.memory_space<hbm>> -> memref<32768x384xf32, #tpu.memory_space<hbm>>
    tpu.enqueue_indirect_dma source(%dma_start3A_57 : memref<32768x384xf32, #tpu.memory_space<hbm>>) target(%arg8 : memref<64x384xf32, #tpu.memory_space<vmem>>) offsets(%dma_start3A_54 : memref<64xi32, #tpu.memory_space<vmem>>) semaphore(%arg18 : memref<!tpu.dma_semaphore, #tpu.memory_space<semaphore_mem>>)
    "tpu.region"() ({
      %run_scoped3A_147 = tpu.sem_alloc : memref<!tpu.dma_semaphore, #tpu.memory_space<semaphore_mem>>
      %dma_start3A_148 = arith.constant 0 : i32
      %dma_start3A_149 = tpu.memref_slice %arg3[%add3A, %dma_start3A_148] : memref<8x32768xf32, #tpu.memory_space<hbm>> -> memref<1x32768xf32, #tpu.memory_space<hbm>>
      %dma_start3A_150 = tpu.memref_squeeze %dma_start3A_149 : memref<1x32768xf32, #tpu.memory_space<hbm>> -> memref<32768xf32, #tpu.memory_space<hbm>>
      %dma_start3A_151 = arith.constant 0 : i32
      %dma_start3A_152 = tpu.memref_slice %arg3[%add3A, %dma_start3A_151] : memref<8x32768xf32, #tpu.memory_space<hbm>> -> memref<1x32768xf32, #tpu.memory_space<hbm>>
      %dma_start3A_153 = tpu.memref_squeeze %dma_start3A_152 : memref<1x32768xf32, #tpu.memory_space<hbm>> -> memref<32768xf32, #tpu.memory_space<hbm>>
      tpu.enqueue_dma source(%dma_start3A_153 : memref<32768xf32, #tpu.memory_space<hbm>>) target(%arg11 : memref<32768xf32, #tpu.memory_space<vmem>>) target_semaphore(%run_scoped3A_147 : memref<!tpu.dma_semaphore, #tpu.memory_space<semaphore_mem>>)
      %dma_wait3A_154 = arith.constant 0 : i32
      %dma_wait3A_155 = tpu.memref_slice %arg3[%add3A, %dma_wait3A_154] : memref<8x32768xf32, #tpu.memory_space<hbm>> -> memref<1x32768xf32, #tpu.memory_space<hbm>>
      %dma_wait3A_156 = tpu.memref_squeeze %dma_wait3A_155 : memref<1x32768xf32, #tpu.memory_space<hbm>> -> memref<32768xf32, #tpu.memory_space<hbm>>
      %dma_wait3A_157 = arith.constant 0 : i32
      %dma_wait3A_158 = tpu.memref_slice %arg3[%add3A, %dma_wait3A_157] : memref<8x32768xf32, #tpu.memory_space<hbm>> -> memref<1x32768xf32, #tpu.memory_space<hbm>>
      %dma_wait3A_159 = tpu.memref_squeeze %dma_wait3A_158 : memref<1x32768xf32, #tpu.memory_space<hbm>> -> memref<32768xf32, #tpu.memory_space<hbm>>
      tpu.wait_dma2 semaphore(%run_scoped3A_147 : memref<!tpu.dma_semaphore, #tpu.memory_space<semaphore_mem>>) src(%dma_wait3A_159 : memref<32768xf32, #tpu.memory_space<hbm>>) dst(%arg11 : memref<32768xf32, #tpu.memory_space<vmem>>)
      tpu.yield
    }) : () -> ()
    %scan3A = arith.constant 0 : i32
    %scan3A_58 = arith.constant 0 : i32
    %scan3A_59 = arith.constant 64 : i32
    %scan3A_60 = arith.addi %scan3A_58, %scan3A_59 : i32
    %scan3A_61 = arith.constant 1 : i32
    scf.for %scan3A_147 = %scan3A_58 to %scan3A_60 step %scan3A_61  : i32 {
      %mul3A_148 = arith.constant 16 : i32
      %mul3A_149 = arith.muli %scan3A_147, %mul3A_148 : i32
      %get3A = arith.index_cast %mul3A_149 : i32 to index
      %get3A_150 = tpu.vector_load %arg10[%get3A] {strides = array<i32>} : memref<1024xi32, #tpu.memory_space<vmem>>, vector<16xi32>,
      %and3A_151 = arith.constant 4095 : i32
      %and3A_152 = vector.broadcast %and3A_151 : i32 to vector<16xi32>
      %and3A_153 = arith.andi %get3A_150, %and3A_152 : vector<16xi32>
      %mul3A_154 = arith.constant 8 : i32
      %mul3A_155 = vector.broadcast %mul3A_154 : i32 to vector<16xi32>
      %mul3A_156 = arith.muli %and3A_153, %mul3A_155 : vector<16xi32>
      %add3A_157 = arith.constant 0 : i32
      %add3A_158 = vector.broadcast %add3A_157 : i32 to vector<16xi32>
      %add3A_159 = arith.addi %mul3A_156, %add3A_158 : vector<16xi32>
      %gather3A = tpu.vector_load_idx %arg11[%add3A_159] : memref<32768xf32, #tpu.memory_space<vmem>>[vector<16xi32>], vector<16xf32>,
      %mul3A_160 = arith.constant 16 : i32
      %mul3A_161 = arith.muli %scan3A_147, %mul3A_160 : i32
      %swap3A = arith.index_cast %mul3A_161 : i32 to index
      %swap3A_162 = tpu.vector_load %arg12[%swap3A] {strides = array<i32>} : memref<1024xf32, #tpu.memory_space<vmem>>, vector<16xf32>,
      tpu.vector_store %arg12[%swap3A], %gather3A {strides = array<i32>} : memref<1024xf32, #tpu.memory_space<vmem>>, vector<16xf32>,
      %add3A_163 = arith.constant 1 : i32
      %add3A_164 = vector.broadcast %add3A_163 : i32 to vector<16xi32>
      %add3A_165 = arith.addi %mul3A_156, %add3A_164 : vector<16xi32>
      %gather3A_166 = tpu.vector_load_idx %arg11[%add3A_165] : memref<32768xf32, #tpu.memory_space<vmem>>[vector<16xi32>], vector<16xf32>,
      %mul3A_167 = arith.constant 16 : i32
      %mul3A_168 = arith.muli %scan3A_147, %mul3A_167 : i32
      %swap3A_169 = arith.index_cast %mul3A_168 : i32 to index
      %swap3A_170 = tpu.vector_load %arg13[%swap3A_169] {strides = array<i32>} : memref<1024xf32, #tpu.memory_space<vmem>>, vector<16xf32>,
      tpu.vector_store %arg13[%swap3A_169], %gather3A_166 {strides = array<i32>} : memref<1024xf32, #tpu.memory_space<vmem>>, vector<16xf32>,
      %add3A_171 = arith.constant 2 : i32
      %add3A_172 = vector.broadcast %add3A_171 : i32 to vector<16xi32>
      %add3A_173 = arith.addi %mul3A_156, %add3A_172 : vector<16xi32>
      %gather3A_174 = tpu.vector_load_idx %arg11[%add3A_173] : memref<32768xf32, #tpu.memory_space<vmem>>[vector<16xi32>], vector<16xf32>,
      %mul3A_175 = arith.constant 16 : i32
      %mul3A_176 = arith.muli %scan3A_147, %mul3A_175 : i32
      %swap3A_177 = arith.index_cast %mul3A_176 : i32 to index
      %swap3A_178 = tpu.vector_load %arg14[%swap3A_177] {strides = array<i32>} : memref<1024xf32, #tpu.memory_space<vmem>>, vector<16xf32>,
      tpu.vector_store %arg14[%swap3A_177], %gather3A_174 {strides = array<i32>} : memref<1024xf32, #tpu.memory_space<vmem>>, vector<16xf32>,
      %add3A_179 = arith.constant 3 : i32
      %add3A_180 = vector.broadcast %add3A_179 : i32 to vector<16xi32>
      %add3A_181 = arith.addi %mul3A_156, %add3A_180 : vector<16xi32>
      %gather3A_182 = tpu.vector_load_idx %arg11[%add3A_181] : memref<32768xf32, #tpu.memory_space<vmem>>[vector<16xi32>], vector<16xf32>,
      %mul3A_183 = arith.constant 16 : i32
      %mul3A_184 = arith.muli %scan3A_147, %mul3A_183 : i32
      %swap3A_185 = arith.index_cast %mul3A_184 : i32 to index
      %swap3A_186 = tpu.vector_load %arg15[%swap3A_185] {strides = array<i32>} : memref<1024xf32, #tpu.memory_space<vmem>>, vector<16xf32>,
      tpu.vector_store %arg15[%swap3A_185], %gather3A_182 {strides = array<i32>} : memref<1024xf32, #tpu.memory_space<vmem>>, vector<16xf32>,
      %add3A_187 = arith.constant 4 : i32
      %add3A_188 = vector.broadcast %add3A_187 : i32 to vector<16xi32>
      %add3A_189 = arith.addi %mul3A_156, %add3A_188 : vector<16xi32>
      %gather3A_190 = tpu.vector_load_idx %arg11[%add3A_189] : memref<32768xf32, #tpu.memory_space<vmem>>[vector<16xi32>], vector<16xf32>,
      %mul3A_191 = arith.constant 16 : i32
      %mul3A_192 = arith.muli %scan3A_147, %mul3A_191 : i32
      %swap3A_193 = arith.index_cast %mul3A_192 : i32 to index
      %swap3A_194 = tpu.vector_load %arg16[%swap3A_193] {strides = array<i32>} : memref<1024xf32, #tpu.memory_space<vmem>>, vector<16xf32>,
      tpu.vector_store %arg16[%swap3A_193], %gather3A_190 {strides = array<i32>} : memref<1024xf32, #tpu.memory_space<vmem>>, vector<16xf32>,
      %add3A_195 = arith.constant 5 : i32
      %add3A_196 = vector.broadcast %add3A_195 : i32 to vector<16xi32>
      %add3A_197 = arith.addi %mul3A_156, %add3A_196 : vector<16xi32>
      %gather3A_198 = tpu.vector_load_idx %arg11[%add3A_197] : memref<32768xf32, #tpu.memory_space<vmem>>[vector<16xi32>], vector<16xf32>,
      %mul3A_199 = arith.constant 16 : i32
      %mul3A_200 = arith.muli %scan3A_147, %mul3A_199 : i32
      %swap3A_201 = arith.index_cast %mul3A_200 : i32 to index
      %swap3A_202 = tpu.vector_load %arg17[%swap3A_201] {strides = array<i32>} : memref<1024xf32, #tpu.memory_space<vmem>>, vector<16xf32>,
      tpu.vector_store %arg17[%swap3A_201], %gather3A_198 {strides = array<i32>} : memref<1024xf32, #tpu.memory_space<vmem>>, vector<16xf32>,
    }
    %scan3A_62 = arith.constant 64 : i32
    %dma_start3A_63 = arith.constant 1 : i32
    %dma_start3A_64 = arith.constant 0 : i32
    %dma_start3A_65 = tpu.memref_slice %arg7[%dma_start3A_63, %dma_start3A_64] : memref<4x64xi32, #tpu.memory_space<vmem>> -> memref<1x64xi32, #tpu.memory_space<vmem>>
    %dma_start3A_66 = tpu.memref_squeeze %dma_start3A_65 : memref<1x64xi32, #tpu.memory_space<vmem>> -> memref<64xi32, #tpu.memory_space<vmem>>
    %dma_start3A_67 = arith.constant 0 : i32
    %dma_start3A_68 = arith.constant 0 : i32
    %dma_start3A_69 = tpu.memref_slice %arg2[%dma_start3A_67, %dma_start3A_68] : memref<32768x384xf32, #tpu.memory_space<hbm>> -> memref<32768x384xf32, #tpu.memory_space<hbm>>
    tpu.enqueue_indirect_dma source(%dma_start3A_69 : memref<32768x384xf32, #tpu.memory_space<hbm>>) target(%arg9 : memref<64x384xf32, #tpu.memory_space<vmem>>) offsets(%dma_start3A_66 : memref<64xi32, #tpu.memory_space<vmem>>) semaphore(%arg19 : memref<!tpu.dma_semaphore, #tpu.memory_space<semaphore_mem>>)
    %dma_wait3A = arith.constant 0 : i32
    %dma_wait3A_70 = arith.constant 0 : i32
    %dma_wait3A_71 = tpu.memref_slice %arg7[%dma_wait3A, %dma_wait3A_70] : memref<4x64xi32, #tpu.memory_space<vmem>> -> memref<1x64xi32, #tpu.memory_space<vmem>>
    %dma_wait3A_72 = tpu.memref_squeeze %dma_wait3A_71 : memref<1x64xi32, #tpu.memory_space<vmem>> -> memref<64xi32, #tpu.memory_space<vmem>>
    %dma_wait3A_73 = arith.constant 0 : i32
    %dma_wait3A_74 = arith.constant 0 : i32
    %dma_wait3A_75 = tpu.memref_slice %arg2[%dma_wait3A_73, %dma_wait3A_74] : memref<32768x384xf32, #tpu.memory_space<hbm>> -> memref<32768x384xf32, #tpu.memory_space<hbm>>
    tpu.wait_indirect_dma semaphore(%arg18 : memref<!tpu.dma_semaphore, #tpu.memory_space<semaphore_mem>>) src(%dma_wait3A_75 : memref<32768x384xf32, #tpu.memory_space<hbm>>) dst(%arg8 : memref<64x384xf32, #tpu.memory_space<vmem>>)
    %mul3A_76 = arith.constant 4096 : i32
    %mul3A_77 = arith.muli %arg0, %mul3A_76 : i32
    %mul3A_78 = arith.constant 256 : i32
    %mul3A_79 = arith.muli %arg1, %mul3A_78 : i32
    %add3A_80 = arith.addi %mul3A_77, %mul3A_79 : i32
    %add3A_81 = arith.constant 0 : i32
    %add3A_82 = arith.addi %add3A_80, %add3A_81 : i32
    "tpu.region"() ({
      %run_scoped3A_147 = tpu.sem_alloc : memref<!tpu.dma_semaphore, #tpu.memory_space<semaphore_mem>>
      %dma_start3A_148 = arith.constant 0 : i32
      %dma_start3A_149 = tpu.memref_slice %arg5[%add3A_82, %dma_start3A_148] : memref<8192x384xf32, #tpu.memory_space<hbm>> -> memref<64x384xf32, #tpu.memory_space<hbm>>
      %dma_start3A_150 = arith.constant 0 : i32
      %dma_start3A_151 = tpu.memref_slice %arg5[%add3A_82, %dma_start3A_150] : memref<8192x384xf32, #tpu.memory_space<hbm>> -> memref<64x384xf32, #tpu.memory_space<hbm>>
      tpu.enqueue_dma source(%arg8 : memref<64x384xf32, #tpu.memory_space<vmem>>) target(%dma_start3A_151 : memref<64x384xf32, #tpu.memory_space<hbm>>) target_semaphore(%run_scoped3A_147 : memref<!tpu.dma_semaphore, #tpu.memory_space<semaphore_mem>>)
      %dma_wait3A_152 = arith.constant 0 : i32
      %dma_wait3A_153 = tpu.memref_slice %arg5[%add3A_82, %dma_wait3A_152] : memref<8192x384xf32, #tpu.memory_space<hbm>> -> memref<64x384xf32, #tpu.memory_space<hbm>>
      %dma_wait3A_154 = arith.constant 0 : i32
      %dma_wait3A_155 = tpu.memref_slice %arg5[%add3A_82, %dma_wait3A_154] : memref<8192x384xf32, #tpu.memory_space<hbm>> -> memref<64x384xf32, #tpu.memory_space<hbm>>
      tpu.wait_dma2 semaphore(%run_scoped3A_147 : memref<!tpu.dma_semaphore, #tpu.memory_space<semaphore_mem>>) src(%arg8 : memref<64x384xf32, #tpu.memory_space<vmem>>) dst(%dma_wait3A_155 : memref<64x384xf32, #tpu.memory_space<hbm>>)
      tpu.yield
    }) : () -> ()
    %dma_start3A_83 = arith.constant 2 : i32
    %dma_start3A_84 = arith.constant 0 : i32
    %dma_start3A_85 = tpu.memref_slice %arg7[%dma_start3A_83, %dma_start3A_84] : memref<4x64xi32, #tpu.memory_space<vmem>> -> memref<1x64xi32, #tpu.memory_space<vmem>>
    %dma_start3A_86 = tpu.memref_squeeze %dma_start3A_85 : memref<1x64xi32, #tpu.memory_space<vmem>> -> memref<64xi32, #tpu.memory_space<vmem>>
    %dma_start3A_87 = arith.constant 0 : i32
    %dma_start3A_88 = arith.constant 0 : i32
    %dma_start3A_89 = tpu.memref_slice %arg2[%dma_start3A_87, %dma_start3A_88] : memref<32768x384xf32, #tpu.memory_space<hbm>> -> memref<32768x384xf32, #tpu.memory_space<hbm>>
    tpu.enqueue_indirect_dma source(%dma_start3A_89 : memref<32768x384xf32, #tpu.memory_space<hbm>>) target(%arg8 : memref<64x384xf32, #tpu.memory_space<vmem>>) offsets(%dma_start3A_86 : memref<64xi32, #tpu.memory_space<vmem>>) semaphore(%arg18 : memref<!tpu.dma_semaphore, #tpu.memory_space<semaphore_mem>>)
    %dma_wait3A_90 = arith.constant 1 : i32
    %dma_wait3A_91 = arith.constant 0 : i32
    %dma_wait3A_92 = tpu.memref_slice %arg7[%dma_wait3A_90, %dma_wait3A_91] : memref<4x64xi32, #tpu.memory_space<vmem>> -> memref<1x64xi32, #tpu.memory_space<vmem>>
    %dma_wait3A_93 = tpu.memref_squeeze %dma_wait3A_92 : memref<1x64xi32, #tpu.memory_space<vmem>> -> memref<64xi32, #tpu.memory_space<vmem>>
    %dma_wait3A_94 = arith.constant 0 : i32
    %dma_wait3A_95 = arith.constant 0 : i32
    %dma_wait3A_96 = tpu.memref_slice %arg2[%dma_wait3A_94, %dma_wait3A_95] : memref<32768x384xf32, #tpu.memory_space<hbm>> -> memref<32768x384xf32, #tpu.memory_space<hbm>>
    tpu.wait_indirect_dma semaphore(%arg19 : memref<!tpu.dma_semaphore, #tpu.memory_space<semaphore_mem>>) src(%dma_wait3A_96 : memref<32768x384xf32, #tpu.memory_space<hbm>>) dst(%arg9 : memref<64x384xf32, #tpu.memory_space<vmem>>)
    %mul3A_97 = arith.constant 4096 : i32
    %mul3A_98 = arith.muli %arg0, %mul3A_97 : i32
    %mul3A_99 = arith.constant 256 : i32
    %mul3A_100 = arith.muli %arg1, %mul3A_99 : i32
    %add3A_101 = arith.addi %mul3A_98, %mul3A_100 : i32
    %add3A_102 = arith.constant 64 : i32
    %add3A_103 = arith.addi %add3A_101, %add3A_102 : i32
    "tpu.region"() ({
      %run_scoped3A_147 = tpu.sem_alloc : memref<!tpu.dma_semaphore, #tpu.memory_space<semaphore_mem>>
      %dma_start3A_148 = arith.constant 0 : i32
      %dma_start3A_149 = tpu.memref_slice %arg5[%add3A_103, %dma_start3A_148] : memref<8192x384xf32, #tpu.memory_space<hbm>> -> memref<64x384xf32, #tpu.memory_space<hbm>>
      %dma_start3A_150 = arith.constant 0 : i32
      %dma_start3A_151 = tpu.memref_slice %arg5[%add3A_103, %dma_start3A_150] : memref<8192x384xf32, #tpu.memory_space<hbm>> -> memref<64x384xf32, #tpu.memory_space<hbm>>
      tpu.enqueue_dma source(%arg9 : memref<64x384xf32, #tpu.memory_space<vmem>>) target(%dma_start3A_151 : memref<64x384xf32, #tpu.memory_space<hbm>>) target_semaphore(%run_scoped3A_147 : memref<!tpu.dma_semaphore, #tpu.memory_space<semaphore_mem>>)
      %dma_wait3A_152 = arith.constant 0 : i32
      %dma_wait3A_153 = tpu.memref_slice %arg5[%add3A_103, %dma_wait3A_152] : memref<8192x384xf32, #tpu.memory_space<hbm>> -> memref<64x384xf32, #tpu.memory_space<hbm>>
      %dma_wait3A_154 = arith.constant 0 : i32
      %dma_wait3A_155 = tpu.memref_slice %arg5[%add3A_103, %dma_wait3A_154] : memref<8192x384xf32, #tpu.memory_space<hbm>> -> memref<64x384xf32, #tpu.memory_space<hbm>>
      tpu.wait_dma2 semaphore(%run_scoped3A_147 : memref<!tpu.dma_semaphore, #tpu.memory_space<semaphore_mem>>) src(%arg9 : memref<64x384xf32, #tpu.memory_space<vmem>>) dst(%dma_wait3A_155 : memref<64x384xf32, #tpu.memory_space<hbm>>)
      tpu.yield
    }) : () -> ()
    %dma_start3A_104 = arith.constant 3 : i32
    %dma_start3A_105 = arith.constant 0 : i32
    %dma_start3A_106 = tpu.memref_slice %arg7[%dma_start3A_104, %dma_start3A_105] : memref<4x64xi32, #tpu.memory_space<vmem>> -> memref<1x64xi32, #tpu.memory_space<vmem>>
    %dma_start3A_107 = tpu.memref_squeeze %dma_start3A_106 : memref<1x64xi32, #tpu.memory_space<vmem>> -> memref<64xi32, #tpu.memory_space<vmem>>
    %dma_start3A_108 = arith.constant 0 : i32
    %dma_start3A_109 = arith.constant 0 : i32
    %dma_start3A_110 = tpu.memref_slice %arg2[%dma_start3A_108, %dma_start3A_109] : memref<32768x384xf32, #tpu.memory_space<hbm>> -> memref<32768x384xf32, #tpu.memory_space<hbm>>
    tpu.enqueue_indirect_dma source(%dma_start3A_110 : memref<32768x384xf32, #tpu.memory_space<hbm>>) target(%arg9 : memref<64x384xf32, #tpu.memory_space<vmem>>) offsets(%dma_start3A_107 : memref<64xi32, #tpu.memory_space<vmem>>) semaphore(%arg19 : memref<!tpu.dma_semaphore, #tpu.memory_space<semaphore_mem>>)
    %dma_wait3A_111 = arith.constant 2 : i32
    %dma_wait3A_112 = arith.constant 0 : i32
    %dma_wait3A_113 = tpu.memref_slice %arg7[%dma_wait3A_111, %dma_wait3A_112] : memref<4x64xi32, #tpu.memory_space<vmem>> -> memref<1x64xi32, #tpu.memory_space<vmem>>
    %dma_wait3A_114 = tpu.memref_squeeze %dma_wait3A_113 : memref<1x64xi32, #tpu.memory_space<vmem>> -> memref<64xi32, #tpu.memory_space<vmem>>
    %dma_wait3A_115 = arith.constant 0 : i32
    %dma_wait3A_116 = arith.constant 0 : i32
    %dma_wait3A_117 = tpu.memref_slice %arg2[%dma_wait3A_115, %dma_wait3A_116] : memref<32768x384xf32, #tpu.memory_space<hbm>> -> memref<32768x384xf32, #tpu.memory_space<hbm>>
    tpu.wait_indirect_dma semaphore(%arg18 : memref<!tpu.dma_semaphore, #tpu.memory_space<semaphore_mem>>) src(%dma_wait3A_117 : memref<32768x384xf32, #tpu.memory_space<hbm>>) dst(%arg8 : memref<64x384xf32, #tpu.memory_space<vmem>>)
    %mul3A_118 = arith.constant 4096 : i32
    %mul3A_119 = arith.muli %arg0, %mul3A_118 : i32
    %mul3A_120 = arith.constant 256 : i32
    %mul3A_121 = arith.muli %arg1, %mul3A_120 : i32
    %add3A_122 = arith.addi %mul3A_119, %mul3A_121 : i32
    %add3A_123 = arith.constant 128 : i32
    %add3A_124 = arith.addi %add3A_122, %add3A_123 : i32
    "tpu.region"() ({
      %run_scoped3A_147 = tpu.sem_alloc : memref<!tpu.dma_semaphore, #tpu.memory_space<semaphore_mem>>
      %dma_start3A_148 = arith.constant 0 : i32
      %dma_start3A_149 = tpu.memref_slice %arg5[%add3A_124, %dma_start3A_148] : memref<8192x384xf32, #tpu.memory_space<hbm>> -> memref<64x384xf32, #tpu.memory_space<hbm>>
      %dma_start3A_150 = arith.constant 0 : i32
      %dma_start3A_151 = tpu.memref_slice %arg5[%add3A_124, %dma_start3A_150] : memref<8192x384xf32, #tpu.memory_space<hbm>> -> memref<64x384xf32, #tpu.memory_space<hbm>>
      tpu.enqueue_dma source(%arg8 : memref<64x384xf32, #tpu.memory_space<vmem>>) target(%dma_start3A_151 : memref<64x384xf32, #tpu.memory_space<hbm>>) target_semaphore(%run_scoped3A_147 : memref<!tpu.dma_semaphore, #tpu.memory_space<semaphore_mem>>)
      %dma_wait3A_152 = arith.constant 0 : i32
      %dma_wait3A_153 = tpu.memref_slice %arg5[%add3A_124, %dma_wait3A_152] : memref<8192x384xf32, #tpu.memory_space<hbm>> -> memref<64x384xf32, #tpu.memory_space<hbm>>
      %dma_wait3A_154 = arith.constant 0 : i32
      %dma_wait3A_155 = tpu.memref_slice %arg5[%add3A_124, %dma_wait3A_154] : memref<8192x384xf32, #tpu.memory_space<hbm>> -> memref<64x384xf32, #tpu.memory_space<hbm>>
      tpu.wait_dma2 semaphore(%run_scoped3A_147 : memref<!tpu.dma_semaphore, #tpu.memory_space<semaphore_mem>>) src(%arg8 : memref<64x384xf32, #tpu.memory_space<vmem>>) dst(%dma_wait3A_155 : memref<64x384xf32, #tpu.memory_space<hbm>>)
      tpu.yield
    }) : () -> ()
    %dma_wait3A_125 = arith.constant 3 : i32
    %dma_wait3A_126 = arith.constant 0 : i32
    %dma_wait3A_127 = tpu.memref_slice %arg7[%dma_wait3A_125, %dma_wait3A_126] : memref<4x64xi32, #tpu.memory_space<vmem>> -> memref<1x64xi32, #tpu.memory_space<vmem>>
    %dma_wait3A_128 = tpu.memref_squeeze %dma_wait3A_127 : memref<1x64xi32, #tpu.memory_space<vmem>> -> memref<64xi32, #tpu.memory_space<vmem>>
    %dma_wait3A_129 = arith.constant 0 : i32
    %dma_wait3A_130 = arith.constant 0 : i32
    %dma_wait3A_131 = tpu.memref_slice %arg2[%dma_wait3A_129, %dma_wait3A_130] : memref<32768x384xf32, #tpu.memory_space<hbm>> -> memref<32768x384xf32, #tpu.memory_space<hbm>>
    tpu.wait_indirect_dma semaphore(%arg19 : memref<!tpu.dma_semaphore, #tpu.memory_space<semaphore_mem>>) src(%dma_wait3A_131 : memref<32768x384xf32, #tpu.memory_space<hbm>>) dst(%arg9 : memref<64x384xf32, #tpu.memory_space<vmem>>)
    %mul3A_132 = arith.constant 4096 : i32
    %mul3A_133 = arith.muli %arg0, %mul3A_132 : i32
    %mul3A_134 = arith.constant 256 : i32
    %mul3A_135 = arith.muli %arg1, %mul3A_134 : i32
    %add3A_136 = arith.addi %mul3A_133, %mul3A_135 : i32
    %add3A_137 = arith.constant 192 : i32
    %add3A_138 = arith.addi %add3A_136, %add3A_137 : i32
    "tpu.region"() ({
      %run_scoped3A_147 = tpu.sem_alloc : memref<!tpu.dma_semaphore, #tpu.memory_space<semaphore_mem>>
      %dma_start3A_148 = arith.constant 0 : i32
      %dma_start3A_149 = tpu.memref_slice %arg5[%add3A_138, %dma_start3A_148] : memref<8192x384xf32, #tpu.memory_space<hbm>> -> memref<64x384xf32, #tpu.memory_space<hbm>>
      %dma_start3A_150 = arith.constant 0 : i32
      %dma_start3A_151 = tpu.memref_slice %arg5[%add3A_138, %dma_start3A_150] : memref<8192x384xf32, #tpu.memory_space<hbm>> -> memref<64x384xf32, #tpu.memory_space<hbm>>
      tpu.enqueue_dma source(%arg9 : memref<64x384xf32, #tpu.memory_space<vmem>>) target(%dma_start3A_151 : memref<64x384xf32, #tpu.memory_space<hbm>>) target_semaphore(%run_scoped3A_147 : memref<!tpu.dma_semaphore, #tpu.memory_space<semaphore_mem>>)
      %dma_wait3A_152 = arith.constant 0 : i32
      %dma_wait3A_153 = tpu.memref_slice %arg5[%add3A_138, %dma_wait3A_152] : memref<8192x384xf32, #tpu.memory_space<hbm>> -> memref<64x384xf32, #tpu.memory_space<hbm>>
      %dma_wait3A_154 = arith.constant 0 : i32
      %dma_wait3A_155 = tpu.memref_slice %arg5[%add3A_138, %dma_wait3A_154] : memref<8192x384xf32, #tpu.memory_space<hbm>> -> memref<64x384xf32, #tpu.memory_space<hbm>>
      tpu.wait_dma2 semaphore(%run_scoped3A_147 : memref<!tpu.dma_semaphore, #tpu.memory_space<semaphore_mem>>) src(%arg9 : memref<64x384xf32, #tpu.memory_space<vmem>>) dst(%dma_wait3A_155 : memref<64x384xf32, #tpu.memory_space<hbm>>)
      tpu.yield
    }) : () -> ()
    %eq3A_139 = arith.constant 0 : i32
    %eq3A_140 = arith.cmpi eq, %select_n3A_30, %eq3A_139 : i32
    %convert_element_type3A = arith.extui %eq3A_140 : i1 to i32
    %cond3A = arith.constant 0 : i32
    %cond3A_141 = arith.cmpi ne, %convert_element_type3A, %cond3A : i32
    scf.if %cond3A_141 {
      %mul3A_147 = arith.constant 1024 : i32
      %mul3A_148 = arith.muli %add3A, %mul3A_147 : i32
      %add3A_149 = arith.constant 0 : i32
      %add3A_150 = arith.addi %add3A_149, %mul3A_148 : i32
      "tpu.region"() ({
        %run_scoped3A_171 = tpu.sem_alloc : memref<!tpu.dma_semaphore, #tpu.memory_space<semaphore_mem>>
        %dma_start3A_172 = tpu.memref_slice %arg6[%add3A_150] : memref<196608xf32, #tpu.memory_space<hbm>> -> memref<1024xf32, #tpu.memory_space<hbm>>
        %dma_start3A_173 = tpu.memref_slice %arg6[%add3A_150] : memref<196608xf32, #tpu.memory_space<hbm>> -> memref<1024xf32, #tpu.memory_space<hbm>>
        tpu.enqueue_dma source(%arg12 : memref<1024xf32, #tpu.memory_space<vmem>>) target(%dma_start3A_173 : memref<1024xf32, #tpu.memory_space<hbm>>) target_semaphore(%run_scoped3A_171 : memref<!tpu.dma_semaphore, #tpu.memory_space<semaphore_mem>>)
        %dma_wait3A_174 = tpu.memref_slice %arg6[%add3A_150] : memref<196608xf32, #tpu.memory_space<hbm>> -> memref<1024xf32, #tpu.memory_space<hbm>>
        %dma_wait3A_175 = tpu.memref_slice %arg6[%add3A_150] : memref<196608xf32, #tpu.memory_space<hbm>> -> memref<1024xf32, #tpu.memory_space<hbm>>
        tpu.wait_dma2 semaphore(%run_scoped3A_171 : memref<!tpu.dma_semaphore, #tpu.memory_space<semaphore_mem>>) src(%arg12 : memref<1024xf32, #tpu.memory_space<vmem>>) dst(%dma_wait3A_175 : memref<1024xf32, #tpu.memory_space<hbm>>)
        tpu.yield
      }) : () -> ()
      %mul3A_151 = arith.constant 1024 : i32
      %mul3A_152 = arith.muli %add3A, %mul3A_151 : i32
      %add3A_153 = arith.constant 8192 : i32
      %add3A_154 = arith.addi %add3A_153, %mul3A_152 : i32
      "tpu.region"() ({
        %run_scoped3A_171 = tpu.sem_alloc : memref<!tpu.dma_semaphore, #tpu.memory_space<semaphore_mem>>
        %dma_start3A_172 = tpu.memref_slice %arg6[%add3A_154] : memref<196608xf32, #tpu.memory_space<hbm>> -> memref<1024xf32, #tpu.memory_space<hbm>>
        %dma_start3A_173 = tpu.memref_slice %arg6[%add3A_154] : memref<196608xf32, #tpu.memory_space<hbm>> -> memref<1024xf32, #tpu.memory_space<hbm>>
        tpu.enqueue_dma source(%arg13 : memref<1024xf32, #tpu.memory_space<vmem>>) target(%dma_start3A_173 : memref<1024xf32, #tpu.memory_space<hbm>>) target_semaphore(%run_scoped3A_171 : memref<!tpu.dma_semaphore, #tpu.memory_space<semaphore_mem>>)
        %dma_wait3A_174 = tpu.memref_slice %arg6[%add3A_154] : memref<196608xf32, #tpu.memory_space<hbm>> -> memref<1024xf32, #tpu.memory_space<hbm>>
        %dma_wait3A_175 = tpu.memref_slice %arg6[%add3A_154] : memref<196608xf32, #tpu.memory_space<hbm>> -> memref<1024xf32, #tpu.memory_space<hbm>>
        tpu.wait_dma2 semaphore(%run_scoped3A_171 : memref<!tpu.dma_semaphore, #tpu.memory_space<semaphore_mem>>) src(%arg13 : memref<1024xf32, #tpu.memory_space<vmem>>) dst(%dma_wait3A_175 : memref<1024xf32, #tpu.memory_space<hbm>>)
        tpu.yield
      }) : () -> ()
      %mul3A_155 = arith.constant 1024 : i32
      %mul3A_156 = arith.muli %add3A, %mul3A_155 : i32
      %add3A_157 = arith.constant 16384 : i32
      %add3A_158 = arith.addi %add3A_157, %mul3A_156 : i32
      "tpu.region"() ({
        %run_scoped3A_171 = tpu.sem_alloc : memref<!tpu.dma_semaphore, #tpu.memory_space<semaphore_mem>>
        %dma_start3A_172 = tpu.memref_slice %arg6[%add3A_158] : memref<196608xf32, #tpu.memory_space<hbm>> -> memref<1024xf32, #tpu.memory_space<hbm>>
        %dma_start3A_173 = tpu.memref_slice %arg6[%add3A_158] : memref<196608xf32, #tpu.memory_space<hbm>> -> memref<1024xf32, #tpu.memory_space<hbm>>
        tpu.enqueue_dma source(%arg14 : memref<1024xf32, #tpu.memory_space<vmem>>) target(%dma_start3A_173 : memref<1024xf32, #tpu.memory_space<hbm>>) target_semaphore(%run_scoped3A_171 : memref<!tpu.dma_semaphore, #tpu.memory_space<semaphore_mem>>)
        %dma_wait3A_174 = tpu.memref_slice %arg6[%add3A_158] : memref<196608xf32, #tpu.memory_space<hbm>> -> memref<1024xf32, #tpu.memory_space<hbm>>
        %dma_wait3A_175 = tpu.memref_slice %arg6[%add3A_158] : memref<196608xf32, #tpu.memory_space<hbm>> -> memref<1024xf32, #tpu.memory_space<hbm>>
        tpu.wait_dma2 semaphore(%run_scoped3A_171 : memref<!tpu.dma_semaphore, #tpu.memory_space<semaphore_mem>>) src(%arg14 : memref<1024xf32, #tpu.memory_space<vmem>>) dst(%dma_wait3A_175 : memref<1024xf32, #tpu.memory_space<hbm>>)
        tpu.yield
      }) : () -> ()
      %mul3A_159 = arith.constant 1024 : i32
      %mul3A_160 = arith.muli %add3A, %mul3A_159 : i32
      %add3A_161 = arith.constant 24576 : i32
      %add3A_162 = arith.addi %add3A_161, %mul3A_160 : i32
      "tpu.region"() ({
        %run_scoped3A_171 = tpu.sem_alloc : memref<!tpu.dma_semaphore, #tpu.memory_space<semaphore_mem>>
        %dma_start3A_172 = tpu.memref_slice %arg6[%add3A_162] : memref<196608xf32, #tpu.memory_space<hbm>> -> memref<1024xf32, #tpu.memory_space<hbm>>
        %dma_start3A_173 = tpu.memref_slice %arg6[%add3A_162] : memref<196608xf32, #tpu.memory_space<hbm>> -> memref<1024xf32, #tpu.memory_space<hbm>>
        tpu.enqueue_dma source(%arg15 : memref<1024xf32, #tpu.memory_space<vmem>>) target(%dma_start3A_173 : memref<1024xf32, #tpu.memory_space<hbm>>) target_semaphore(%run_scoped3A_171 : memref<!tpu.dma_semaphore, #tpu.memory_space<semaphore_mem>>)
        %dma_wait3A_174 = tpu.memref_slice %arg6[%add3A_162] : memref<196608xf32, #tpu.memory_space<hbm>> -> memref<1024xf32, #tpu.memory_space<hbm>>
        %dma_wait3A_175 = tpu.memref_slice %arg6[%add3A_162] : memref<196608xf32, #tpu.memory_space<hbm>> -> memref<1024xf32, #tpu.memory_space<hbm>>
        tpu.wait_dma2 semaphore(%run_scoped3A_171 : memref<!tpu.dma_semaphore, #tpu.memory_space<semaphore_mem>>) src(%arg15 : memref<1024xf32, #tpu.memory_space<vmem>>) dst(%dma_wait3A_175 : memref<1024xf32, #tpu.memory_space<hbm>>)
        tpu.yield
      }) : () -> ()
      %mul3A_163 = arith.constant 1024 : i32
      %mul3A_164 = arith.muli %add3A, %mul3A_163 : i32
      %add3A_165 = arith.constant 32768 : i32
      %add3A_166 = arith.addi %add3A_165, %mul3A_164 : i32
      "tpu.region"() ({
        %run_scoped3A_171 = tpu.sem_alloc : memref<!tpu.dma_semaphore, #tpu.memory_space<semaphore_mem>>
        %dma_start3A_172 = tpu.memref_slice %arg6[%add3A_166] : memref<196608xf32, #tpu.memory_space<hbm>> -> memref<1024xf32, #tpu.memory_space<hbm>>
        %dma_start3A_173 = tpu.memref_slice %arg6[%add3A_166] : memref<196608xf32, #tpu.memory_space<hbm>> -> memref<1024xf32, #tpu.memory_space<hbm>>
        tpu.enqueue_dma source(%arg16 : memref<1024xf32, #tpu.memory_space<vmem>>) target(%dma_start3A_173 : memref<1024xf32, #tpu.memory_space<hbm>>) target_semaphore(%run_scoped3A_171 : memref<!tpu.dma_semaphore, #tpu.memory_space<semaphore_mem>>)
        %dma_wait3A_174 = tpu.memref_slice %arg6[%add3A_166] : memref<196608xf32, #tpu.memory_space<hbm>> -> memref<1024xf32, #tpu.memory_space<hbm>>
        %dma_wait3A_175 = tpu.memref_slice %arg6[%add3A_166] : memref<196608xf32, #tpu.memory_space<hbm>> -> memref<1024xf32, #tpu.memory_space<hbm>>
        tpu.wait_dma2 semaphore(%run_scoped3A_171 : memref<!tpu.dma_semaphore, #tpu.memory_space<semaphore_mem>>) src(%arg16 : memref<1024xf32, #tpu.memory_space<vmem>>) dst(%dma_wait3A_175 : memref<1024xf32, #tpu.memory_space<hbm>>)
        tpu.yield
      }) : () -> ()
      %mul3A_167 = arith.constant 1024 : i32
      %mul3A_168 = arith.muli %add3A, %mul3A_167 : i32
      %add3A_169 = arith.constant 40960 : i32
      %add3A_170 = arith.addi %add3A_169, %mul3A_168 : i32
      "tpu.region"() ({
        %run_scoped3A_171 = tpu.sem_alloc : memref<!tpu.dma_semaphore, #tpu.memory_space<semaphore_mem>>
        %dma_start3A_172 = tpu.memref_slice %arg6[%add3A_170] : memref<196608xf32, #tpu.memory_space<hbm>> -> memref<1024xf32, #tpu.memory_space<hbm>>
        %dma_start3A_173 = tpu.memref_slice %arg6[%add3A_170] : memref<196608xf32, #tpu.memory_space<hbm>> -> memref<1024xf32, #tpu.memory_space<hbm>>
        tpu.enqueue_dma source(%arg17 : memref<1024xf32, #tpu.memory_space<vmem>>) target(%dma_start3A_173 : memref<1024xf32, #tpu.memory_space<hbm>>) target_semaphore(%run_scoped3A_171 : memref<!tpu.dma_semaphore, #tpu.memory_space<semaphore_mem>>)
        %dma_wait3A_174 = tpu.memref_slice %arg6[%add3A_170] : memref<196608xf32, #tpu.memory_space<hbm>> -> memref<1024xf32, #tpu.memory_space<hbm>>
        %dma_wait3A_175 = tpu.memref_slice %arg6[%add3A_170] : memref<196608xf32, #tpu.memory_space<hbm>> -> memref<1024xf32, #tpu.memory_space<hbm>>
        tpu.wait_dma2 semaphore(%run_scoped3A_171 : memref<!tpu.dma_semaphore, #tpu.memory_space<semaphore_mem>>) src(%arg17 : memref<1024xf32, #tpu.memory_space<vmem>>) dst(%dma_wait3A_175 : memref<1024xf32, #tpu.memory_space<hbm>>)
        tpu.yield
      }) : () -> ()
    } else {
    }
    %ne3A_142 = arith.constant 0 : i32
    %ne3A_143 = arith.cmpi ne, %select_n3A_30, %ne3A_142 : i32
    %convert_element_type3A_144 = arith.extui %ne3A_143 : i1 to i32
    %cond3A_145 = arith.constant 0 : i32
    %cond3A_146 = arith.cmpi ne, %convert_element_type3A_144, %cond3A_145 : i32
    scf.if %cond3A_146 {
      %mul3A_147 = arith.constant 3072 : i32
      %mul3A_148 = arith.muli %add3A, %mul3A_147 : i32
      %add3A_149 = arith.constant 49152 : i32
      %add3A_150 = arith.addi %add3A_149, %mul3A_148 : i32
      %sub3A_151 = arith.constant 1 : i32
      %sub3A_152 = arith.subi %select_n3A_30, %sub3A_151 : i32
      %mul3A_153 = arith.constant 1024 : i32
      %mul3A_154 = arith.muli %sub3A_152, %mul3A_153 : i32
      %add3A_155 = arith.addi %add3A_150, %mul3A_154 : i32
      "tpu.region"() ({
        %run_scoped3A_201 = tpu.sem_alloc : memref<!tpu.dma_semaphore, #tpu.memory_space<semaphore_mem>>
        %dma_start3A_202 = tpu.memref_slice %arg6[%add3A_155] : memref<196608xf32, #tpu.memory_space<hbm>> -> memref<1024xf32, #tpu.memory_space<hbm>>
        %dma_start3A_203 = tpu.memref_slice %arg6[%add3A_155] : memref<196608xf32, #tpu.memory_space<hbm>> -> memref<1024xf32, #tpu.memory_space<hbm>>
        tpu.enqueue_dma source(%arg12 : memref<1024xf32, #tpu.memory_space<vmem>>) target(%dma_start3A_203 : memref<1024xf32, #tpu.memory_space<hbm>>) target_semaphore(%run_scoped3A_201 : memref<!tpu.dma_semaphore, #tpu.memory_space<semaphore_mem>>)
        %dma_wait3A_204 = tpu.memref_slice %arg6[%add3A_155] : memref<196608xf32, #tpu.memory_space<hbm>> -> memref<1024xf32, #tpu.memory_space<hbm>>
        %dma_wait3A_205 = tpu.memref_slice %arg6[%add3A_155] : memref<196608xf32, #tpu.memory_space<hbm>> -> memref<1024xf32, #tpu.memory_space<hbm>>
        tpu.wait_dma2 semaphore(%run_scoped3A_201 : memref<!tpu.dma_semaphore, #tpu.memory_space<semaphore_mem>>) src(%arg12 : memref<1024xf32, #tpu.memory_space<vmem>>) dst(%dma_wait3A_205 : memref<1024xf32, #tpu.memory_space<hbm>>)
        tpu.yield
      }) : () -> ()
      %mul3A_156 = arith.constant 3072 : i32
      %mul3A_157 = arith.muli %add3A, %mul3A_156 : i32
      %add3A_158 = arith.constant 73728 : i32
      %add3A_159 = arith.addi %add3A_158, %mul3A_157 : i32
      %sub3A_160 = arith.constant 1 : i32
      %sub3A_161 = arith.subi %select_n3A_30, %sub3A_160 : i32
      %mul3A_162 = arith.constant 1024 : i32
      %mul3A_163 = arith.muli %sub3A_161, %mul3A_162 : i32
      %add3A_164 = arith.addi %add3A_159, %mul3A_163 : i32
      "tpu.region"() ({
        %run_scoped3A_201 = tpu.sem_alloc : memref<!tpu.dma_semaphore, #tpu.memory_space<semaphore_mem>>
        %dma_start3A_202 = tpu.memref_slice %arg6[%add3A_164] : memref<196608xf32, #tpu.memory_space<hbm>> -> memref<1024xf32, #tpu.memory_space<hbm>>
        %dma_start3A_203 = tpu.memref_slice %arg6[%add3A_164] : memref<196608xf32, #tpu.memory_space<hbm>> -> memref<1024xf32, #tpu.memory_space<hbm>>
        tpu.enqueue_dma source(%arg13 : memref<1024xf32, #tpu.memory_space<vmem>>) target(%dma_start3A_203 : memref<1024xf32, #tpu.memory_space<hbm>>) target_semaphore(%run_scoped3A_201 : memref<!tpu.dma_semaphore, #tpu.memory_space<semaphore_mem>>)
        %dma_wait3A_204 = tpu.memref_slice %arg6[%add3A_164] : memref<196608xf32, #tpu.memory_space<hbm>> -> memref<1024xf32, #tpu.memory_space<hbm>>
        %dma_wait3A_205 = tpu.memref_slice %arg6[%add3A_164] : memref<196608xf32, #tpu.memory_space<hbm>> -> memref<1024xf32, #tpu.memory_space<hbm>>
        tpu.wait_dma2 semaphore(%run_scoped3A_201 : memref<!tpu.dma_semaphore, #tpu.memory_space<semaphore_mem>>) src(%arg13 : memref<1024xf32, #tpu.memory_space<vmem>>) dst(%dma_wait3A_205 : memref<1024xf32, #tpu.memory_space<hbm>>)
        tpu.yield
      }) : () -> ()
      %mul3A_165 = arith.constant 3072 : i32
      %mul3A_166 = arith.muli %add3A, %mul3A_165 : i32
      %add3A_167 = arith.constant 98304 : i32
      %add3A_168 = arith.addi %add3A_167, %mul3A_166 : i32
      %sub3A_169 = arith.constant 1 : i32
      %sub3A_170 = arith.subi %select_n3A_30, %sub3A_169 : i32
      %mul3A_171 = arith.constant 1024 : i32
      %mul3A_172 = arith.muli %sub3A_170, %mul3A_171 : i32
      %add3A_173 = arith.addi %add3A_168, %mul3A_172 : i32
      "tpu.region"() ({
        %run_scoped3A_201 = tpu.sem_alloc : memref<!tpu.dma_semaphore, #tpu.memory_space<semaphore_mem>>
        %dma_start3A_202 = tpu.memref_slice %arg6[%add3A_173] : memref<196608xf32, #tpu.memory_space<hbm>> -> memref<1024xf32, #tpu.memory_space<hbm>>
        %dma_start3A_203 = tpu.memref_slice %arg6[%add3A_173] : memref<196608xf32, #tpu.memory_space<hbm>> -> memref<1024xf32, #tpu.memory_space<hbm>>
        tpu.enqueue_dma source(%arg14 : memref<1024xf32, #tpu.memory_space<vmem>>) target(%dma_start3A_203 : memref<1024xf32, #tpu.memory_space<hbm>>) target_semaphore(%run_scoped3A_201 : memref<!tpu.dma_semaphore, #tpu.memory_space<semaphore_mem>>)
        %dma_wait3A_204 = tpu.memref_slice %arg6[%add3A_173] : memref<196608xf32, #tpu.memory_space<hbm>> -> memref<1024xf32, #tpu.memory_space<hbm>>
        %dma_wait3A_205 = tpu.memref_slice %arg6[%add3A_173] : memref<196608xf32, #tpu.memory_space<hbm>> -> memref<1024xf32, #tpu.memory_space<hbm>>
        tpu.wait_dma2 semaphore(%run_scoped3A_201 : memref<!tpu.dma_semaphore, #tpu.memory_space<semaphore_mem>>) src(%arg14 : memref<1024xf32, #tpu.memory_space<vmem>>) dst(%dma_wait3A_205 : memref<1024xf32, #tpu.memory_space<hbm>>)
        tpu.yield
      }) : () -> ()
      %mul3A_174 = arith.constant 3072 : i32
      %mul3A_175 = arith.muli %add3A, %mul3A_174 : i32
      %add3A_176 = arith.constant 122880 : i32
      %add3A_177 = arith.addi %add3A_176, %mul3A_175 : i32
      %sub3A_178 = arith.constant 1 : i32
      %sub3A_179 = arith.subi %select_n3A_30, %sub3A_178 : i32
      %mul3A_180 = arith.constant 1024 : i32
      %mul3A_181 = arith.muli %sub3A_179, %mul3A_180 : i32
      %add3A_182 = arith.addi %add3A_177, %mul3A_181 : i32
      "tpu.region"() ({
        %run_scoped3A_201 = tpu.sem_alloc : memref<!tpu.dma_semaphore, #tpu.memory_space<semaphore_mem>>
        %dma_start3A_202 = tpu.memref_slice %arg6[%add3A_182] : memref<196608xf32, #tpu.memory_space<hbm>> -> memref<1024xf32, #tpu.memory_space<hbm>>
        %dma_start3A_203 = tpu.memref_slice %arg6[%add3A_182] : memref<196608xf32, #tpu.memory_space<hbm>> -> memref<1024xf32, #tpu.memory_space<hbm>>
        tpu.enqueue_dma source(%arg15 : memref<1024xf32, #tpu.memory_space<vmem>>) target(%dma_start3A_203 : memref<1024xf32, #tpu.memory_space<hbm>>) target_semaphore(%run_scoped3A_201 : memref<!tpu.dma_semaphore, #tpu.memory_space<semaphore_mem>>)
        %dma_wait3A_204 = tpu.memref_slice %arg6[%add3A_182] : memref<196608xf32, #tpu.memory_space<hbm>> -> memref<1024xf32, #tpu.memory_space<hbm>>
        %dma_wait3A_205 = tpu.memref_slice %arg6[%add3A_182] : memref<196608xf32, #tpu.memory_space<hbm>> -> memref<1024xf32, #tpu.memory_space<hbm>>
        tpu.wait_dma2 semaphore(%run_scoped3A_201 : memref<!tpu.dma_semaphore, #tpu.memory_space<semaphore_mem>>) src(%arg15 : memref<1024xf32, #tpu.memory_space<vmem>>) dst(%dma_wait3A_205 : memref<1024xf32, #tpu.memory_space<hbm>>)
        tpu.yield
      }) : () -> ()
      %mul3A_183 = arith.constant 3072 : i32
      %mul3A_184 = arith.muli %add3A, %mul3A_183 : i32
      %add3A_185 = arith.constant 147456 : i32
      %add3A_186 = arith.addi %add3A_185, %mul3A_184 : i32
      %sub3A_187 = arith.constant 1 : i32
      %sub3A_188 = arith.subi %select_n3A_30, %sub3A_187 : i32
      %mul3A_189 = arith.constant 1024 : i32
      %mul3A_190 = arith.muli %sub3A_188, %mul3A_189 : i32
      %add3A_191 = arith.addi %add3A_186, %mul3A_190 : i32
      "tpu.region"() ({
        %run_scoped3A_201 = tpu.sem_alloc : memref<!tpu.dma_semaphore, #tpu.memory_space<semaphore_mem>>
        %dma_start3A_202 = tpu.memref_slice %arg6[%add3A_191] : memref<196608xf32, #tpu.memory_space<hbm>> -> memref<1024xf32, #tpu.memory_space<hbm>>
        %dma_start3A_203 = tpu.memref_slice %arg6[%add3A_191] : memref<196608xf32, #tpu.memory_space<hbm>> -> memref<1024xf32, #tpu.memory_space<hbm>>
        tpu.enqueue_dma source(%arg16 : memref<1024xf32, #tpu.memory_space<vmem>>) target(%dma_start3A_203 : memref<1024xf32, #tpu.memory_space<hbm>>) target_semaphore(%run_scoped3A_201 : memref<!tpu.dma_semaphore, #tpu.memory_space<semaphore_mem>>)
        %dma_wait3A_204 = tpu.memref_slice %arg6[%add3A_191] : memref<196608xf32, #tpu.memory_space<hbm>> -> memref<1024xf32, #tpu.memory_space<hbm>>
        %dma_wait3A_205 = tpu.memref_slice %arg6[%add3A_191] : memref<196608xf32, #tpu.memory_space<hbm>> -> memref<1024xf32, #tpu.memory_space<hbm>>
        tpu.wait_dma2 semaphore(%run_scoped3A_201 : memref<!tpu.dma_semaphore, #tpu.memory_space<semaphore_mem>>) src(%arg16 : memref<1024xf32, #tpu.memory_space<vmem>>) dst(%dma_wait3A_205 : memref<1024xf32, #tpu.memory_space<hbm>>)
        tpu.yield
      }) : () -> ()
      %mul3A_192 = arith.constant 3072 : i32
      %mul3A_193 = arith.muli %add3A, %mul3A_192 : i32
      %add3A_194 = arith.constant 172032 : i32
      %add3A_195 = arith.addi %add3A_194, %mul3A_193 : i32
      %sub3A_196 = arith.constant 1 : i32
      %sub3A_197 = arith.subi %select_n3A_30, %sub3A_196 : i32
      %mul3A_198 = arith.constant 1024 : i32
      %mul3A_199 = arith.muli %sub3A_197, %mul3A_198 : i32
      %add3A_200 = arith.addi %add3A_195, %mul3A_199 : i32
      "tpu.region"() ({
        %run_scoped3A_201 = tpu.sem_alloc : memref<!tpu.dma_semaphore, #tpu.memory_space<semaphore_mem>>
        %dma_start3A_202 = tpu.memref_slice %arg6[%add3A_200] : memref<196608xf32, #tpu.memory_space<hbm>> -> memref<1024xf32, #tpu.memory_space<hbm>>
        %dma_start3A_203 = tpu.memref_slice %arg6[%add3A_200] : memref<196608xf32, #tpu.memory_space<hbm>> -> memref<1024xf32, #tpu.memory_space<hbm>>
        tpu.enqueue_dma source(%arg17 : memref<1024xf32, #tpu.memory_space<vmem>>) target(%dma_start3A_203 : memref<1024xf32, #tpu.memory_space<hbm>>) target_semaphore(%run_scoped3A_201 : memref<!tpu.dma_semaphore, #tpu.memory_space<semaphore_mem>>)
        %dma_wait3A_204 = tpu.memref_slice %arg6[%add3A_200] : memref<196608xf32, #tpu.memory_space<hbm>> -> memref<1024xf32, #tpu.memory_space<hbm>>
        %dma_wait3A_205 = tpu.memref_slice %arg6[%add3A_200] : memref<196608xf32, #tpu.memory_space<hbm>> -> memref<1024xf32, #tpu.memory_space<hbm>>
        tpu.wait_dma2 semaphore(%run_scoped3A_201 : memref<!tpu.dma_semaphore, #tpu.memory_space<semaphore_mem>>) src(%arg17 : memref<1024xf32, #tpu.memory_space<vmem>>) dst(%dma_wait3A_205 : memref<1024xf32, #tpu.memory_space<hbm>>)
        tpu.yield
      }) : () -> ()
    } else {
    }
    return
  }
}

</mosaic_0001>

<sc_bundles>
// kernel: _masker.4.cloned.1.call-start
scs
__scs_entry_jumppad:
0x0: {  	(pc) =	sbr.rel $0x88, $3  }
0x1: {  	(tag) =	ssettag $0x0;
	lr =	simm.s32 $0x1  }
0x2: {  	[smem:$0x3F9E] =	sst lr;
	_ =	strace $0xD0000000  }
0x3: {  	_ = 	snop  }
0x4: {  	_ = 	snop  }
0x5: {  	_ = 	snop  }
0x6: {  	_ = 	snop  }
0x7: {  	_ = 	snop  }
__scs_overlays_trampoline_lowered:
0x8: {  	[smem:$0x3FAD] =	sst s0  }
0x9: {  	[smem:$0x3FAE] =	sst s1  }
0xa: {  	[smem:$0x3FAF] =	sst s2  }
0xb: {  	[smem:$0x3FB0] =	sst s3  }
0xc: {  	[smem:$0x3FB1] =	sst s4  }
0xd: {  	[smem:$0x3FB2] =	sst s5  }
0xe: {  	[smem:$0x3FB3] =	sst s6  }
0xf: {  	[smem:$0x3FB4] =	sst s7  }
0x10: {  	[smem:$0x3FB5] =	sst s8  }
0x11: {  	[smem:$0x3FB6] =	sst s9;
	s0 =	simm.s32 @!p0 $0x0  }
0x12: {  	s1 =	sld [smem:$0x3F9C];
	s0 =	simm.s32 @p0 $0x1  }
0x13: {  	[smem:$0x3FB7] =	sst s0;
	s0 =	simm.s32 @!p1 $0x0  }
0x14: {  	s2 =	sld [smem:$0x3F9B];
	s0 =	simm.s32 @p1 $0x1  }
0x15: {  	[smem:$0x3FB8] =	sst s0;
	s0 =	simm.s32 @!p2 $0x0  }
0x16: {  	s3 =	sld [smem:$0x3FDB];
	s0 =	simm.s32 @p2 $0x1  }
0x17: {  	s4 =	simm.s32 $0x1BF5;
	[smem:$0x3FBA] =	sst s0  }
0x18: {  	s0 =	sld [smem:$0x3F9D];
	_ =	swait.ge [sflag:s4], $0x0  }
0x19: {  	s7 =	sld [smem:$0x3F9E]  }
0x1a: {  	s8 =	sadd.s32 $0xFFFFE003, lr  }
0x1b: {  	s9 =	sadd.s32 $0xFFFFFEF7, lr;
	s5 =	simm.s32 $0xFFFFFFFF;
	p2 =	slt.u32 s8, $0xFFFFF086  }
0x1c: {  	p1 =	slt.u32 s9, $0xF7A;
	s5 =	simm.s32 @!p2 $0x0  }
0x1d: {  	s5 =	simm.s32 @p1 $0x1;
	p0 =	seq.s32 s7, s2  }
0x1e: {  	s7 =	smul.u32 @!p0 $0xF7A, s2;
	p2 =	seq.s32 @!p0 s5, $0x0  }
0x1f: {  	s9 =	smul.u32 $0xF7A, s1;
	s8 =	simm.s32 @!p0 $0x1BF5;
	p2 =	por !p2, p0  }
0x20: {  	[sflag:s8] =	ssyncset.s32 @!p0 $0xFFFFF086;
	s6 =	sadd.s32 @!p0 s3, s7;
	s7 =	simm.s32 @!p0 $0x108  }
0x21: {  	s3 =	sadd.s32 s3, s9;
	s6 =	sadd.s32 @!p0 $0x88, s6;
	s7 =	simm.s32 @p2 $0x1082  }
0x22: {  	[simem:s7], [sflag:s8] =	dma.local @!p0 [hbm:s6], $0xF7A  }
0x23: {  	s9 =	sor.u32 $0xD0000000, s2;
	s6 =	simm.s32 $0x108;
	_ =	swait.ge @!p0 [sflag:s8], $0x0  }
0x24: {  	s3 =	sadd.s32 $0x88, s3;
	s6 =	simm.s32 @!p1 $0x1082;
	[sflag:s4] =	ssyncset.s32 $0xFFFFF086  }
0x25: {  	[simem:s6], [sflag:s4] =	dma.local [hbm:s3], $0xF7A  }
0x26: {  	[smem:$0x3F9E] =	sst s1;
	(tag) =	ssettag s2;
	_ =	strace s9  }
0x27: {  	s1 =	sld [smem:$0x3FAE]  }
0x28: {  	s2 =	sld [smem:$0x3FAF]  }
0x29: {  	s4 =	sld [smem:$0x3FB1]  }
0x2a: {  	p0 =	seq.s32 s5, $0x0;
	s5 =	sld [smem:$0x3FB2]  }
0x2b: {  	s6 =	sld [smem:$0x3FB3]  }
0x2c: {  	s7 =	sld [smem:$0x3FB4]  }
0x2d: {  	s3 =	simm.s32 $0x108;
	s8 =	sld [smem:$0x3FB5]  }
0x2e: {  	s3 =	simm.s32 @!p0 $0x1082;
	s9 =	sld [smem:$0x3FB6]  }
0x2f: {  	lr =	sadd.s32 s0, s3;
	s0 =	sld [smem:$0x3FAD]  }
0x30: {  	s3 =	sld [smem:$0x3FB0]  }
0x31: {  	[smem:$0x3FB9] =	sst s10  }
0x32: {  	s10 =	sld [smem:$0x3FB7];
	_ =	sdelay $0x3  }
0x33: {  	p0 =	seq.s32 s10, $0x1;
	s10 =	sld [smem:$0x3FB9];
	_ =	sdelay $0x3  }
0x34: {  	[smem:$0x3FB9] =	sst s10  }
0x35: {  	s10 =	sld [smem:$0x3FB8];
	_ =	sdelay $0x3  }
0x36: {  	p1 =	seq.s32 s10, $0x1;
	s10 =	sld [smem:$0x3FB9];
	_ =	sdelay $0x3  }
0x37: {  	[smem:$0x3FB9] =	sst s10  }
0x38: {  	s10 =	sld [smem:$0x3FBA]  }
0x39: {  	_ = 	snop;
	(pc) =	sbr.ind lr, $3  }
0x3a: {  	_ = 	snop  }
0x3b: {  	_ = 	snop  }
0x3c: {  	p2 =	seq.s32 s10, $0x1;
	s10 =	sld [smem:$0x3FB9]  }
0x3d: {  	_ =	shalt  }
0x3e: {  	_ =	shalt  }
0x3f: {  	_ =	shalt  }
0x40: {  	_ =	shalt  }
0x41: {  	_ =	shalt  }
0x42: {  	_ =	shalt  }
0x43: {  	_ =	shalt  }
0x44: {  	_ =	shalt  }
0x45: {  	_ =	shalt  }
0x46: {  	_ =	shalt  }
0x47: {  	_ =	shalt  }
0x48: {  	_ =	shalt  }
0x49: {  	_ =	shalt  }
0x4a: {  	_ =	shalt  }
0x4b: {  	_ =	shalt  }
0x4c: {  	_ =	shalt  }
0x4d: {  	_ =	shalt  }
0x4e: {  	_ =	shalt  }
0x4f: {  	_ =	shalt  }
0x50: {  	_ =	shalt  }
0x51: {  	_ =	shalt  }
0x52: {  	_ =	shalt  }
0x53: {  	_ =	shalt  }
0x54: {  	_ =	shalt  }
0x55: {  	_ =	shalt  }
0x56: {  	_ =	shalt  }
0x57: {  	_ =	shalt  }
0x58: {  	_ =	shalt  }
0x59: {  	_ =	shalt  }
0x5a: {  	_ =	shalt  }
0x5b: {  	_ =	shalt  }
0x5c: {  	_ =	shalt  }
0x5d: {  	_ =	shalt  }
0x5e: {  	_ =	shalt  }
0x5f: {  	_ =	shalt  }
0x60: {  	_ =	shalt  }
0x61: {  	_ =	shalt  }
0x62: {  	_ =	shalt  }
0x63: {  	_ =	shalt  }
0x64: {  	_ =	shalt  }
0x65: {  	_ =	shalt  }
0x66: {  	_ =	shalt  }
0x67: {  	_ =	shalt  }
0x68: {  	_ =	shalt  }
0x69: {  	_ =	shalt  }
0x6a: {  	_ =	shalt  }
0x6b: {  	_ =	shalt  }
0x6c: {  	_ =	shalt  }
0x6d: {  	_ =	shalt  }
0x6e: {  	_ =	shalt  }
0x6f: {  	_ =	shalt  }
0x70: {  	_ =	shalt  }
0x71: {  	_ =	shalt  }
0x72: {  	_ =	shalt  }
0x73: {  	_ =	shalt  }
0x74: {  	_ =	shalt  }
0x75: {  	_ =	shalt  }
0x76: {  	_ =	shalt  }
0x77: {  	_ =	shalt  }
0x78: {  	_ =	shalt  }
0x79: {  	_ =	shalt  }
0x7a: {  	_ =	shalt  }
0x7b: {  	_ =	shalt  }
0x7c: {  	_ =	shalt  }
0x7d: {  	_ =	shalt  }
0x7e: {  	_ =	shalt  }
0x7f: {  	_ =	shalt  }
0x80: {  	_ =	shalt  }
0x81: {  	_ =	shalt  }
0x82: {  	_ =	shalt  }
0x83: {  	_ =	shalt  }
0x84: {  	_ =	shalt  }
0x85: {  	_ =	shalt  }
0x86: {  	_ =	shalt  }
0x87: {  	_ =	shalt  }
.Lfunc_end0:
.L_simem_size_0:
called_computation_lowered:
.L_overlay_start_0:
0x88: {  	s2 =	sld [smem:$0x3FD9]  }
0x89: {  	s3 =	sld [smem:$0x3FFE];
	_ =	sdelay $0x1  }
0x8a: {  	s1 =	srdreg.scid  }
0x8b: {  	s0 =	sand.u32 $0x1, s1  }
0x8c: {  	s14 =	sshll.u32 s0, $0xA;
	s2 =	sadd.s32 s3, s2  }
0x8d: {  	s2 =	sadd.s32 s2, s14  }
0x8e: {  	[smem:$0x3FC5] =	sst s2  }
0x8f: {  	_ = 	snop  }
0x90: {  	s2 =	sld [smem:$0x3FD0];
	_ =	sdelay $0x2  }
0x91: {  	s4 =	simm.s32 $0xA;
	s5 =	simm.s32 $0x10;
	s15 =	sld [smem:$0x3FC9]  }
0x92: {  	[smem:s5], [sflag:s4] =	dma.local [hbm:s2], $0x1  }
0x93: {  	_ =	swait.eq [sflag:s4], $0x1  }
0x94: {  	[sflag:s4] =	ssyncset.done $0x0  }
0x95: {  	s16 =	sld [smem:$0x12];
	[sflag:s4] =	ssyncadd.s32 $0xFFFFFFFF  }
0x96: {  	s17 =	sld [smem:$0x13];
	(tm) =	ssettm $0x1  }
0x97: {  	s18 =	sld [smem:$0x3FFB];
	_ =	sdelay $0x3  }
0x98: {  	_ =	strace s18  }
0x99: {  	s5 =	sld [smem:$0x3FFC];
	_ =	sdelay $0x3  }
0x9a: {  	_ =	strace s5  }
0x9b: {  	s5 =	sld [smem:$0x3FFD];
	_ =	sdelay $0x3  }
0x9c: {  	_ =	strace s5  }
0x9d: {  	_ =	strace $0x8FFFFFFF  }
0x9e: {  	s19 =	sld [smem:$0x3FDB];
	_ =	sdelay $0x1  }
0x9f: {  	s6 =	simm.s32 $_scs_section_size  }
0xa0: {  	s7 =	simm.s32 $_size__tile_overlayer_lowered;
	s8 =	simm.s32 $_tile_overlayer_lowered  }
0xa1: {  	s22 =	simm.s32 $0x1BFF;
	s21 =	sshll.u32 s8, $0x1;
	s5 =	sadd.s32 s6, s19  }
0xa2: {  	s9 =	simm.s32 $0x0;
	s20 =	sshll.u32 s7, $0x1;
	s7 =	sadd.s32 s21, s5  }
0xa3: {  	[timem:s9], [sflag:s22] =	dma.local [hbm:s7], s20  }
0xa4: {  	_ =	swait.ge [sflag:s22], s20  }
0xa5: {  	s6 =	ssub.s32 $0x0, s20;
	[sflag:s22] =	ssyncset.done $0x0  }
0xa6: {  	[sflag:s22] =	ssyncadd.s32 s6;
	_ =	sdelay $0x1  }
0xa7: {  	s23 =	simm.s32 $0x1B8B  }
0xa8: {  	_ =	swait.ge [sflag:s23], $0x1  }
0xa9: {  	[sflag:s23] =	ssyncset.done $0x0  }
0xaa: {  	s25 =	simm.s32 $0x1B8E;
	s24 =	sld [smem:$0x3FFE];
	[sflag:s23] =	ssyncadd.s32 $0xFFFFFFFF  }
0xab: {  	s26 =	simm.s32 $execute0_lowered;
	[smem:$0x3FD2] =	sst s25  }
0xac: {  	s7 =	sshll.u32 s26, $0x1;
	_ =	strace $0x80000046;
	[dreg:$0x1] =	wrdreg $0xFFFFFFFF  }
0xad: {  	s28 =	simm.s32 $_size_execute0_lowered;
	s5 =	sadd.s32 s5, s7;
	[dreg:$0x0] =	wrdreg $0x0  }
0xae: {  	s7 =	sshll.u32 s28, $0x1;
	[dreg:$0x2] =	wrdreg s5  }
0xaf: {  	[dreg:$0x3] =	wrdreg s7  }
0xb0: {  	[dreg:$0x4] =	wrdreg $0xC0  }
0xb1: {  	_ =	task [dreg:s9], $0x5FFFF  }
0xb2: {  	[dreg:$0x1] =	wrdreg $0xFFFFFFFF  }
0xb3: {  	[dreg:$0x0] =	wrdreg $0x60  }
0xb4: {  	[dreg:$0x2] =	wrdreg s15  }
0xb5: {  	[dreg:$0x3] =	wrdreg s16  }
0xb6: {  	[dreg:$0x4] =	wrdreg s17  }
0xb7: {  	[dreg:$0x5] =	wrdreg s24  }
0xb8: {  	[dreg:$0x6] =	wrdreg $0x9  }
0xb9: {  	_ =	task.clear_ibuf [dreg:s9], $0x7FFFF;
	_ =	strace $0x90000046  }
0xba: {  	s29 =	simm.s32 $0x9;
	_ =	strace $0x80000048  }
0xbb: {  	_ =	swait.ge [sflag:s29], $0x1  }
0xbc: {  	[sflag:s29] =	ssyncadd.s32 $0xFFFFFFFF  }
0xbd: {  	_ =	strace $0x90000048  }
0xbe: {  	_ =	sfence  }
0xbf: {  	s30 =	sld [smem:$0x0];
	_ =	sdelay $0x2  }
0xc0: {  	s31 =	sshll.u32 s1, $0xD;
	s1 =	sshrl.u32 s1, $0x2  }
0xc1: {  	s3 =	sand.u32 $0x4000, s31;
	s1 =	sadd.s32 s1, s30  }
0xc2: {  	s0 =	sor.u32 s3, s0;
	s1 =	sshll.u32 s1, $0x11  }
0xc3: {  	s0 =	sor.u32 s1, s0  }
0xc4: {  	s0 =	sadd.s32 $0x8F2B, s0  }
0xc5: {  	[sflag:s0] =	ssyncadd.remote.s32 $0x1  }
0xc6: {  	_ =	sfence.sel $0xFFFF  }
0xc7: {  	[dreg:$0x0] =	wrdreg $0xFFFFFFFF;
	(pc) =	sbr.abs _section_cstart, $3  }
0xc8: {  	[dreg:$0x1] =	wrdreg $0xFFFFFFFF  }
0xc9: {  	_ =	task.clear_ibuf [dreg:s9], $0x2FFFF;
	_ =	strace $0x9FFFFFFF  }
0xca: {  	(tm) =	ssettm $0x7FFFFFFF  }
0xcb: {  	_ =	shalt  }
tec
execute0_lowered:
.L_overlay_start_1:
0x0: {  	(tag) =	ssettag $0x1  }
0x1: {  	s1 =	stileid.u32  }
0x2: {  	s6 =	rddreg [dreg:$0x0];
	p0 =	sgt.u32 s1, $0x3  }
.Ltmp0:
0x3: {  	s3 =	rddreg [dreg:$0x1];
	(pc) =	sbr.rel @p0 .LBB2_39-.Ltmp0, $4  }
0x4: {  	s4 =	rddreg [dreg:$0x2]  }
0x5: {  	s5 =	rddreg [dreg:$0x3];
	s2 =	simm.s32 $0x0  }
0x6: {  	[smem:$0x7FF] =	sst s2  }
0x7: {  	s0 =	rddreg [dreg:$0x4];
	_ =	strace $0x80000047  }
0x8: {  	s7 =	srdreg.scid;
	s10 =	simm.s32 $0x1;
	s11 =	simm.s32 $0x1000  }
0x9: {  	s12 =	simm.s32 $0x3000;
	s13 =	simm.s32 $0x5000;
	s15 =	simm.s32 $0x2000  }
0xa: {  	s16 =	simm.s32 $0x4000;
	s17 =	simm.s32 $0x7000;
	s7 =	sand.u32 $0x1, s7  }
0xb: {  	s18 =	simm.s32 $0x8000;
	s8 =	sshll.u32 s7, $0x2;
	s7 =	ssub.s32 $0x2, s7  }
0xc: {  	s19 =	simm.s32 $0x9000;
	s8 =	sadd.s32 s1, s8;
	s31 =	sshrl.u32 s7, $0x1  }
0xd: {  	s9 =	sshll.u32 s8, $0x4;
	s14 =	sshll.u32 s8, $0xC;
	s7 =	ssub.s32 s7, s31  }
0xe: {  	s8 =	simm.s32 $0x80;
	s5 =	sadd.s32 s9, s5;
	s3 =	sadd.s32 s3, s9  }
0xf: {  	v1 =	vlaneseq.u32;
	v2 =	vimm.s32 $0x0;
	s4 =	sadd.s32 s4, s9;
	s6 =	sadd.s32 s6, s9;
	s7 =	smax.u32 s7, $0x1  }
0x10: {  	v3 =	vimm.s32 $0x1;
	v4 =	vimm.f32 $0.0e+00;
	s9 =	simm.s32 $0x400;
	v0 =	vmov s14;
	s14 =	simm.s32 $0x6000;
	s5 =	sadd.s32 $0x1000, s5  }
.LBB2_2:
0x11: {  	s20 =	simm.s32 $0x0  }
0x12: {  	[tilespmem:s20], [sflag:$0x1] =	stream.strided.gather [hbm4b:s6+s8], $0x1000, s9, s8, $0x38;
	[tilespmem:$0xA000] =	vst v63  }
0x13: {  	v5 =	vor.u32 s20, v1;
	_ =	swait.ge [sflag:s10], $0x1000  }
0x14: {  	v6 =	vmov s20;
	v7 =	vshll.u32 v5, $0x4;
	[sflag:s10] =	ssyncset.done $0x0  }
0x15: {  	v6 =	vshrl.u32 v6, $0x8;
	v7 =	vand.u32 $0xFF0, v7;
	[sflag:s10] =	ssyncadd.s32 $0xFFFFF000  }
0x16: {  	v6 =	vor.u32 v6, v7;
	v10 =	vld [tilespmem:s20+$0x0];
	_ =	sdelay $0x2  }
0x17: {  	s21 =	simm.s32 $0x10  }
0x18: {  	v7 =	vor.u32 s21, v1  }
0x19: {  	v8 =	vmov s21;
	s21 =	simm.s32 $0x20;
	v9 =	vshll.u32 v7, $0x4;
	[tilespmem:v6+s11+$0x0] =	vst.idx.msk $0xffff, v10  }
.LBB2_3:
0x1a: {  	p0 =	sne.s32 s21, $0xFF0;
	v9 =	vand.u32 $0xFF0, v9;
	v8 =	vshrl.u32 v8, $0x8;
	[tilespmem:v6+s12+$0x0] =	vst.idx.msk $0xffff, v5;
	s20 =	sadd.s32 $0x10, s20;
	v5 =	vmov v7  }
0x1b: {  	v10 =	vld [tilespmem:s20+$0x0];
	v6 =	vor.u32 v8, v9  }
.Ltmp1:
0x1c: {  	(pc) =	sbr.rel @p0 .LBB2_3-.Ltmp1, $3  }
0x1d: {  	_ =	sdelay $0x1  }
0x1e: {  	v7 =	vor.u32 s21, v1  }
0x1f: {  	v8 =	vmov s21;
	v9 =	vshll.u32 v7, $0x4;
	s21 =	sadd.s32 $0x10, s21;
	[tilespmem:v6+s11+$0x0] =	vst.idx.msk $0xffff, v10  }
0x20: {  	_ =	sdelay $0x3  }
0x21: {  	v9 =	vand.u32 $0xFF0, v9;
	v8 =	vshrl.u32 v8, $0x8;
	[tilespmem:v6+s12+$0x0] =	vst.idx.msk $0xffff, v5;
	s20 =	sadd.s32 $0x10, s20  }
0x22: {  	v5 =	vld [tilespmem:s20+$0x0];
	v6 =	vor.u32 v8, v9;
	_ =	sdelay $0x4  }
0x23: {  	[tilespmem:v6+s11+$0x0] =	vst.idx.msk $0xffff, v5  }
0x24: {  	s21 =	simm.s32 $0x0;
	s20 =	simm.s32 $0x40;
	[tilespmem:v6+s12+$0x0] =	vst.idx.msk $0xffff, v7  }
.LBB2_5:
0x25: {  	p0 =	sne.s32 s20, $0x3FC0;
	[tilespmem:s21+$0x5000] =	vst v2;
	s21 =	smov.u32 s20;
	s20 =	sadd.s32 $0x40, s20  }
.Ltmp2:
0x26: {  	(pc) =	sbr.rel @p0 .LBB2_5-.Ltmp2, $2  }
0x27: {  	_ =	sdelay $0x2  }
0x28: {  	s21 =	sshra.s32 s21, $0x2  }
0x29: {  	[tilespmem:s21+$0x5000] =	vst v2;
	s20 =	simm.s32 $0x0;
	s21 =	simm.s32 $0x0  }
.LBB2_7:
0x2a: {  	s22 =	sshra.s32 s21, $0x2  }
0x2b: {  	v5 =	vld [tilespmem:s22+$0x1000];
	_ =	sdelay $0x4  }
0x2c: {  	v5 =	vshll.u32 v5, $0x4  }
0x2d: {  	v5 =	vor.u32 v1, v5  }
0x2e: {  	v5 =	vand.u32 $0xFFF, v5;
	_ =	sdelay $0x4  }
0x2f: {  	[tilespmem:v5+s13+$0x0] =	vst.idx.add.s32.msk $0xffff, v3  }
0x30: {  	v5 =	vld [tilespmem:s22+$0x1010];
	_ =	sdelay $0x4  }
0x31: {  	v5 =	vshll.u32 v5, $0x4  }
0x32: {  	v5 =	vor.u32 v1, v5  }
0x33: {  	p0 =	sne.s32 s21, $0x3F80;
	v5 =	vand.u32 $0xFFF, v5  }
.Ltmp3:
0x34: {  	_ = 	snop;
	(pc) =	sbr.rel @p0 .LBB2_7-.Ltmp3, $2  }
0x35: {  	_ =	sdelay $0x2  }
0x36: {  	s21 =	sadd.s32 $0x80, s21;
	[tilespmem:v5+s13+$0x0] =	vst.idx.add.s32.msk $0xffff, v3  }
0x37: {  	s23 =	simm.s32 $0x0  }
0x38: {  	s21 =	simm.s32 $0x10;
	v6 =	vld [tilespmem:s23+$0x5000]  }
0x39: {  	v5 =	vld [tilespmem:s21+$0x5000];
	_ =	sdelay $0x3  }
0x3a: {  	(xrf0) =	vadd.scan.msk.s32 $0xffff, v6  }
0x3b: {  	(xrf0) =	vadd.scan.msk.s32 $0xffff, v5;
	_ =	sdelay $0x4  }
0x3c: {  	s22 =	simm.s32 $0x20;
	v10, _, _ =	vpop (xrf0)  }
0x3d: {  	v8 =	vld [tilespmem:s22+$0x5000];
	(v2sf) =	vpush v10, $0xF;
	v9, _, _ =	vpop (xrf0)  }
0x3e: {  	(v2sf) =	vpush v9, $0xF;
	_ =	sdelay $0x3  }
0x3f: {  	s24 =	simm.s32 $0x30;
	(xrf0) =	vadd.scan.msk.s32 $0xffff, v8  }
0x40: {  	v7 =	vld [tilespmem:s24+$0x5000];
	_ =	sdelay $0x3  }
0x41: {  	s25 =	simm.s32 $0x100  }
.LBB2_9:
0x42: {  	s26 =	sshra.s32 s25, $0x2;
	p0 =	sne.s32 s25, $0x3FC0;
	s25 =	sadd.s32 $0x40, s25;
	(xrf0) =	vadd.scan.msk.s32 $0xffff, v7;
	v11, _, _ =	vpop (xrf0);
	v12 =	vsub.s32 s20, v6;
	v6 =	vmov v5;
	v5 =	vmov v8  }
.Ltmp4:
0x43: {  	v8 =	vmovc v7;
	(v2sf) =	vpush v11, $0xF;
	v12 =	vadd.s32 v10, v12;
	v10 =	vmovc v9;
	v9 =	vmov v11;
	v7 =	vld [tilespmem:s26+$0x5000];
	(pc) =	sbr.rel @p0 .LBB2_9-.Ltmp4, $4  }
0x44: {  	[tilespmem:s23+$0x6000] =	vst v12;
	s23 =	smov.u32 s21;
	s21 =	smov.u32 s22;
	s22 =	smov.u32 s24  }
0x45: {  	s24 =	smov.u32 s26  }
0x46: {  	s26 =	spop (v2sf)  }
0x47: {  	s20 =	sadd.s32 s20, s26  }
0x48: {  	(xrf0) =	vadd.scan.msk.s32 $0xffff, v7;
	_ =	sdelay $0x1  }
0x49: {  	v11, _, _ =	vpop (xrf0)  }
0x4a: {  	(v2sf) =	vpush v11, $0xF;
	_ =	sdelay $0x2  }
0x4b: {  	v12, _, _ =	vpop (xrf0)  }
0x4c: {  	(v2sf) =	vpush v12, $0xF;
	_ =	sdelay $0x8  }
0x4d: {  	s25 =	spop (v2sf)  }
0x4e: {  	v6 =	vsub.s32 s20, v6;
	s28 =	sadd.s32 s20, s25;
	s29 =	spop (v2sf)  }
0x4f: {  	v6 =	vadd.s32 v10, v6;
	v5 =	vsub.s32 s28, v5;
	s20 =	sadd.s32 s28, s29;
	s30 =	spop (v2sf)  }
0x50: {  	[tilespmem:s23+$0x6000] =	vst v6;
	v5 =	vadd.s32 v9, v5;
	v6 =	vsub.s32 s20, v8;
	s20 =	sadd.s32 s20, s30  }
0x51: {  	[tilespmem:s21+$0x6000] =	vst v5;
	v5 =	vadd.s32 v11, v6;
	v6 =	vsub.s32 s20, v7  }
0x52: {  	[tilespmem:s22+$0x6000] =	vst v5;
	v5 =	vadd.s32 v12, v6  }
0x53: {  	s20 =	simm.s32 $0x0;
	[tilespmem:s24+$0x6000] =	vst v5;
	s31 =	spop (v2sf)  }
.LBB2_11:
0x54: {  	s21 =	sshra.s32 s20, $0x2  }
0x55: {  	v5 =	vld [tilespmem:s21+$0x1000];
	_ =	sdelay $0x4  }
0x56: {  	v6 =	vshll.u32 v5, $0x4  }
0x57: {  	v6 =	vor.u32 v1, v6  }
0x58: {  	v6 =	vand.u32 $0xFFF, v6;
	_ =	sdelay $0x4  }
0x59: {  	v7 =	vld.idx.msk [tilespmem:v6+s14+$0x0], $0xffff;
	_ =	sdelay $0x4  }
0x5a: {  	v8 =	vshll.u32 v7, $0x4  }
0x5b: {  	v9 =	vshra.s32 v7, $0x8;
	v8 =	vand.u32 $0xFF0, v8  }
0x5c: {  	v8 =	vor.u32 v9, v8  }
0x5d: {  	v60 =	vld [tilespmem:s21+$0x3000];
	_ =	sdelay $0x1  }
0x5e: {  	v7 =	vadd.s32 $0x1, v7  }
0x5f: {  	[tilespmem:v6+s14+$0x0] =	vst.idx.msk $0xffff, v7  }
0x60: {  	[tilespmem:v8+s15+$0x0] =	vst.idx.msk $0xffff, v5  }
0x61: {  	[tilespmem:v8+s16+$0x0] =	vst.idx.msk $0xffff, v60  }
0x62: {  	v5 =	vld [tilespmem:s21+$0x1010];
	_ =	sdelay $0x4  }
0x63: {  	v6 =	vshll.u32 v5, $0x4  }
0x64: {  	v6 =	vor.u32 v1, v6  }
0x65: {  	v6 =	vand.u32 $0xFFF, v6;
	_ =	sdelay $0x4  }
0x66: {  	v7 =	vld.idx.msk [tilespmem:v6+s14+$0x0], $0xffff;
	_ =	sdelay $0x4  }
0x67: {  	v61 =	vshll.u32 v7, $0x4  }
0x68: {  	v62 =	vshra.s32 v7, $0x8;
	v8 =	vand.u32 $0xFF0, v61  }
0x69: {  	v8 =	vor.u32 v62, v8  }
0x6a: {  	p0 =	sne.s32 s20, $0x3F80;
	v63 =	vld [tilespmem:s21+$0x3010]  }
.Ltmp5:
0x6b: {  	_ = 	snop;
	(pc) =	sbr.rel @p0 .LBB2_11-.Ltmp5, $4  }
0x6c: {  	v7 =	vadd.s32 $0x1, v7  }
0x6d: {  	[tilespmem:v6+s14+$0x0] =	vst.idx.msk $0xffff, v7  }
0x6e: {  	[tilespmem:v8+s15+$0x0] =	vst.idx.msk $0xffff, v5  }
0x6f: {  	s20 =	sadd.s32 $0x80, s20;
	[tilespmem:v8+s16+$0x0] =	vst.idx.msk $0xffff, v63  }
0x70: {  	s20 =	simm.s32 $0x40;
	s21 =	simm.s32 $0x0  }
.LBB2_13:
0x71: {  	p0 =	sne.s32 s20, $0x3FC0;
	[tilespmem:s21+$0x5000] =	vst v2;
	s21 =	smov.u32 s20;
	s20 =	sadd.s32 $0x40, s20  }
.Ltmp6:
0x72: {  	(pc) =	sbr.rel @p0 .LBB2_13-.Ltmp6, $2  }
0x73: {  	_ =	sdelay $0x2  }
0x74: {  	s21 =	sshra.s32 s21, $0x2  }
0x75: {  	[tilespmem:s21+$0x5000] =	vst v2;
	s20 =	simm.s32 $0x0;
	s21 =	simm.s32 $0x0  }
.LBB2_15:
0x76: {  	s22 =	sshra.s32 s21, $0x2  }
0x77: {  	v5 =	vld [tilespmem:s22+$0x2000];
	_ =	sdelay $0x4  }
0x78: {  	v5 =	vshrl.u32 v5, $0x4  }
0x79: {  	v5 =	vand.u32 $0xFF0, v5  }
0x7a: {  	v5 =	vor.u32 v1, v5;
	_ =	sdelay $0x4  }
0x7b: {  	[tilespmem:v5+s13+$0x0] =	vst.idx.add.s32.msk $0xffff, v3  }
0x7c: {  	v5 =	vld [tilespmem:s22+$0x2010];
	_ =	sdelay $0x4  }
0x7d: {  	v5 =	vshrl.u32 v5, $0x4  }
0x7e: {  	v5 =	vand.u32 $0xFF0, v5  }
0x7f: {  	p0 =	sne.s32 s21, $0x3F80;
	v5 =	vor.u32 v1, v5  }
.Ltmp7:
0x80: {  	_ = 	snop;
	(pc) =	sbr.rel @p0 .LBB2_15-.Ltmp7, $2  }
0x81: {  	_ =	sdelay $0x2  }
0x82: {  	s21 =	sadd.s32 $0x80, s21;
	[tilespmem:v5+s13+$0x0] =	vst.idx.add.s32.msk $0xffff, v3  }
0x83: {  	s23 =	simm.s32 $0x0  }
0x84: {  	s21 =	simm.s32 $0x10;
	v6 =	vld [tilespmem:s23+$0x5000]  }
0x85: {  	v5 =	vld [tilespmem:s21+$0x5000];
	_ =	sdelay $0x3  }
0x86: {  	(xrf0) =	vadd.scan.msk.s32 $0xffff, v6  }
0x87: {  	(xrf0) =	vadd.scan.msk.s32 $0xffff, v5;
	_ =	sdelay $0x4  }
0x88: {  	s22 =	simm.s32 $0x20;
	v10, _, _ =	vpop (xrf0)  }
0x89: {  	v8 =	vld [tilespmem:s22+$0x5000];
	(v2sf) =	vpush v10, $0xF;
	v9, _, _ =	vpop (xrf0)  }
0x8a: {  	(v2sf) =	vpush v9, $0xF;
	_ =	sdelay $0x3  }
0x8b: {  	s24 =	simm.s32 $0x30;
	(xrf0) =	vadd.scan.msk.s32 $0xffff, v8  }
0x8c: {  	v7 =	vld [tilespmem:s24+$0x5000];
	_ =	sdelay $0x3  }
0x8d: {  	s25 =	simm.s32 $0x100  }
.LBB2_17:
0x8e: {  	s26 =	sshra.s32 s25, $0x2;
	p0 =	sne.s32 s25, $0x3FC0;
	s25 =	sadd.s32 $0x40, s25;
	(xrf0) =	vadd.scan.msk.s32 $0xffff, v7;
	v11, _, _ =	vpop (xrf0);
	v12 =	vsub.s32 s20, v6;
	v6 =	vmov v5;
	v5 =	vmov v8  }
.Ltmp8:
0x8f: {  	v8 =	vmovc v7;
	(v2sf) =	vpush v11, $0xF;
	v12 =	vadd.s32 v10, v12;
	v10 =	vmovc v9;
	v9 =	vmov v11;
	v7 =	vld [tilespmem:s26+$0x5000];
	(pc) =	sbr.rel @p0 .LBB2_17-.Ltmp8, $4  }
0x90: {  	[tilespmem:s23+$0x6000] =	vst v12;
	s23 =	smov.u32 s21;
	s21 =	smov.u32 s22;
	s22 =	smov.u32 s24  }
0x91: {  	s24 =	smov.u32 s26  }
0x92: {  	s26 =	spop (v2sf)  }
0x93: {  	s20 =	sadd.s32 s20, s26  }
0x94: {  	(xrf0) =	vadd.scan.msk.s32 $0xffff, v7;
	_ =	sdelay $0x1  }
0x95: {  	v11, _, _ =	vpop (xrf0)  }
0x96: {  	(v2sf) =	vpush v11, $0xF;
	_ =	sdelay $0x2  }
0x97: {  	v12, _, _ =	vpop (xrf0)  }
0x98: {  	(v2sf) =	vpush v12, $0xF;
	_ =	sdelay $0x8  }
0x99: {  	s25 =	spop (v2sf)  }
0x9a: {  	v6 =	vsub.s32 s20, v6;
	s28 =	sadd.s32 s20, s25;
	s29 =	spop (v2sf)  }
0x9b: {  	v6 =	vadd.s32 v10, v6;
	v5 =	vsub.s32 s28, v5;
	s20 =	sadd.s32 s28, s29;
	s30 =	spop (v2sf)  }
0x9c: {  	[tilespmem:s23+$0x6000] =	vst v6;
	v5 =	vadd.s32 v9, v5;
	v6 =	vsub.s32 s20, v8;
	s20 =	sadd.s32 s20, s30  }
0x9d: {  	[tilespmem:s21+$0x6000] =	vst v5;
	v5 =	vadd.s32 v11, v6;
	v6 =	vsub.s32 s20, v7  }
0x9e: {  	[tilespmem:s22+$0x6000] =	vst v5;
	v5 =	vadd.s32 v12, v6  }
0x9f: {  	s20 =	simm.s32 $0x0;
	[tilespmem:s24+$0x6000] =	vst v5;
	s31 =	spop (v2sf)  }
.LBB2_19:
0xa0: {  	s21 =	sshra.s32 s20, $0x2  }
0xa1: {  	v5 =	vld [tilespmem:s21+$0x2000];
	_ =	sdelay $0x4  }
0xa2: {  	v6 =	vshrl.u32 v5, $0x4  }
0xa3: {  	v6 =	vand.u32 $0xFF0, v6  }
0xa4: {  	v6 =	vor.u32 v1, v6;
	_ =	sdelay $0x4  }
0xa5: {  	v7 =	vld.idx.msk [tilespmem:v6+s14+$0x0], $0xffff;
	_ =	sdelay $0x4  }
0xa6: {  	v8 =	vshll.u32 v7, $0x4  }
0xa7: {  	v9 =	vshra.s32 v7, $0x8;
	v8 =	vand.u32 $0xFF0, v8  }
0xa8: {  	v8 =	vor.u32 v9, v8  }
0xa9: {  	v60 =	vld [tilespmem:s21+$0x4000];
	_ =	sdelay $0x1  }
0xaa: {  	v7 =	vadd.s32 $0x1, v7  }
0xab: {  	[tilespmem:v6+s14+$0x0] =	vst.idx.msk $0xffff, v7  }
0xac: {  	[tilespmem:v8+s11+$0x0] =	vst.idx.msk $0xffff, v5  }
0xad: {  	[tilespmem:v8+s12+$0x0] =	vst.idx.msk $0xffff, v60  }
0xae: {  	v5 =	vld [tilespmem:s21+$0x2010];
	_ =	sdelay $0x4  }
0xaf: {  	v6 =	vshrl.u32 v5, $0x4  }
0xb0: {  	v6 =	vand.u32 $0xFF0, v6  }
0xb1: {  	v6 =	vor.u32 v1, v6;
	_ =	sdelay $0x4  }
0xb2: {  	v7 =	vld.idx.msk [tilespmem:v6+s14+$0x0], $0xffff;
	_ =	sdelay $0x4  }
0xb3: {  	v61 =	vshll.u32 v7, $0x4  }
0xb4: {  	v62 =	vshra.s32 v7, $0x8;
	v8 =	vand.u32 $0xFF0, v61  }
0xb5: {  	v8 =	vor.u32 v62, v8  }
0xb6: {  	p0 =	sne.s32 s20, $0x3F80;
	v63 =	vld [tilespmem:s21+$0x4010]  }
.Ltmp9:
0xb7: {  	_ = 	snop;
	(pc) =	sbr.rel @p0 .LBB2_19-.Ltmp9, $4  }
0xb8: {  	v7 =	vadd.s32 $0x1, v7  }
0xb9: {  	[tilespmem:v6+s14+$0x0] =	vst.idx.msk $0xffff, v7  }
0xba: {  	[tilespmem:v8+s11+$0x0] =	vst.idx.msk $0xffff, v5  }
0xbb: {  	s20 =	sadd.s32 $0x80, s20;
	[tilespmem:v8+s12+$0x0] =	vst.idx.msk $0xffff, v63  }
0xbc: {  	s20 =	simm.s32 $0x40;
	s21 =	simm.s32 $0x0  }
.LBB2_21:
0xbd: {  	p0 =	sne.s32 s20, $0x3FC0;
	[tilespmem:s21+$0x5000] =	vst v2;
	s21 =	smov.u32 s20;
	s20 =	sadd.s32 $0x40, s20  }
.Ltmp10:
0xbe: {  	(pc) =	sbr.rel @p0 .LBB2_21-.Ltmp10, $2  }
0xbf: {  	_ =	sdelay $0x2  }
0xc0: {  	s21 =	sshra.s32 s21, $0x2  }
0xc1: {  	[tilespmem:s21+$0x5000] =	vst v2;
	s20 =	simm.s32 $0x0;
	s21 =	simm.s32 $0x0  }
.LBB2_23:
0xc2: {  	s22 =	sshra.s32 s21, $0x2  }
0xc3: {  	v5 =	vld [tilespmem:s22+$0x1000];
	_ =	sdelay $0x4  }
0xc4: {  	v5 =	vshrl.u32 v5, $0xC  }
0xc5: {  	v5 =	vand.u32 $0xFF0, v5  }
0xc6: {  	v5 =	vor.u32 v1, v5;
	_ =	sdelay $0x4  }
0xc7: {  	[tilespmem:v5+s13+$0x0] =	vst.idx.add.s32.msk $0xffff, v3  }
0xc8: {  	v5 =	vld [tilespmem:s22+$0x1010];
	_ =	sdelay $0x4  }
0xc9: {  	v5 =	vshrl.u32 v5, $0xC  }
0xca: {  	v5 =	vand.u32 $0xFF0, v5  }
0xcb: {  	p0 =	sne.s32 s21, $0x3F80;
	v5 =	vor.u32 v1, v5  }
.Ltmp11:
0xcc: {  	_ = 	snop;
	(pc) =	sbr.rel @p0 .LBB2_23-.Ltmp11, $2  }
0xcd: {  	_ =	sdelay $0x2  }
0xce: {  	s21 =	sadd.s32 $0x80, s21;
	[tilespmem:v5+s13+$0x0] =	vst.idx.add.s32.msk $0xffff, v3  }
0xcf: {  	s23 =	simm.s32 $0x0  }
0xd0: {  	s21 =	simm.s32 $0x10;
	v6 =	vld [tilespmem:s23+$0x5000]  }
0xd1: {  	v5 =	vld [tilespmem:s21+$0x5000];
	_ =	sdelay $0x3  }
0xd2: {  	(xrf0) =	vadd.scan.msk.s32 $0xffff, v6  }
0xd3: {  	(xrf0) =	vadd.scan.msk.s32 $0xffff, v5;
	_ =	sdelay $0x4  }
0xd4: {  	s22 =	simm.s32 $0x20;
	v10, _, _ =	vpop (xrf0)  }
0xd5: {  	v8 =	vld [tilespmem:s22+$0x5000];
	(v2sf) =	vpush v10, $0xF;
	v9, _, _ =	vpop (xrf0)  }
0xd6: {  	(v2sf) =	vpush v9, $0xF;
	_ =	sdelay $0x3  }
0xd7: {  	s24 =	simm.s32 $0x30;
	(xrf0) =	vadd.scan.msk.s32 $0xffff, v8  }
0xd8: {  	v7 =	vld [tilespmem:s24+$0x5000];
	_ =	sdelay $0x3  }
0xd9: {  	s25 =	simm.s32 $0x100  }
.LBB2_25:
0xda: {  	s26 =	sshra.s32 s25, $0x2;
	p0 =	sne.s32 s25, $0x3FC0;
	s25 =	sadd.s32 $0x40, s25;
	(xrf0) =	vadd.scan.msk.s32 $0xffff, v7;
	v11, _, _ =	vpop (xrf0);
	v12 =	vsub.s32 s20, v6;
	v6 =	vmov v5;
	v5 =	vmov v8  }
.Ltmp12:
0xdb: {  	v8 =	vmovc v7;
	(v2sf) =	vpush v11, $0xF;
	v12 =	vadd.s32 v10, v12;
	v10 =	vmovc v9;
	v9 =	vmov v11;
	v7 =	vld [tilespmem:s26+$0x5000];
	(pc) =	sbr.rel @p0 .LBB2_25-.Ltmp12, $4  }
0xdc: {  	[tilespmem:s23+$0x6000] =	vst v12;
	s23 =	smov.u32 s21;
	s21 =	smov.u32 s22;
	s22 =	smov.u32 s24  }
0xdd: {  	s24 =	smov.u32 s26  }
0xde: {  	s26 =	spop (v2sf)  }
0xdf: {  	s20 =	sadd.s32 s20, s26  }
0xe0: {  	(xrf0) =	vadd.scan.msk.s32 $0xffff, v7;
	_ =	sdelay $0x1  }
0xe1: {  	v11, _, _ =	vpop (xrf0)  }
0xe2: {  	(v2sf) =	vpush v11, $0xF;
	_ =	sdelay $0x2  }
0xe3: {  	v12, _, _ =	vpop (xrf0)  }
0xe4: {  	(v2sf) =	vpush v12, $0xF;
	_ =	sdelay $0x8  }
0xe5: {  	s25 =	spop (v2sf)  }
0xe6: {  	v6 =	vsub.s32 s20, v6;
	s28 =	sadd.s32 s20, s25;
	s29 =	spop (v2sf)  }
0xe7: {  	v6 =	vadd.s32 v10, v6;
	v5 =	vsub.s32 s28, v5;
	s20 =	sadd.s32 s28, s29;
	s30 =	spop (v2sf)  }
0xe8: {  	[tilespmem:s23+$0x6000] =	vst v6;
	v5 =	vadd.s32 v9, v5;
	v6 =	vsub.s32 s20, v8;
	s20 =	sadd.s32 s20, s30  }
0xe9: {  	[tilespmem:s21+$0x6000] =	vst v5;
	v5 =	vadd.s32 v11, v6;
	v6 =	vsub.s32 s20, v7  }
0xea: {  	[tilespmem:s22+$0x6000] =	vst v5;
	v5 =	vadd.s32 v12, v6  }
0xeb: {  	s20 =	simm.s32 $0x0;
	[tilespmem:s24+$0x6000] =	vst v5;
	s31 =	spop (v2sf)  }
.LBB2_27:
0xec: {  	s21 =	sshra.s32 s20, $0x2  }
0xed: {  	v5 =	vld [tilespmem:s21+$0x1000];
	_ =	sdelay $0x4  }
0xee: {  	v6 =	vshrl.u32 v5, $0xC  }
0xef: {  	v6 =	vand.u32 $0xFF0, v6  }
0xf0: {  	v6 =	vor.u32 v1, v6;
	_ =	sdelay $0x4  }
0xf1: {  	v7 =	vld.idx.msk [tilespmem:v6+s14+$0x0], $0xffff;
	_ =	sdelay $0x4  }
0xf2: {  	v8 =	vshll.u32 v7, $0x4  }
0xf3: {  	v9 =	vshra.s32 v7, $0x8;
	v8 =	vand.u32 $0xFF0, v8  }
0xf4: {  	v8 =	vor.u32 v9, v8  }
0xf5: {  	v60 =	vld [tilespmem:s21+$0x3000];
	_ =	sdelay $0x1  }
0xf6: {  	v7 =	vadd.s32 $0x1, v7  }
0xf7: {  	[tilespmem:v6+s14+$0x0] =	vst.idx.msk $0xffff, v7  }
0xf8: {  	[tilespmem:v8+s15+$0x0] =	vst.idx.msk $0xffff, v5  }
0xf9: {  	[tilespmem:v8+s16+$0x0] =	vst.idx.msk $0xffff, v60  }
0xfa: {  	v5 =	vld [tilespmem:s21+$0x1010];
	_ =	sdelay $0x4  }
0xfb: {  	v6 =	vshrl.u32 v5, $0xC  }
0xfc: {  	v6 =	vand.u32 $0xFF0, v6  }
0xfd: {  	v6 =	vor.u32 v1, v6;
	_ =	sdelay $0x4  }
0xfe: {  	v7 =	vld.idx.msk [tilespmem:v6+s14+$0x0], $0xffff;
	_ =	sdelay $0x4  }
0xff: {  	v61 =	vshll.u32 v7, $0x4  }
0x100: {  	v62 =	vshra.s32 v7, $0x8;
	v8 =	vand.u32 $0xFF0, v61  }
0x101: {  	v8 =	vor.u32 v62, v8  }
0x102: {  	p0 =	sne.s32 s20, $0x3F80;
	v63 =	vld [tilespmem:s21+$0x3010]  }
.Ltmp13:
0x103: {  	_ = 	snop;
	(pc) =	sbr.rel @p0 .LBB2_27-.Ltmp13, $4  }
0x104: {  	v7 =	vadd.s32 $0x1, v7  }
0x105: {  	[tilespmem:v6+s14+$0x0] =	vst.idx.msk $0xffff, v7  }
0x106: {  	[tilespmem:v8+s15+$0x0] =	vst.idx.msk $0xffff, v5  }
0x107: {  	s20 =	sadd.s32 $0x80, s20;
	[tilespmem:v8+s16+$0x0] =	vst.idx.msk $0xffff, v63  }
0x108: {  	s20 =	simm.s32 $0x40;
	s21 =	simm.s32 $0x0  }
.LBB2_29:
0x109: {  	p0 =	sne.s32 s20, $0xFC0;
	[tilespmem:s21+$0x5000] =	vst v2;
	s21 =	smov.u32 s20;
	s20 =	sadd.s32 $0x40, s20  }
.Ltmp14:
0x10a: {  	(pc) =	sbr.rel @p0 .LBB2_29-.Ltmp14, $2  }
0x10b: {  	_ =	sdelay $0x2  }
0x10c: {  	s21 =	sshra.s32 s21, $0x2  }
0x10d: {  	[tilespmem:s21+$0x5000] =	vst v2;
	s20 =	simm.s32 $0x0;
	s21 =	simm.s32 $0x0  }
.LBB2_31:
0x10e: {  	s22 =	sshra.s32 s21, $0x2  }
0x10f: {  	v5 =	vld [tilespmem:s22+$0x2000];
	_ =	sdelay $0x4  }
0x110: {  	v5 =	vshrl.u32 v5, $0x14  }
0x111: {  	v5 =	vand.u32 $0xFF0, v5  }
0x112: {  	v5 =	vor.u32 v1, v5;
	_ =	sdelay $0x4  }
0x113: {  	[tilespmem:v5+s13+$0x0] =	vst.idx.add.s32.msk $0xffff, v3  }
0x114: {  	v5 =	vld [tilespmem:s22+$0x2010];
	_ =	sdelay $0x4  }
0x115: {  	v5 =	vshrl.u32 v5, $0x14  }
0x116: {  	v5 =	vand.u32 $0xFF0, v5  }
0x117: {  	p0 =	sne.s32 s21, $0x3F80;
	v5 =	vor.u32 v1, v5  }
.Ltmp15:
0x118: {  	_ = 	snop;
	(pc) =	sbr.rel @p0 .LBB2_31-.Ltmp15, $2  }
0x119: {  	_ =	sdelay $0x2  }
0x11a: {  	s21 =	sadd.s32 $0x80, s21;
	[tilespmem:v5+s13+$0x0] =	vst.idx.add.s32.msk $0xffff, v3  }
0x11b: {  	s23 =	simm.s32 $0x0  }
0x11c: {  	s21 =	simm.s32 $0x10;
	v6 =	vld [tilespmem:s23+$0x5000]  }
0x11d: {  	v5 =	vld [tilespmem:s21+$0x5000];
	_ =	sdelay $0x3  }
0x11e: {  	(xrf0) =	vadd.scan.msk.s32 $0xffff, v6  }
0x11f: {  	(xrf0) =	vadd.scan.msk.s32 $0xffff, v5;
	_ =	sdelay $0x4  }
0x120: {  	s22 =	simm.s32 $0x20;
	v10, _, _ =	vpop (xrf0)  }
0x121: {  	v8 =	vld [tilespmem:s22+$0x5000];
	(v2sf) =	vpush v10, $0xF;
	v9, _, _ =	vpop (xrf0)  }
0x122: {  	(v2sf) =	vpush v9, $0xF;
	_ =	sdelay $0x3  }
0x123: {  	s24 =	simm.s32 $0x30;
	(xrf0) =	vadd.scan.msk.s32 $0xffff, v8  }
0x124: {  	v7 =	vld [tilespmem:s24+$0x5000];
	_ =	sdelay $0x3  }
0x125: {  	s25 =	simm.s32 $0x100  }
.LBB2_33:
0x126: {  	s26 =	sshra.s32 s25, $0x2;
	p0 =	sne.s32 s25, $0xFC0;
	s25 =	sadd.s32 $0x40, s25;
	(xrf0) =	vadd.scan.msk.s32 $0xffff, v7;
	v11, _, _ =	vpop (xrf0);
	v12 =	vsub.s32 s20, v6;
	v6 =	vmov v5;
	v5 =	vmov v8  }
.Ltmp16:
0x127: {  	v8 =	vmovc v7;
	(v2sf) =	vpush v11, $0xF;
	v12 =	vadd.s32 v10, v12;
	v10 =	vmovc v9;
	v9 =	vmov v11;
	v7 =	vld [tilespmem:s26+$0x5000];
	(pc) =	sbr.rel @p0 .LBB2_33-.Ltmp16, $4  }
0x128: {  	[tilespmem:s23+$0x6000] =	vst v12;
	s23 =	smov.u32 s21;
	s21 =	smov.u32 s22;
	s22 =	smov.u32 s24  }
0x129: {  	s24 =	smov.u32 s26  }
0x12a: {  	s26 =	spop (v2sf)  }
0x12b: {  	s20 =	sadd.s32 s20, s26  }
0x12c: {  	(xrf0) =	vadd.scan.msk.s32 $0xffff, v7;
	_ =	sdelay $0x1  }
0x12d: {  	v11, _, _ =	vpop (xrf0)  }
0x12e: {  	(v2sf) =	vpush v11, $0xF;
	_ =	sdelay $0x2  }
0x12f: {  	v12, _, _ =	vpop (xrf0)  }
0x130: {  	(v2sf) =	vpush v12, $0xF;
	_ =	sdelay $0x8  }
0x131: {  	s25 =	spop (v2sf)  }
0x132: {  	v6 =	vsub.s32 s20, v6;
	s28 =	sadd.s32 s20, s25;
	s29 =	spop (v2sf)  }
0x133: {  	v6 =	vadd.s32 v10, v6;
	v5 =	vsub.s32 s28, v5;
	s20 =	sadd.s32 s28, s29;
	s30 =	spop (v2sf)  }
0x134: {  	[tilespmem:s23+$0x6000] =	vst v6;
	v5 =	vadd.s32 v9, v5;
	v6 =	vsub.s32 s20, v8;
	s20 =	sadd.s32 s20, s30  }
0x135: {  	[tilespmem:s21+$0x6000] =	vst v5;
	v5 =	vadd.s32 v11, v6;
	v6 =	vsub.s32 s20, v7  }
0x136: {  	[tilespmem:s22+$0x6000] =	vst v5;
	v5 =	vadd.s32 v12, v6  }
0x137: {  	s20 =	simm.s32 $0x0;
	[tilespmem:s24+$0x6000] =	vst v5;
	s31 =	spop (v2sf)  }
.LBB2_35:
0x138: {  	s21 =	sshra.s32 s20, $0x2  }
0x139: {  	v5 =	vld [tilespmem:s21+$0x2000];
	_ =	sdelay $0x4  }
0x13a: {  	v5 =	vshrl.u32 v5, $0x14  }
0x13b: {  	v5 =	vand.u32 $0xFF0, v5  }
0x13c: {  	v5 =	vor.u32 v1, v5;
	_ =	sdelay $0x3  }
0x13d: {  	v6 =	vld [tilespmem:s21+$0x4000]  }
0x13e: {  	v7 =	vld.idx.msk [tilespmem:v5+s14+$0x0], $0xffff;
	_ =	sdelay $0x4  }
0x13f: {  	v8 =	vadd.s32 $0x1, v7  }
0x140: {  	[tilespmem:v5+s14+$0x0] =	vst.idx.msk $0xffff, v8  }
0x141: {  	v5 =	vadd.s32 v0, v6;
	[tilespmem:v6+s17+$0x0] =	vst.idx.msk $0xffff, v7  }
0x142: {  	[tilespmem:v7+s18+$0x0] =	vst.idx.msk $0xffff, v5  }
0x143: {  	v5 =	vld [tilespmem:s21+$0x2010];
	_ =	sdelay $0x4  }
0x144: {  	v5 =	vshrl.u32 v5, $0x14  }
0x145: {  	v5 =	vand.u32 $0xFF0, v5  }
0x146: {  	v5 =	vor.u32 v1, v5;
	_ =	sdelay $0x3  }
0x147: {  	v6 =	vld [tilespmem:s21+$0x4010]  }
0x148: {  	v7 =	vld.idx.msk [tilespmem:v5+s14+$0x0], $0xffff;
	_ =	sdelay $0x2  }
0x149: {  	p0 =	sne.s32 s20, $0x3F80  }
.Ltmp17:
0x14a: {  	_ = 	snop;
	(pc) =	sbr.rel @p0 .LBB2_35-.Ltmp17, $4  }
0x14b: {  	v63 =	vadd.s32 $0x1, v7  }
0x14c: {  	[tilespmem:v5+s14+$0x0] =	vst.idx.msk $0xffff, v63  }
0x14d: {  	v5 =	vadd.s32 v0, v6;
	[tilespmem:v6+s17+$0x0] =	vst.idx.msk $0xffff, v7  }
0x14e: {  	s20 =	sadd.s32 $0x80, s20;
	[tilespmem:v7+s18+$0x0] =	vst.idx.msk $0xffff, v5  }
0x14f: {  	s20 =	simm.s32 $0x0  }
0x150: {  	v5 =	vld [tilespmem:s20+$0x7000]  }
0x151: {  	s21 =	simm.s32 $0x40  }
.LBB2_37:
0x152: {  	p0 =	sne.s32 s21, $0x3FC0  }
.Ltmp18:
0x153: {  	_ = 	snop;
	(pc) =	sbr.rel @p0 .LBB2_37-.Ltmp18, $4  }
0x154: {  	_ = 	snop  }
0x155: {  	s22 =	sshra.s32 s21, $0x2;
	s21 =	sadd.s32 $0x40, s21;
	vm0 =	vgt.s32 v5, $0x3FF  }
0x156: {  	v5 =	vld [tilespmem:s22+$0x7000];
	v6 =	vsel vm0, $0x3F800000, v4  }
0x157: {  	[tilespmem:s20+$0x9000] =	vst v6;
	s20 =	smov.u32 s22  }
0x158: {  	_ =	sdelay $0x2  }
0x159: {  	vm0 =	vgt.s32 v5, $0x3FF  }
0x15a: {  	v5 =	vsel vm0, $0x3F800000, v4  }
0x15b: {  	[tilespmem:s20+$0x9000] =	vst v5  }
0x15c: {  	[hbm4b:s3+s8] =	stream.strided.scatter [tilespmem:s17], [sflag:$0x1], $0x1000, s9, s8, $0x38;
	[tilespmem:$0xA000] =	vst v63  }
0x15d: {  	_ =	swait.ge [sflag:s10], $0x1000  }
0x15e: {  	[sflag:s10] =	ssyncset.done $0x0  }
0x15f: {  	[sflag:s10] =	ssyncadd.s32 $0xFFFFF000  }
0x160: {  	[hbm4b:s4+s8] =	stream.strided.scatter [tilespmem:s19], [sflag:$0x1], $0x1000, s9, s8, $0x38;
	[tilespmem:$0xA000] =	vst v63  }
0x161: {  	s2 =	sadd.s32 $0x1, s2;
	_ =	swait.ge [sflag:s10], $0x1000  }
0x162: {  	p0 =	sne.s32 s2, s7;
	[sflag:s10] =	ssyncset.done $0x0  }
.Ltmp19:
0x163: {  	[sflag:s10] =	ssyncadd.s32 $0xFFFFF000;
	(pc) =	sbr.rel @p0 .LBB2_2-.Ltmp19, $4  }
0x164: {  	[hbm4b:s5+s8] =	stream.strided.scatter [tilespmem:s18], [sflag:$0x1], $0x1000, s9, s8, $0x38;
	[tilespmem:$0xA000] =	vst v63  }
0x165: {  	_ =	swait.ge [sflag:s10], $0x1000  }
0x166: {  	[sflag:s10] =	ssyncset.done $0x0  }
0x167: {  	[sflag:s10] =	ssyncadd.s32 $0xFFFFF000  }
.LBB2_39:
0x168: {  	_ =	sfence.sel $0x180000  }
0x169: {  	[bflag:$0x0] =	sbarrier.arrive $0xFFFF  }
0x16a: {  	p0 =	sne.s32 s1, $0x0;
	_ =	strace $0x90000047  }
0x16b: {  	s0 =	sadd.s32 @!p0 $0x100000, s0;
	[bflag:$0x2] =	sbarrier.arrive $0xFFFF  }
0x16c: {  	[sflag:s0] =	ssyncadd.tile.s32 @!p0 $0x1;
	_ =	shalt  }
.Lfunc_end2:
_tile_overlayer_lowered:
.L_overlay_start_2:
0x16d: {  	(tag) =	ssettag $0x2  }
0x16e: {  	s0 =	rddreg [dreg:$0x0];
	s2 =	stileid.u32  }
0x16f: {  	s1 =	rddreg [dreg:$0x1];
	p0 =	sne.s32 s2, $0x0  }
0x170: {  	s3 =	rddreg [dreg:$0x2];
	[bflag:$0x3] =	sbarrier.arrive $0xFFFF;
	s2 =	simm.s32 @!p0 $0x1C01  }
0x171: {  	[timem:s3], [sflag:s2] =	dma.local @!p0 [hbm:s0], s1  }
0x172: {  	s0 =	simm.s32 @!p0 $0x1  }
0x173: {  	_ =	swait.ge @!p0 [sflag:s0], s1  }
0x174: {  	s1 =	ssub.s32 @!p0 $0x0, s1;
	[sflag:s0] =	ssyncset.done @!p0 $0x0  }
0x175: {  	[sflag:s0] =	ssyncadd.s32 @!p0 s1  }
0x176: {  	[bflag:$0x3] =	sbarrier.arrive $0xFFFF  }
0x177: {  	_ =	shalt  }

// kernel: _masker.7.cloned.1.call-start
scs
__scs_entry_jumppad:
0x0: {  	(pc) =	sbr.rel $0x88, $3  }
0x1: {  	(tag) =	ssettag $0x0;
	lr =	simm.s32 $0x1  }
0x2: {  	[smem:$0x3F9E] =	sst lr;
	_ =	strace $0xD0000000  }
0x3: {  	_ = 	snop  }
0x4: {  	_ = 	snop  }
0x5: {  	_ = 	snop  }
0x6: {  	_ = 	snop  }
0x7: {  	_ = 	snop  }
__scs_overlays_trampoline_lowered:
0x8: {  	[smem:$0x3FAD] =	sst s0  }
0x9: {  	[smem:$0x3FAE] =	sst s1  }
0xa: {  	[smem:$0x3FAF] =	sst s2  }
0xb: {  	[smem:$0x3FB0] =	sst s3  }
0xc: {  	[smem:$0x3FB1] =	sst s4  }
0xd: {  	[smem:$0x3FB2] =	sst s5  }
0xe: {  	[smem:$0x3FB3] =	sst s6  }
0xf: {  	[smem:$0x3FB4] =	sst s7  }
0x10: {  	[smem:$0x3FB5] =	sst s8  }
0x11: {  	[smem:$0x3FB6] =	sst s9;
	s0 =	simm.s32 @!p0 $0x0  }
0x12: {  	s1 =	sld [smem:$0x3F9C];
	s0 =	simm.s32 @p0 $0x1  }
0x13: {  	[smem:$0x3FB7] =	sst s0;
	s0 =	simm.s32 @!p1 $0x0  }
0x14: {  	s2 =	sld [smem:$0x3F9B];
	s0 =	simm.s32 @p1 $0x1  }
0x15: {  	[smem:$0x3FB8] =	sst s0;
	s0 =	simm.s32 @!p2 $0x0  }
0x16: {  	s3 =	sld [smem:$0x3FDB];
	s0 =	simm.s32 @p2 $0x1  }
0x17: {  	s4 =	simm.s32 $0x1BF5;
	[smem:$0x3FBA] =	sst s0  }
0x18: {  	s0 =	sld [smem:$0x3F9D];
	_ =	swait.ge [sflag:s4], $0x0  }
0x19: {  	s7 =	sld [smem:$0x3F9E]  }
0x1a: {  	s8 =	sadd.s32 $0xFFFFE003, lr  }
0x1b: {  	s9 =	sadd.s32 $0xFFFFFEF7, lr;
	s5 =	simm.s32 $0xFFFFFFFF;
	p2 =	slt.u32 s8, $0xFFFFF086  }
0x1c: {  	p1 =	slt.u32 s9, $0xF7A;
	s5 =	simm.s32 @!p2 $0x0  }
0x1d: {  	s5 =	simm.s32 @p1 $0x1;
	p0 =	seq.s32 s7, s2  }
0x1e: {  	s7 =	smul.u32 @!p0 $0xF7A, s2;
	p2 =	seq.s32 @!p0 s5, $0x0  }
0x1f: {  	s9 =	smul.u32 $0xF7A, s1;
	s8 =	simm.s32 @!p0 $0x1BF5;
	p2 =	por !p2, p0  }
0x20: {  	[sflag:s8] =	ssyncset.s32 @!p0 $0xFFFFF086;
	s6 =	sadd.s32 @!p0 s3, s7;
	s7 =	simm.s32 @!p0 $0x108  }
0x21: {  	s3 =	sadd.s32 s3, s9;
	s6 =	sadd.s32 @!p0 $0x88, s6;
	s7 =	simm.s32 @p2 $0x1082  }
0x22: {  	[simem:s7], [sflag:s8] =	dma.local @!p0 [hbm:s6], $0xF7A  }
0x23: {  	s9 =	sor.u32 $0xD0000000, s2;
	s6 =	simm.s32 $0x108;
	_ =	swait.ge @!p0 [sflag:s8], $0x0  }
0x24: {  	s3 =	sadd.s32 $0x88, s3;
	s6 =	simm.s32 @!p1 $0x1082;
	[sflag:s4] =	ssyncset.s32 $0xFFFFF086  }
0x25: {  	[simem:s6], [sflag:s4] =	dma.local [hbm:s3], $0xF7A  }
0x26: {  	[smem:$0x3F9E] =	sst s1;
	(tag) =	ssettag s2;
	_ =	strace s9  }
0x27: {  	s1 =	sld [smem:$0x3FAE]  }
0x28: {  	s2 =	sld [smem:$0x3FAF]  }
0x29: {  	s4 =	sld [smem:$0x3FB1]  }
0x2a: {  	p0 =	seq.s32 s5, $0x0;
	s5 =	sld [smem:$0x3FB2]  }
0x2b: {  	s6 =	sld [smem:$0x3FB3]  }
0x2c: {  	s7 =	sld [smem:$0x3FB4]  }
0x2d: {  	s3 =	simm.s32 $0x108;
	s8 =	sld [smem:$0x3FB5]  }
0x2e: {  	s3 =	simm.s32 @!p0 $0x1082;
	s9 =	sld [smem:$0x3FB6]  }
0x2f: {  	lr =	sadd.s32 s0, s3;
	s0 =	sld [smem:$0x3FAD]  }
0x30: {  	s3 =	sld [smem:$0x3FB0]  }
0x31: {  	[smem:$0x3FB9] =	sst s10  }
0x32: {  	s10 =	sld [smem:$0x3FB7];
	_ =	sdelay $0x3  }
0x33: {  	p0 =	seq.s32 s10, $0x1;
	s10 =	sld [smem:$0x3FB9];
	_ =	sdelay $0x3  }
0x34: {  	[smem:$0x3FB9] =	sst s10  }
0x35: {  	s10 =	sld [smem:$0x3FB8];
	_ =	sdelay $0x3  }
0x36: {  	p1 =	seq.s32 s10, $0x1;
	s10 =	sld [smem:$0x3FB9];
	_ =	sdelay $0x3  }
0x37: {  	[smem:$0x3FB9] =	sst s10  }
0x38: {  	s10 =	sld [smem:$0x3FBA]  }
0x39: {  	_ = 	snop;
	(pc) =	sbr.ind lr, $3  }
0x3a: {  	_ = 	snop  }
0x3b: {  	_ = 	snop  }
0x3c: {  	p2 =	seq.s32 s10, $0x1;
	s10 =	sld [smem:$0x3FB9]  }
0x3d: {  	_ =	shalt  }
0x3e: {  	_ =	shalt  }
0x3f: {  	_ =	shalt  }
0x40: {  	_ =	shalt  }
0x41: {  	_ =	shalt  }
0x42: {  	_ =	shalt  }
0x43: {  	_ =	shalt  }
0x44: {  	_ =	shalt  }
0x45: {  	_ =	shalt  }
0x46: {  	_ =	shalt  }
0x47: {  	_ =	shalt  }
0x48: {  	_ =	shalt  }
0x49: {  	_ =	shalt  }
0x4a: {  	_ =	shalt  }
0x4b: {  	_ =	shalt  }
0x4c: {  	_ =	shalt  }
0x4d: {  	_ =	shalt  }
0x4e: {  	_ =	shalt  }
0x4f: {  	_ =	shalt  }
0x50: {  	_ =	shalt  }
0x51: {  	_ =	shalt  }
0x52: {  	_ =	shalt  }
0x53: {  	_ =	shalt  }
0x54: {  	_ =	shalt  }
0x55: {  	_ =	shalt  }
0x56: {  	_ =	shalt  }
0x57: {  	_ =	shalt  }
0x58: {  	_ =	shalt  }
0x59: {  	_ =	shalt  }
0x5a: {  	_ =	shalt  }
0x5b: {  	_ =	shalt  }
0x5c: {  	_ =	shalt  }
0x5d: {  	_ =	shalt  }
0x5e: {  	_ =	shalt  }
0x5f: {  	_ =	shalt  }
0x60: {  	_ =	shalt  }
0x61: {  	_ =	shalt  }
0x62: {  	_ =	shalt  }
0x63: {  	_ =	shalt  }
0x64: {  	_ =	shalt  }
0x65: {  	_ =	shalt  }
0x66: {  	_ =	shalt  }
0x67: {  	_ =	shalt  }
0x68: {  	_ =	shalt  }
0x69: {  	_ =	shalt  }
0x6a: {  	_ =	shalt  }
0x6b: {  	_ =	shalt  }
0x6c: {  	_ =	shalt  }
0x6d: {  	_ =	shalt  }
0x6e: {  	_ =	shalt  }
0x6f: {  	_ =	shalt  }
0x70: {  	_ =	shalt  }
0x71: {  	_ =	shalt  }
0x72: {  	_ =	shalt  }
0x73: {  	_ =	shalt  }
0x74: {  	_ =	shalt  }
0x75: {  	_ =	shalt  }
0x76: {  	_ =	shalt  }
0x77: {  	_ =	shalt  }
0x78: {  	_ =	shalt  }
0x79: {  	_ =	shalt  }
0x7a: {  	_ =	shalt  }
0x7b: {  	_ =	shalt  }
0x7c: {  	_ =	shalt  }
0x7d: {  	_ =	shalt  }
0x7e: {  	_ =	shalt  }
0x7f: {  	_ =	shalt  }
0x80: {  	_ =	shalt  }
0x81: {  	_ =	shalt  }
0x82: {  	_ =	shalt  }
0x83: {  	_ =	shalt  }
0x84: {  	_ =	shalt  }
0x85: {  	_ =	shalt  }
0x86: {  	_ =	shalt  }
0x87: {  	_ =	shalt  }
.Lfunc_end0:
.L_simem_size_0:
called_computation.1_lowered:
.L_overlay_start_0:
0x88: {  	s2 =	sld [smem:$0x3FD9]  }
0x89: {  	s3 =	sld [smem:$0x3FFE];
	_ =	sdelay $0x1  }
0x8a: {  	s1 =	srdreg.scid  }
0x8b: {  	s0 =	sand.u32 $0x1, s1  }
0x8c: {  	s14 =	sshll.u32 s0, $0xA;
	s2 =	sadd.s32 s3, s2  }
0x8d: {  	s2 =	sadd.s32 s2, s14  }
0x8e: {  	[smem:$0x3FC5] =	sst s2  }
0x8f: {  	_ = 	snop  }
0x90: {  	s2 =	sld [smem:$0x3FD0];
	_ =	sdelay $0x1  }
0x91: {  	s15 =	sld [smem:$0x3FC8]  }
0x92: {  	s5 =	simm.s32 $0xA;
	s6 =	simm.s32 $0x10;
	s4 =	sld [smem:$0x3FC7]  }
0x93: {  	[smem:s6], [sflag:s5] =	dma.local [hbm:s2], $0x1  }
0x94: {  	_ =	swait.eq [sflag:s5], $0x1  }
0x95: {  	[sflag:s5] =	ssyncset.done $0x0  }
0x96: {  	s16 =	sld [smem:$0x10];
	[sflag:s5] =	ssyncadd.s32 $0xFFFFFFFF  }
0x97: {  	s17 =	sld [smem:$0x11];
	(tm) =	ssettm $0x1  }
0x98: {  	s18 =	sld [smem:$0x3FFB];
	_ =	sdelay $0x3  }
0x99: {  	_ =	strace s18  }
0x9a: {  	s6 =	sld [smem:$0x3FFC];
	_ =	sdelay $0x3  }
0x9b: {  	_ =	strace s6  }
0x9c: {  	s6 =	sld [smem:$0x3FFD];
	_ =	sdelay $0x3  }
0x9d: {  	_ =	strace s6  }
0x9e: {  	_ =	strace $0x8FFFFFFF  }
0x9f: {  	s19 =	sld [smem:$0x3FDB];
	_ =	sdelay $0x1  }
0xa0: {  	s7 =	simm.s32 $_scs_section_size  }
0xa1: {  	s8 =	simm.s32 $_size__tile_overlayer_lowered;
	s9 =	simm.s32 $_tile_overlayer_lowered  }
0xa2: {  	s22 =	simm.s32 $0x1BFF;
	s21 =	sshll.u32 s9, $0x1;
	s6 =	sadd.s32 s7, s19  }
0xa3: {  	s10 =	simm.s32 $0x0;
	s20 =	sshll.u32 s8, $0x1;
	s8 =	sadd.s32 s21, s6  }
0xa4: {  	[timem:s10], [sflag:s22] =	dma.local [hbm:s8], s20  }
0xa5: {  	_ =	swait.ge [sflag:s22], s20  }
0xa6: {  	s7 =	ssub.s32 $0x0, s20;
	[sflag:s22] =	ssyncset.done $0x0  }
0xa7: {  	[sflag:s22] =	ssyncadd.s32 s7;
	_ =	sdelay $0x1  }
0xa8: {  	s23 =	simm.s32 $0x1B8B  }
0xa9: {  	_ =	swait.ge [sflag:s23], $0x1  }
0xaa: {  	[sflag:s23] =	ssyncset.done $0x0  }
0xab: {  	s25 =	simm.s32 $0x1B8E;
	s24 =	sld [smem:$0x3FFE];
	[sflag:s23] =	ssyncadd.s32 $0xFFFFFFFF  }
0xac: {  	s26 =	simm.s32 $execute0_lowered;
	[smem:$0x3FD2] =	sst s25  }
0xad: {  	s8 =	sshll.u32 s26, $0x1;
	_ =	strace $0x80000049;
	[dreg:$0x1] =	wrdreg $0xFFFFFFFF  }
0xae: {  	s28 =	simm.s32 $_size_execute0_lowered;
	s6 =	sadd.s32 s6, s8;
	[dreg:$0x0] =	wrdreg $0x0  }
0xaf: {  	s8 =	sshll.u32 s28, $0x1;
	[dreg:$0x2] =	wrdreg s6  }
0xb0: {  	[dreg:$0x3] =	wrdreg s8  }
0xb1: {  	[dreg:$0x4] =	wrdreg $0xC0  }
0xb2: {  	_ =	task [dreg:s10], $0x5FFFF  }
0xb3: {  	[dreg:$0x1] =	wrdreg $0xFFFFFFFF  }
0xb4: {  	[dreg:$0x0] =	wrdreg $0x60  }
0xb5: {  	[dreg:$0x2] =	wrdreg s15  }
0xb6: {  	[dreg:$0x3] =	wrdreg s4  }
0xb7: {  	[dreg:$0x4] =	wrdreg s24  }
0xb8: {  	[dreg:$0x5] =	wrdreg s16  }
0xb9: {  	[dreg:$0x6] =	wrdreg s17  }
0xba: {  	[dreg:$0x7] =	wrdreg $0x9  }
0xbb: {  	_ =	task.clear_ibuf [dreg:s10], $0x8FFFF;
	_ =	strace $0x90000049  }
0xbc: {  	s29 =	simm.s32 $0x9;
	_ =	strace $0x8000004B  }
0xbd: {  	_ =	swait.ge [sflag:s29], $0x1  }
0xbe: {  	[sflag:s29] =	ssyncadd.s32 $0xFFFFFFFF  }
0xbf: {  	_ =	strace $0x9000004B  }
0xc0: {  	_ =	sfence  }
0xc1: {  	s30 =	sld [smem:$0x0];
	_ =	sdelay $0x2  }
0xc2: {  	s31 =	sshll.u32 s1, $0xD;
	s1 =	sshrl.u32 s1, $0x2  }
0xc3: {  	s3 =	sand.u32 $0x4000, s31;
	s1 =	sadd.s32 s1, s30  }
0xc4: {  	s0 =	sor.u32 s3, s0;
	s1 =	sshll.u32 s1, $0x11  }
0xc5: {  	s0 =	sor.u32 s1, s0  }
0xc6: {  	s0 =	sadd.s32 $0x8F2B, s0  }
0xc7: {  	[sflag:s0] =	ssyncadd.remote.s32 $0x1  }
0xc8: {  	_ =	sfence.sel $0xFFFF  }
0xc9: {  	[dreg:$0x0] =	wrdreg $0xFFFFFFFF;
	(pc) =	sbr.abs _section_cstart, $3  }
0xca: {  	[dreg:$0x1] =	wrdreg $0xFFFFFFFF  }
0xcb: {  	_ =	task.clear_ibuf [dreg:s10], $0x2FFFF;
	_ =	strace $0x9FFFFFFF  }
0xcc: {  	(tm) =	ssettm $0x7FFFFFFF  }
0xcd: {  	_ =	shalt  }
tec
execute0_lowered:
.L_overlay_start_1:
0x0: {  	(tag) =	ssettag $0x1  }
0x1: {  	s0 =	rddreg [dreg:$0x0]  }
0x2: {  	s2 =	rddreg [dreg:$0x1]  }
0x3: {  	s4 =	rddreg [dreg:$0x2];
	s1 =	srdreg.scid  }
0x4: {  	s5 =	rddreg [dreg:$0x3];
	s13 =	stileid.u32;
	s28 =	simm.s32 $0x8E00  }
0x5: {  	s29 =	simm.s32 $0xB200;
	s6 =	sand.u32 $0x1, s1;
	s1 =	rddreg [dreg:$0x4]  }
0x6: {  	s7 =	sshrl.u32 s13, $0x2;
	s8 =	sand.u32 $0x3, s13;
	s4 =	sadd.s32 $0x1000, s4  }
0x7: {  	s30 =	sshll.u32 s13, $0x5;
	s3 =	sshll.u32 s6, $0x2;
	s9 =	sshll.u32 s8, $0xB  }
0x8: {  	s11 =	ssub.s32 $0x2, s6;
	s26 =	sshll.u32 s8, $0xD;
	s6 =	sshll.u32 s6, $0x9  }
0x9: {  	s20 =	sshll.u32 s8, $0xA;
	p0 =	seq.s32 s8, $0x0;
	s7 =	sor.u32 s7, s3  }
0xa: {  	s3 =	simm.s32 $0x0;
	s12 =	sshrl.u32 s11, $0x1;
	s6 =	sor.u32 s30, s6  }
0xb: {  	s10 =	sshll.u32 s7, $0x7;
	[smem:$0x7FF] =	sst s3;
	s16 =	smul.u32 $0xC00, s6  }
0xc: {  	s11 =	ssub.s32 s11, s12;
	s17 =	sshll.u32 s7, $0x4;
	s6 =	smul.u32 $0x180, s6  }
0xd: {  	s9 =	sor.u32 s9, s10;
	_ =	strace $0x8000004A;
	s2 =	sadd.s32 s2, s17  }
0xe: {  	s9 =	sshrl.u32 s9, $0x3;
	[dreg:$0xb] =	wrdreg s2;
	s6 =	sadd.s32 s5, s6  }
0xf: {  	s19 =	smul.u32 $0xC00, s7;
	s14 =	sadd.s32 s4, s9;
	[dreg:$0xc] =	wrdreg s6  }
0x10: {  	s30 =	sadd.s32 s10, s1;
	s6 =	sadd.s32 $0xC00, s6;
	[dreg:$0x6] =	wrdreg s14  }
0x11: {  	s17 =	simm.s32 $0x9E00;
	s9 =	sadd.s32 $0x8, s14;
	[dreg:$0xd] =	wrdreg s6  }
0x12: {  	s18 =	sshrl.u32 s16, $0x3;
	s31 =	sadd.s32 $0x80, s14;
	[dreg:$0x7] =	wrdreg s9  }
0x13: {  	s2 =	sadd.s32 s5, s18;
	s15 =	sadd.s32 $0x88, s14;
	[dreg:$0x8] =	wrdreg s31  }
0x14: {  	s16 =	simm.s32 $0x9200;
	s21 =	sadd.s32 $0x1800, s2;
	[dreg:$0x9] =	wrdreg s15  }
0x15: {  	s2 =	sadd.s32 $0x2400, s2;
	s9 =	sor.u32 s26, s10;
	[dreg:$0xe] =	wrdreg s21  }
0x16: {  	[dreg:$0xf] =	wrdreg s2;
	s31 =	smax.u32 s11, $0x1;
	s9 =	sshrl.u32 s9, $0x3  }
0x17: {  	s11 =	simm.s32 $0xC600;
	[dreg:$0x14] =	wrdreg s31;
	s4 =	sadd.s32 s4, s9  }
0x18: {  	s15 =	simm.s32 $0x8600;
	[dreg:$0xa] =	wrdreg s4;
	s4 =	sadd.s32 s19, s20  }
0x19: {  	s9 =	sadd.s32 $0x100, s0;
	s22 =	sadd.s32 $0xBC00, s4;
	s5 =	sadd.s32 $0x11C00, s4  }
0x1a: {  	s23 =	sadd.s32 $0x17C00, s4;
	s24 =	sadd.s32 $0x1DC00, s4;
	s26 =	sadd.s32 $0x23C00, s4  }
0x1b: {  	s4 =	sadd.s32 $0x29C00, s4;
	s2 =	sshrl.u32 s22, $0x3;
	s5 =	sshrl.u32 s5, $0x3  }
0x1c: {  	s6 =	sshrl.u32 s23, $0x3;
	s25 =	sshrl.u32 s24, $0x3;
	s4 =	sshrl.u32 s4, $0x3  }
0x1d: {  	s22 =	simm.s32 $0x3;
	s24 =	simm.s32 $0x7A00;
	s23 =	simm.s32 $0xAA00  }
0x1e: {  	s8 =	sadd.s32 s1, s5;
	s12 =	sadd.s32 s1, s6;
	s7 =	sadd.s32 s1, s25  }
0x1f: {  	s5 =	sshrl.u32 s26, $0x3;
	s14 =	sadd.s32 s1, s4;
	s4 =	sadd.s32 $0x400, s30  }
0x20: {  	s2 =	smov.u32 @p0 s10;
	s6 =	sadd.s32 $0x1400, s30;
	s10 =	simm.s32 $0x0  }
0x21: {  	s25 =	simm.s32 $0x8200;
	s13 =	sadd.s32 s1, s5;
	s8 =	smov.u32 @p0 s4  }
0x22: {  	s5 =	sadd.s32 $0x800, s30;
	s1 =	sadd.s32 s1, s2;
	[dreg:$0x10] =	wrdreg s8  }
0x23: {  	s4 =	sadd.s32 $0xC00, s30;
	s14 =	smov.u32 @p0 s6;
	[dreg:$0x15] =	wrdreg s1  }
0x24: {  	s6 =	simm.s32 $0xA600;
	s12 =	smov.u32 @p0 s5;
	[dreg:$0x16] =	wrdreg s14  }
0x25: {  	v2 =	vlaneseq.u32;
	s5 =	sadd.s32 $0x1000, s30;
	s7 =	smov.u32 @p0 s4;
	[dreg:$0x11] =	wrdreg s12  }
0x26: {  	vm0 =	vmmov $0xffff;
	vm1 =	vmmov $0xff;
	v1 =	vshrl.u32 v2, $0x3;
	s8 =	simm.s32 $0x2;
	[dreg:$0x12] =	wrdreg s7;
	s13 =	smov.u32 @p0 s5  }
0x27: {  	v0 =	vand.u32 $0x7, v2;
	v2 =	vor.u32 $0x8, v2;
	v1 =	vmul.u32 $0x8, v1;
	s5 =	simm.s32 $0x200;
	s7 =	simm.s32 $0x1;
	[dreg:$0x13] =	wrdreg s13  }
.LBB2_1:
0x28: {  	s12 =	rddreg [dreg:$0x6]  }
0x29: {  	[tilespmem:s3], [sflag:$0x3] =	stream.linear.gather [hbm4b:s12+s3], $0x40, $0x38;
	[tilespmem:$0x15E00] =	vst v63  }
0x2a: {  	_ =	swait.ge [sflag:s22], $0x40  }
0x2b: {  	[sflag:s22] =	ssyncset.done $0x0  }
0x2c: {  	s1 =	simm.s32 $0x80;
	s2 =	rddreg [dreg:$0x7];
	[sflag:s22] =	ssyncadd.s32 $0xFFFFFFC0  }
0x2d: {  	[tilespmem:s1], [sflag:$0x3] =	stream.linear.gather [hbm4b:s2+s3], $0x40, $0x38;
	[tilespmem:$0x15E00] =	vst v63  }
0x2e: {  	_ =	swait.ge [sflag:s22], $0x40  }
0x2f: {  	[sflag:s22] =	ssyncset.done $0x0  }
0x30: {  	s13 =	simm.s32 $0x100;
	s4 =	rddreg [dreg:$0x8];
	[sflag:s22] =	ssyncadd.s32 $0xFFFFFFC0  }
0x31: {  	[tilespmem:s13], [sflag:$0x3] =	stream.linear.gather [hbm4b:s4+s3], $0x40, $0x38;
	[tilespmem:$0x15E00] =	vst v63  }
0x32: {  	_ =	swait.ge [sflag:s22], $0x40  }
0x33: {  	[sflag:s22] =	ssyncset.done $0x0  }
0x34: {  	s18 =	simm.s32 $0x180;
	s13 =	rddreg [dreg:$0x9];
	[sflag:s22] =	ssyncadd.s32 $0xFFFFFFC0  }
0x35: {  	[tilespmem:s18], [sflag:$0x3] =	stream.linear.gather [hbm4b:s13+s3], $0x40, $0x38;
	[tilespmem:$0x15E00] =	vst v63  }
0x36: {  	_ =	swait.ge [sflag:s22], $0x40  }
0x37: {  	s13 =	simm.s32 $0x400;
	[sflag:s22] =	ssyncset.done $0x0  }
0x38: {  	s18 =	simm.s32 $0xC200;
	s4 =	rddreg [dreg:$0xa];
	[sflag:s22] =	ssyncadd.s32 $0xFFFFFFC0  }
0x39: {  	[tilespmem:s18], [sflag:$0x3] =	stream.strided.gather [hbm4b:s4+s1], $0x400, s13, s1, $0x38;
	[tilespmem:$0x15E00] =	vst v63  }
0x3a: {  	_ =	swait.ge [sflag:s22], $0x400  }
0x3b: {  	[sflag:s22] =	ssyncset.done $0x0  }
0x3c: {  	[sflag:s22] =	ssyncadd.s32 $0xFFFFFC00  }
0x3d: {  	v3 =	vld [tilespmem:$0x0];
	_ =	sdelay $0x4  }
0x3e: {  	v4 =	vshrl.u32 v3, $0x3  }
0x3f: {  	v4 =	vmul.u32 $0x18, v4  }
0x40: {  	v3 =	vand.u32 $0x7, v3  }
0x41: {  	v3 =	vor.u32 v3, v4  }
0x42: {  	v4 =	vperm.xlane v3, v0;
	_ =	sdelay $0x1  }
0x43: {  	v4 =	vadd.s32 v1, v4;
	_ =	sdelay $0x1  }
0x44: {  	v3 =	vperm.xlane v3, v2;
	_ =	sdelay $0x1  }
0x45: {  	v3 =	vadd.s32 v1, v3  }
0x46: {  	[tilespmem:s5], [sflag:$0x1] =	stream.indirect_vreg.gather [hbm4b:s0+s3], $0x80, v4, vm0, $0xb8;
	[tilespmem:$0x15E00] =	vst v63  }
0x47: {  	s14 =	simm.s32 $0xA00  }
0x48: {  	[tilespmem:s14], [sflag:$0x1] =	stream.indirect_vreg.gather [hbm4b:s9+s3], $0x80, v4, vm1, $0xb8;
	[tilespmem:$0x15E00] =	vst v63  }
0x49: {  	s14 =	simm.s32 $0xE00  }
0x4a: {  	[tilespmem:s14], [sflag:$0x1] =	stream.indirect_vreg.gather [hbm4b:s0+s3], $0x80, v3, vm0, $0xb8;
	[tilespmem:$0x15E00] =	vst v63  }
0x4b: {  	s19 =	simm.s32 $0x1600  }
0x4c: {  	[tilespmem:s19], [sflag:$0x1] =	stream.indirect_vreg.gather [hbm4b:s9+s3], $0x80, v3, vm1, $0xb8;
	[tilespmem:$0x15E00] =	vst v63  }
0x4d: {  	v3 =	vld [tilespmem:$0x10];
	_ =	sdelay $0x4  }
0x4e: {  	v4 =	vshrl.u32 v3, $0x3  }
0x4f: {  	v4 =	vmul.u32 $0x18, v4  }
0x50: {  	v3 =	vand.u32 $0x7, v3  }
0x51: {  	v3 =	vor.u32 v3, v4  }
0x52: {  	v4 =	vperm.xlane v3, v0;
	_ =	sdelay $0x1  }
0x53: {  	v4 =	vadd.s32 v1, v4;
	_ =	sdelay $0x1  }
0x54: {  	v3 =	vperm.xlane v3, v2;
	_ =	sdelay $0x1  }
0x55: {  	s4 =	simm.s32 $0x1A00;
	v3 =	vadd.s32 v1, v3  }
0x56: {  	[tilespmem:s4], [sflag:$0x1] =	stream.indirect_vreg.gather [hbm4b:s0+s3], $0x80, v4, vm0, $0xb8;
	[tilespmem:$0x15E00] =	vst v63  }
0x57: {  	s20 =	simm.s32 $0x2200  }
0x58: {  	[tilespmem:s20], [sflag:$0x1] =	stream.indirect_vreg.gather [hbm4b:s9+s3], $0x80, v4, vm1, $0xb8;
	[tilespmem:$0x15E00] =	vst v63  }
0x59: {  	s20 =	simm.s32 $0x2600  }
0x5a: {  	[tilespmem:s20], [sflag:$0x1] =	stream.indirect_vreg.gather [hbm4b:s0+s3], $0x80, v3, vm0, $0xb8;
	[tilespmem:$0x15E00] =	vst v63  }
0x5b: {  	s26 =	simm.s32 $0x2E00  }
0x5c: {  	[tilespmem:s26], [sflag:$0x1] =	stream.indirect_vreg.gather [hbm4b:s9+s3], $0x80, v3, vm1, $0xb8;
	[tilespmem:$0x15E00] =	vst v63  }
0x5d: {  	v3 =	vld [tilespmem:$0x20];
	_ =	sdelay $0x4  }
0x5e: {  	v4 =	vshrl.u32 v3, $0x3  }
0x5f: {  	v4 =	vmul.u32 $0x18, v4  }
0x60: {  	v3 =	vand.u32 $0x7, v3  }
0x61: {  	v3 =	vor.u32 v3, v4  }
0x62: {  	v4 =	vperm.xlane v3, v0;
	_ =	sdelay $0x1  }
0x63: {  	v4 =	vadd.s32 v1, v4;
	_ =	sdelay $0x1  }
0x64: {  	v3 =	vperm.xlane v3, v2;
	_ =	sdelay $0x1  }
0x65: {  	s19 =	simm.s32 $0x3200;
	v3 =	vadd.s32 v1, v3  }
0x66: {  	[tilespmem:s19], [sflag:$0x1] =	stream.indirect_vreg.gather [hbm4b:s0+s3], $0x80, v4, vm0, $0xb8;
	[tilespmem:$0x15E00] =	vst v63  }
0x67: {  	s21 =	simm.s32 $0x3A00  }
0x68: {  	[tilespmem:s21], [sflag:$0x1] =	stream.indirect_vreg.gather [hbm4b:s9+s3], $0x80, v4, vm1, $0xb8;
	[tilespmem:$0x15E00] =	vst v63  }
0x69: {  	s21 =	simm.s32 $0x3E00  }
0x6a: {  	[tilespmem:s21], [sflag:$0x1] =	stream.indirect_vreg.gather [hbm4b:s0+s3], $0x80, v3, vm0, $0xb8;
	[tilespmem:$0x15E00] =	vst v63  }
0x6b: {  	s30 =	simm.s32 $0x4600  }
0x6c: {  	[tilespmem:s30], [sflag:$0x1] =	stream.indirect_vreg.gather [hbm4b:s9+s3], $0x80, v3, vm1, $0xb8;
	[tilespmem:$0x15E00] =	vst v63  }
0x6d: {  	v3 =	vld [tilespmem:$0x30];
	_ =	sdelay $0x4  }
0x6e: {  	v4 =	vshrl.u32 v3, $0x3  }
0x6f: {  	v4 =	vmul.u32 $0x18, v4  }
0x70: {  	v3 =	vand.u32 $0x7, v3  }
0x71: {  	v3 =	vor.u32 v3, v4  }
0x72: {  	v4 =	vperm.xlane v3, v0;
	_ =	sdelay $0x1  }
0x73: {  	v4 =	vadd.s32 v1, v4;
	_ =	sdelay $0x1  }
0x74: {  	v3 =	vperm.xlane v3, v2;
	_ =	sdelay $0x1  }
0x75: {  	s30 =	simm.s32 $0x4A00;
	v3 =	vadd.s32 v1, v3  }
0x76: {  	[tilespmem:s30], [sflag:$0x1] =	stream.indirect_vreg.gather [hbm4b:s0+s3], $0x80, v4, vm0, $0xb8;
	[tilespmem:$0x15E00] =	vst v63  }
0x77: {  	s31 =	simm.s32 $0x5200  }
0x78: {  	[tilespmem:s31], [sflag:$0x1] =	stream.indirect_vreg.gather [hbm4b:s9+s3], $0x80, v4, vm1, $0xb8;
	[tilespmem:$0x15E00] =	vst v63  }
0x79: {  	s31 =	simm.s32 $0x5600  }
0x7a: {  	[tilespmem:s31], [sflag:$0x1] =	stream.indirect_vreg.gather [hbm4b:s0+s3], $0x80, v3, vm0, $0xb8;
	[tilespmem:$0x15E00] =	vst v63  }
0x7b: {  	s2 =	simm.s32 $0x5E00  }
0x7c: {  	[tilespmem:s2], [sflag:$0x1] =	stream.indirect_vreg.gather [hbm4b:s9+s3], $0x80, v3, vm1, $0xb8;
	[tilespmem:$0x15E00] =	vst v63  }
0x7d: {  	s26 =	rddreg [dreg:$0xb]  }
0x7e: {  	[tilespmem:s11], [sflag:$0x3] =	stream.strided.gather [hbm4b:s26+s1], $0x8000, s13, s1, $0x38;
	[tilespmem:$0x15E00] =	vst v63  }
0x7f: {  	_ =	swait.ge [sflag:s22], $0x8000  }
0x80: {  	[sflag:s22] =	ssyncset.done $0x0  }
0x81: {  	s12 =	simm.s32 $0x0;
	[sflag:s22] =	ssyncadd.s32 $0xFFFF8000  }
0x82: {  	v3 =	vld [tilespmem:s12+$0xC200];
	_ =	sdelay $0x4  }
0x83: {  	v3 =	vshll.u32 v3, $0x3  }
0x84: {  	v4 =	vand.u32 $0x7FF8, v3;
	_ =	sdelay $0x4  }
0x85: {  	v3 =	vld.idx.msk [tilespmem:v4+s11+$0x0], $0xffff  }
0x86: {  	v5 =	vor.u32 $0x1, v4;
	_ =	sdelay $0x3  }
0x87: {  	[tilespmem:s12+$0x14600] =	vst v3  }
0x88: {  	v3 =	vld.idx.msk [tilespmem:v5+s11+$0x0], $0xffff  }
0x89: {  	v5 =	vor.u32 $0x2, v4;
	_ =	sdelay $0x3  }
0x8a: {  	[tilespmem:s12+$0x14A00] =	vst v3  }
0x8b: {  	v3 =	vld.idx.msk [tilespmem:v5+s11+$0x0], $0xffff  }
0x8c: {  	v5 =	vor.u32 $0x3, v4;
	_ =	sdelay $0x3  }
0x8d: {  	[tilespmem:s12+$0x14E00] =	vst v3  }
0x8e: {  	v3 =	vld.idx.msk [tilespmem:v5+s11+$0x0], $0xffff  }
0x8f: {  	v5 =	vor.u32 $0x4, v4;
	_ =	sdelay $0x3  }
0x90: {  	[tilespmem:s12+$0x15200] =	vst v3  }
0x91: {  	v3 =	vld.idx.msk [tilespmem:v5+s11+$0x0], $0xffff  }
0x92: {  	s18 =	simm.s32 $0x10;
	s13 =	simm.s32 $0x80;
	v4 =	vor.u32 $0x5, v4  }
.LBB2_2:
0x93: {  	p0 =	sne.s32 s13, $0xFC0;
	v5 =	vld [tilespmem:s18+$0xC200];
	_ =	sdelay $0x2  }
0x94: {  	[tilespmem:s12+$0x15600] =	vst v3  }
0x95: {  	v3 =	vld.idx.msk [tilespmem:v4+s11+$0x0], $0xffff  }
0x96: {  	v4 =	vshll.u32 v5, $0x3  }
0x97: {  	v4 =	vand.u32 $0x7FF8, v4;
	_ =	sdelay $0x3  }
0x98: {  	[tilespmem:s12+$0x15A00] =	vst v3;
	s12 =	smov.u32 s18  }
0x99: {  	v3 =	vld.idx.msk [tilespmem:v4+s11+$0x0], $0xffff;
	_ =	sdelay $0x1  }
0x9a: {  	v5 =	vor.u32 $0x1, v4;
	_ =	sdelay $0x3  }
0x9b: {  	[tilespmem:s12+$0x14600] =	vst v3  }
0x9c: {  	v3 =	vld.idx.msk [tilespmem:v5+s11+$0x0], $0xffff;
	_ =	sdelay $0x1  }
0x9d: {  	v5 =	vor.u32 $0x2, v4;
	_ =	sdelay $0x3  }
0x9e: {  	[tilespmem:s12+$0x14A00] =	vst v3  }
0x9f: {  	v3 =	vld.idx.msk [tilespmem:v5+s11+$0x0], $0xffff;
	_ =	sdelay $0x1  }
0xa0: {  	v5 =	vor.u32 $0x3, v4;
	_ =	sdelay $0x3  }
0xa1: {  	[tilespmem:s12+$0x14E00] =	vst v3  }
0xa2: {  	v3 =	vld.idx.msk [tilespmem:v5+s11+$0x0], $0xffff;
	_ =	sdelay $0x1  }
0xa3: {  	v5 =	vor.u32 $0x4, v4;
	_ =	sdelay $0x2  }
.Ltmp0:
0xa4: {  	(pc) =	sbr.rel @p0 .LBB2_2-.Ltmp0, $3  }
0xa5: {  	[tilespmem:s12+$0x15200] =	vst v3  }
0xa6: {  	v3 =	vld.idx.msk [tilespmem:v5+s11+$0x0], $0xffff;
	_ =	sdelay $0x1  }
0xa7: {  	s18 =	sshra.s32 s13, $0x2;
	s13 =	sadd.s32 $0x40, s13;
	v4 =	vor.u32 $0x5, v4  }
0xa8: {  	v5 =	vld [tilespmem:s18+$0xC200];
	_ =	sdelay $0x3  }
0xa9: {  	[tilespmem:s12+$0x15600] =	vst v3  }
0xaa: {  	v3 =	vld.idx.msk [tilespmem:v4+s11+$0x0], $0xffff;
	v47 =	vshll.u32 v5, $0x3  }
0xab: {  	v4 =	vand.u32 $0x7FF8, v47;
	_ =	sdelay $0x3  }
0xac: {  	[tilespmem:s12+$0x15A00] =	vst v3  }
0xad: {  	v3 =	vld.idx.msk [tilespmem:v4+s11+$0x0], $0xffff  }
0xae: {  	v48 =	vor.u32 $0x1, v4;
	_ =	sdelay $0x3  }
0xaf: {  	[tilespmem:s18+$0x14600] =	vst v3  }
0xb0: {  	v3 =	vld.idx.msk [tilespmem:v48+s11+$0x0], $0xffff  }
0xb1: {  	v49 =	vor.u32 $0x2, v4;
	_ =	sdelay $0x3  }
0xb2: {  	[tilespmem:s18+$0x14A00] =	vst v3  }
0xb3: {  	v3 =	vld.idx.msk [tilespmem:v49+s11+$0x0], $0xffff  }
0xb4: {  	v50 =	vor.u32 $0x3, v4;
	_ =	sdelay $0x3  }
0xb5: {  	[tilespmem:s18+$0x14E00] =	vst v3  }
0xb6: {  	v3 =	vld.idx.msk [tilespmem:v50+s11+$0x0], $0xffff  }
0xb7: {  	v51 =	vor.u32 $0x4, v4;
	_ =	sdelay $0x3  }
0xb8: {  	[tilespmem:s18+$0x15200] =	vst v3  }
0xb9: {  	v3 =	vld.idx.msk [tilespmem:v51+s11+$0x0], $0xffff  }
0xba: {  	v4 =	vor.u32 $0x5, v4;
	_ =	sdelay $0x3  }
0xbb: {  	[tilespmem:s18+$0x15600] =	vst v3  }
0xbc: {  	v3 =	vld.idx.msk [tilespmem:v4+s11+$0x0], $0xffff;
	_ =	sdelay $0x4  }
0xbd: {  	[tilespmem:s18+$0x15A00] =	vst v3  }
0xbe: {  	v3 =	vld [tilespmem:$0x80];
	_ =	sdelay $0x4  }
0xbf: {  	v52 =	vshrl.u32 v3, $0x3  }
0xc0: {  	v4 =	vmul.u32 $0x18, v52  }
0xc1: {  	v3 =	vand.u32 $0x7, v3  }
0xc2: {  	v3 =	vor.u32 v3, v4  }
0xc3: {  	v4 =	vperm.xlane v3, v0;
	_ =	sdelay $0x1  }
0xc4: {  	v4 =	vadd.s32 v1, v4;
	_ =	sdelay $0x1  }
0xc5: {  	v3 =	vperm.xlane v3, v2;
	_ =	sdelay $0x1  }
0xc6: {  	s19 =	simm.s32 $0x6200;
	v3 =	vadd.s32 v1, v3  }
0xc7: {  	[tilespmem:s19], [sflag:$0x2] =	stream.indirect_vreg.gather [hbm4b:s0+s3], $0x80, v4, vm0, $0xb8;
	[tilespmem:$0x15E00] =	vst v63  }
0xc8: {  	s13 =	simm.s32 $0x6A00  }
0xc9: {  	[tilespmem:s13], [sflag:$0x2] =	stream.indirect_vreg.gather [hbm4b:s9+s3], $0x80, v4, vm1, $0xb8;
	[tilespmem:$0x15E00] =	vst v63  }
0xca: {  	s18 =	simm.s32 $0x6E00  }
0xcb: {  	[tilespmem:s18], [sflag:$0x2] =	stream.indirect_vreg.gather [hbm4b:s0+s3], $0x80, v3, vm0, $0xb8;
	[tilespmem:$0x15E00] =	vst v63  }
0xcc: {  	s1 =	simm.s32 $0x7600  }
0xcd: {  	[tilespmem:s1], [sflag:$0x2] =	stream.indirect_vreg.gather [hbm4b:s9+s3], $0x80, v3, vm1, $0xb8;
	[tilespmem:$0x15E00] =	vst v63  }
0xce: {  	v3 =	vld [tilespmem:$0x90];
	_ =	sdelay $0x4  }
0xcf: {  	v53 =	vshrl.u32 v3, $0x3  }
0xd0: {  	v4 =	vmul.u32 $0x18, v53  }
0xd1: {  	v3 =	vand.u32 $0x7, v3  }
0xd2: {  	v3 =	vor.u32 v3, v4  }
0xd3: {  	v4 =	vperm.xlane v3, v0;
	_ =	sdelay $0x1  }
0xd4: {  	v4 =	vadd.s32 v1, v4;
	_ =	sdelay $0x1  }
0xd5: {  	v3 =	vperm.xlane v3, v2;
	_ =	sdelay $0x1  }
0xd6: {  	v3 =	vadd.s32 v1, v3  }
0xd7: {  	[tilespmem:s24], [sflag:$0x2] =	stream.indirect_vreg.gather [hbm4b:s0+s3], $0x80, v4, vm0, $0xb8;
	[tilespmem:$0x15E00] =	vst v63  }
0xd8: {  	_ = 	snop  }
0xd9: {  	[tilespmem:s25], [sflag:$0x2] =	stream.indirect_vreg.gather [hbm4b:s9+s3], $0x80, v4, vm1, $0xb8;
	[tilespmem:$0x15E00] =	vst v63  }
0xda: {  	_ = 	snop  }
0xdb: {  	[tilespmem:s15], [sflag:$0x2] =	stream.indirect_vreg.gather [hbm4b:s0+s3], $0x80, v3, vm0, $0xb8;
	[tilespmem:$0x15E00] =	vst v63  }
0xdc: {  	_ = 	snop  }
0xdd: {  	[tilespmem:s28], [sflag:$0x2] =	stream.indirect_vreg.gather [hbm4b:s9+s3], $0x80, v3, vm1, $0xb8;
	[tilespmem:$0x15E00] =	vst v63  }
0xde: {  	v3 =	vld [tilespmem:$0xA0];
	_ =	sdelay $0x4  }
0xdf: {  	v54 =	vshrl.u32 v3, $0x3  }
0xe0: {  	v4 =	vmul.u32 $0x18, v54  }
0xe1: {  	v3 =	vand.u32 $0x7, v3  }
0xe2: {  	v3 =	vor.u32 v3, v4  }
0xe3: {  	v4 =	vperm.xlane v3, v0;
	_ =	sdelay $0x1  }
0xe4: {  	v4 =	vadd.s32 v1, v4;
	_ =	sdelay $0x1  }
0xe5: {  	v3 =	vperm.xlane v3, v2;
	_ =	sdelay $0x1  }
0xe6: {  	v3 =	vadd.s32 v1, v3  }
0xe7: {  	[tilespmem:s16], [sflag:$0x2] =	stream.indirect_vreg.gather [hbm4b:s0+s3], $0x80, v4, vm0, $0xb8;
	[tilespmem:$0x15E00] =	vst v63  }
0xe8: {  	s5 =	simm.s32 $0x9A00  }
0xe9: {  	[tilespmem:s5], [sflag:$0x2] =	stream.indirect_vreg.gather [hbm4b:s9+s3], $0x80, v4, vm1, $0xb8;
	[tilespmem:$0x15E00] =	vst v63  }
0xea: {  	_ = 	snop  }
0xeb: {  	[tilespmem:s17], [sflag:$0x2] =	stream.indirect_vreg.gather [hbm4b:s0+s3], $0x80, v3, vm0, $0xb8;
	[tilespmem:$0x15E00] =	vst v63  }
0xec: {  	_ = 	snop  }
0xed: {  	[tilespmem:s6], [sflag:$0x2] =	stream.indirect_vreg.gather [hbm4b:s9+s3], $0x80, v3, vm1, $0xb8;
	[tilespmem:$0x15E00] =	vst v63  }
0xee: {  	v3 =	vld [tilespmem:$0xB0];
	_ =	sdelay $0x4  }
0xef: {  	v55 =	vshrl.u32 v3, $0x3  }
0xf0: {  	v4 =	vmul.u32 $0x18, v55  }
0xf1: {  	v3 =	vand.u32 $0x7, v3  }
0xf2: {  	v3 =	vor.u32 v3, v4  }
0xf3: {  	v4 =	vperm.xlane v3, v0;
	_ =	sdelay $0x1  }
0xf4: {  	v4 =	vadd.s32 v1, v4;
	_ =	sdelay $0x1  }
0xf5: {  	v3 =	vperm.xlane v3, v2;
	_ =	sdelay $0x1  }
0xf6: {  	v3 =	vadd.s32 v1, v3  }
0xf7: {  	[tilespmem:s23], [sflag:$0x2] =	stream.indirect_vreg.gather [hbm4b:s0+s3], $0x80, v4, vm0, $0xb8;
	[tilespmem:$0x15E00] =	vst v63  }
0xf8: {  	_ = 	snop  }
0xf9: {  	[tilespmem:s29], [sflag:$0x2] =	stream.indirect_vreg.gather [hbm4b:s9+s3], $0x80, v4, vm1, $0xb8;
	[tilespmem:$0x15E00] =	vst v63  }
0xfa: {  	s4 =	simm.s32 $0xB600  }
0xfb: {  	[tilespmem:s4], [sflag:$0x2] =	stream.indirect_vreg.gather [hbm4b:s0+s3], $0x80, v3, vm0, $0xb8;
	[tilespmem:$0x15E00] =	vst v63  }
0xfc: {  	s26 =	simm.s32 $0xBE00  }
0xfd: {  	[tilespmem:s26], [sflag:$0x2] =	stream.indirect_vreg.gather [hbm4b:s9+s3], $0x80, v3, vm1, $0xb8;
	[tilespmem:$0x15E00] =	vst v63  }
0xfe: {  	_ =	swait.ge [sflag:s7], $0x6000  }
0xff: {  	[sflag:s7] =	ssyncset.done $0x0  }
0x100: {  	s2 =	simm.s32 $0x200;
	s12 =	rddreg [dreg:$0xc];
	[sflag:s7] =	ssyncadd.s32 $0xFFFFA000  }
0x101: {  	[hbm4b:s12+s3] =	stream.linear.scatter [tilespmem:s2], [sflag:$0x3], $0x6000, $0x38;
	[tilespmem:$0x15E00] =	vst v63  }
0x102: {  	_ =	swait.ge [sflag:s22], $0x6000  }
0x103: {  	[sflag:s22] =	ssyncset.done $0x0  }
0x104: {  	[sflag:s22] =	ssyncadd.s32 $0xFFFFA000  }
0x105: {  	v3 =	vld [tilespmem:$0x100];
	_ =	sdelay $0x4  }
0x106: {  	v56 =	vshrl.u32 v3, $0x3  }
0x107: {  	v4 =	vmul.u32 $0x18, v56  }
0x108: {  	v3 =	vand.u32 $0x7, v3  }
0x109: {  	v3 =	vor.u32 v3, v4  }
0x10a: {  	v4 =	vperm.xlane v3, v0;
	_ =	sdelay $0x1  }
0x10b: {  	v4 =	vadd.s32 v1, v4;
	_ =	sdelay $0x1  }
0x10c: {  	v3 =	vperm.xlane v3, v2;
	_ =	sdelay $0x1  }
0x10d: {  	v3 =	vadd.s32 v1, v3  }
0x10e: {  	[tilespmem:s2], [sflag:$0x1] =	stream.indirect_vreg.gather [hbm4b:s0+s3], $0x80, v4, vm0, $0xb8;
	[tilespmem:$0x15E00] =	vst v63  }
0x10f: {  	s2 =	simm.s32 $0xA00  }
0x110: {  	[tilespmem:s2], [sflag:$0x1] =	stream.indirect_vreg.gather [hbm4b:s9+s3], $0x80, v4, vm1, $0xb8;
	[tilespmem:$0x15E00] =	vst v63  }
0x111: {  	_ = 	snop  }
0x112: {  	[tilespmem:s14], [sflag:$0x1] =	stream.indirect_vreg.gather [hbm4b:s0+s3], $0x80, v3, vm0, $0xb8;
	[tilespmem:$0x15E00] =	vst v63  }
0x113: {  	s2 =	simm.s32 $0x1600  }
0x114: {  	[tilespmem:s2], [sflag:$0x1] =	stream.indirect_vreg.gather [hbm4b:s9+s3], $0x80, v3, vm1, $0xb8;
	[tilespmem:$0x15E00] =	vst v63  }
0x115: {  	v3 =	vld [tilespmem:$0x110];
	_ =	sdelay $0x4  }
0x116: {  	v57 =	vshrl.u32 v3, $0x3  }
0x117: {  	v4 =	vmul.u32 $0x18, v57  }
0x118: {  	v3 =	vand.u32 $0x7, v3  }
0x119: {  	v3 =	vor.u32 v3, v4  }
0x11a: {  	v4 =	vperm.xlane v3, v0;
	_ =	sdelay $0x1  }
0x11b: {  	v4 =	vadd.s32 v1, v4;
	_ =	sdelay $0x1  }
0x11c: {  	v3 =	vperm.xlane v3, v2;
	_ =	sdelay $0x1  }
0x11d: {  	s12 =	simm.s32 $0x1A00;
	v3 =	vadd.s32 v1, v3  }
0x11e: {  	[tilespmem:s12], [sflag:$0x1] =	stream.indirect_vreg.gather [hbm4b:s0+s3], $0x80, v4, vm0, $0xb8;
	[tilespmem:$0x15E00] =	vst v63  }
0x11f: {  	s14 =	simm.s32 $0x2200  }
0x120: {  	[tilespmem:s14], [sflag:$0x1] =	stream.indirect_vreg.gather [hbm4b:s9+s3], $0x80, v4, vm1, $0xb8;
	[tilespmem:$0x15E00] =	vst v63  }
0x121: {  	_ = 	snop  }
0x122: {  	[tilespmem:s20], [sflag:$0x1] =	stream.indirect_vreg.gather [hbm4b:s0+s3], $0x80, v3, vm0, $0xb8;
	[tilespmem:$0x15E00] =	vst v63  }
0x123: {  	s2 =	simm.s32 $0x2E00  }
0x124: {  	[tilespmem:s2], [sflag:$0x1] =	stream.indirect_vreg.gather [hbm4b:s9+s3], $0x80, v3, vm1, $0xb8;
	[tilespmem:$0x15E00] =	vst v63  }
0x125: {  	v3 =	vld [tilespmem:$0x120];
	_ =	sdelay $0x4  }
0x126: {  	v58 =	vshrl.u32 v3, $0x3  }
0x127: {  	v4 =	vmul.u32 $0x18, v58  }
0x128: {  	v3 =	vand.u32 $0x7, v3  }
0x129: {  	v3 =	vor.u32 v3, v4  }
0x12a: {  	v4 =	vperm.xlane v3, v0;
	_ =	sdelay $0x1  }
0x12b: {  	v4 =	vadd.s32 v1, v4;
	_ =	sdelay $0x1  }
0x12c: {  	v3 =	vperm.xlane v3, v2;
	_ =	sdelay $0x1  }
0x12d: {  	s14 =	simm.s32 $0x3200;
	v3 =	vadd.s32 v1, v3  }
0x12e: {  	[tilespmem:s14], [sflag:$0x1] =	stream.indirect_vreg.gather [hbm4b:s0+s3], $0x80, v4, vm0, $0xb8;
	[tilespmem:$0x15E00] =	vst v63  }
0x12f: {  	s20 =	simm.s32 $0x3A00  }
0x130: {  	[tilespmem:s20], [sflag:$0x1] =	stream.indirect_vreg.gather [hbm4b:s9+s3], $0x80, v4, vm1, $0xb8;
	[tilespmem:$0x15E00] =	vst v63  }
0x131: {  	_ = 	snop  }
0x132: {  	[tilespmem:s21], [sflag:$0x1] =	stream.indirect_vreg.gather [hbm4b:s0+s3], $0x80, v3, vm0, $0xb8;
	[tilespmem:$0x15E00] =	vst v63  }
0x133: {  	s21 =	simm.s32 $0x4600  }
0x134: {  	[tilespmem:s21], [sflag:$0x1] =	stream.indirect_vreg.gather [hbm4b:s9+s3], $0x80, v3, vm1, $0xb8;
	[tilespmem:$0x15E00] =	vst v63  }
0x135: {  	v3 =	vld [tilespmem:$0x130];
	_ =	sdelay $0x4  }
0x136: {  	v59 =	vshrl.u32 v3, $0x3  }
0x137: {  	v4 =	vmul.u32 $0x18, v59  }
0x138: {  	v3 =	vand.u32 $0x7, v3  }
0x139: {  	v3 =	vor.u32 v3, v4  }
0x13a: {  	v4 =	vperm.xlane v3, v0;
	_ =	sdelay $0x1  }
0x13b: {  	v4 =	vadd.s32 v1, v4;
	_ =	sdelay $0x1  }
0x13c: {  	v3 =	vperm.xlane v3, v2;
	_ =	sdelay $0x1  }
0x13d: {  	v3 =	vadd.s32 v1, v3  }
0x13e: {  	[tilespmem:s30], [sflag:$0x1] =	stream.indirect_vreg.gather [hbm4b:s0+s3], $0x80, v4, vm0, $0xb8;
	[tilespmem:$0x15E00] =	vst v63  }
0x13f: {  	s2 =	simm.s32 $0x5200  }
0x140: {  	[tilespmem:s2], [sflag:$0x1] =	stream.indirect_vreg.gather [hbm4b:s9+s3], $0x80, v4, vm1, $0xb8;
	[tilespmem:$0x15E00] =	vst v63  }
0x141: {  	_ = 	snop  }
0x142: {  	[tilespmem:s31], [sflag:$0x1] =	stream.indirect_vreg.gather [hbm4b:s0+s3], $0x80, v3, vm0, $0xb8;
	[tilespmem:$0x15E00] =	vst v63  }
0x143: {  	s14 =	simm.s32 $0x5E00  }
0x144: {  	[tilespmem:s14], [sflag:$0x1] =	stream.indirect_vreg.gather [hbm4b:s9+s3], $0x80, v3, vm1, $0xb8;
	[tilespmem:$0x15E00] =	vst v63  }
0x145: {  	_ =	swait.ge [sflag:s8], $0x6000  }
0x146: {  	[sflag:s8] =	ssyncset.done $0x0  }
0x147: {  	s20 =	rddreg [dreg:$0xd];
	[sflag:s8] =	ssyncadd.s32 $0xFFFFA000  }
0x148: {  	[hbm4b:s20+s3] =	stream.linear.scatter [tilespmem:s19], [sflag:$0x3], $0x6000, $0x38;
	[tilespmem:$0x15E00] =	vst v63  }
0x149: {  	_ =	swait.ge [sflag:s22], $0x6000  }
0x14a: {  	[sflag:s22] =	ssyncset.done $0x0  }
0x14b: {  	[sflag:s22] =	ssyncadd.s32 $0xFFFFA000  }
0x14c: {  	v3 =	vld [tilespmem:$0x180];
	_ =	sdelay $0x4  }
0x14d: {  	v60 =	vshrl.u32 v3, $0x3  }
0x14e: {  	v4 =	vmul.u32 $0x18, v60  }
0x14f: {  	v3 =	vand.u32 $0x7, v3  }
0x150: {  	v3 =	vor.u32 v3, v4  }
0x151: {  	v4 =	vperm.xlane v3, v0;
	_ =	sdelay $0x1  }
0x152: {  	v4 =	vadd.s32 v1, v4;
	_ =	sdelay $0x1  }
0x153: {  	v3 =	vperm.xlane v3, v2;
	_ =	sdelay $0x1  }
0x154: {  	v3 =	vadd.s32 v1, v3  }
0x155: {  	[tilespmem:s19], [sflag:$0x2] =	stream.indirect_vreg.gather [hbm4b:s0+s3], $0x80, v4, vm0, $0xb8;
	[tilespmem:$0x15E00] =	vst v63  }
0x156: {  	_ = 	snop  }
0x157: {  	[tilespmem:s13], [sflag:$0x2] =	stream.indirect_vreg.gather [hbm4b:s9+s3], $0x80, v4, vm1, $0xb8;
	[tilespmem:$0x15E00] =	vst v63  }
0x158: {  	_ = 	snop  }
0x159: {  	[tilespmem:s18], [sflag:$0x2] =	stream.indirect_vreg.gather [hbm4b:s0+s3], $0x80, v3, vm0, $0xb8;
	[tilespmem:$0x15E00] =	vst v63  }
0x15a: {  	_ = 	snop  }
0x15b: {  	[tilespmem:s1], [sflag:$0x2] =	stream.indirect_vreg.gather [hbm4b:s9+s3], $0x80, v3, vm1, $0xb8;
	[tilespmem:$0x15E00] =	vst v63  }
0x15c: {  	v3 =	vld [tilespmem:$0x190];
	_ =	sdelay $0x4  }
0x15d: {  	v61 =	vshrl.u32 v3, $0x3  }
0x15e: {  	v4 =	vmul.u32 $0x18, v61  }
0x15f: {  	v3 =	vand.u32 $0x7, v3  }
0x160: {  	v3 =	vor.u32 v3, v4  }
0x161: {  	v4 =	vperm.xlane v3, v0;
	_ =	sdelay $0x1  }
0x162: {  	v4 =	vadd.s32 v1, v4;
	_ =	sdelay $0x1  }
0x163: {  	v3 =	vperm.xlane v3, v2;
	_ =	sdelay $0x1  }
0x164: {  	v3 =	vadd.s32 v1, v3  }
0x165: {  	[tilespmem:s24], [sflag:$0x2] =	stream.indirect_vreg.gather [hbm4b:s0+s3], $0x80, v4, vm0, $0xb8;
	[tilespmem:$0x15E00] =	vst v63  }
0x166: {  	_ = 	snop  }
0x167: {  	[tilespmem:s25], [sflag:$0x2] =	stream.indirect_vreg.gather [hbm4b:s9+s3], $0x80, v4, vm1, $0xb8;
	[tilespmem:$0x15E00] =	vst v63  }
0x168: {  	_ = 	snop  }
0x169: {  	[tilespmem:s15], [sflag:$0x2] =	stream.indirect_vreg.gather [hbm4b:s0+s3], $0x80, v3, vm0, $0xb8;
	[tilespmem:$0x15E00] =	vst v63  }
0x16a: {  	_ = 	snop  }
0x16b: {  	[tilespmem:s28], [sflag:$0x2] =	stream.indirect_vreg.gather [hbm4b:s9+s3], $0x80, v3, vm1, $0xb8;
	[tilespmem:$0x15E00] =	vst v63  }
0x16c: {  	v3 =	vld [tilespmem:$0x1A0];
	_ =	sdelay $0x4  }
0x16d: {  	v62 =	vshrl.u32 v3, $0x3  }
0x16e: {  	v4 =	vmul.u32 $0x18, v62  }
0x16f: {  	v3 =	vand.u32 $0x7, v3  }
0x170: {  	v3 =	vor.u32 v3, v4  }
0x171: {  	v4 =	vperm.xlane v3, v0;
	_ =	sdelay $0x1  }
0x172: {  	v4 =	vadd.s32 v1, v4;
	_ =	sdelay $0x1  }
0x173: {  	v3 =	vperm.xlane v3, v2;
	_ =	sdelay $0x1  }
0x174: {  	v3 =	vadd.s32 v1, v3  }
0x175: {  	[tilespmem:s16], [sflag:$0x2] =	stream.indirect_vreg.gather [hbm4b:s0+s3], $0x80, v4, vm0, $0xb8;
	[tilespmem:$0x15E00] =	vst v63  }
0x176: {  	_ = 	snop  }
0x177: {  	[tilespmem:s5], [sflag:$0x2] =	stream.indirect_vreg.gather [hbm4b:s9+s3], $0x80, v4, vm1, $0xb8;
	[tilespmem:$0x15E00] =	vst v63  }
0x178: {  	_ = 	snop  }
0x179: {  	[tilespmem:s17], [sflag:$0x2] =	stream.indirect_vreg.gather [hbm4b:s0+s3], $0x80, v3, vm0, $0xb8;
	[tilespmem:$0x15E00] =	vst v63  }
0x17a: {  	_ = 	snop  }
0x17b: {  	[tilespmem:s6], [sflag:$0x2] =	stream.indirect_vreg.gather [hbm4b:s9+s3], $0x80, v3, vm1, $0xb8;
	[tilespmem:$0x15E00] =	vst v63  }
0x17c: {  	v3 =	vld [tilespmem:$0x1B0];
	_ =	sdelay $0x4  }
0x17d: {  	v63 =	vshrl.u32 v3, $0x3  }
0x17e: {  	v4 =	vmul.u32 $0x18, v63  }
0x17f: {  	v3 =	vand.u32 $0x7, v3  }
0x180: {  	v3 =	vor.u32 v3, v4  }
0x181: {  	v4 =	vperm.xlane v3, v0;
	_ =	sdelay $0x1  }
0x182: {  	v4 =	vadd.s32 v1, v4;
	_ =	sdelay $0x1  }
0x183: {  	v3 =	vperm.xlane v3, v2;
	_ =	sdelay $0x1  }
0x184: {  	v3 =	vadd.s32 v1, v3  }
0x185: {  	[tilespmem:s23], [sflag:$0x2] =	stream.indirect_vreg.gather [hbm4b:s0+s3], $0x80, v4, vm0, $0xb8;
	[tilespmem:$0x15E00] =	vst v63  }
0x186: {  	_ = 	snop  }
0x187: {  	[tilespmem:s29], [sflag:$0x2] =	stream.indirect_vreg.gather [hbm4b:s9+s3], $0x80, v4, vm1, $0xb8;
	[tilespmem:$0x15E00] =	vst v63  }
0x188: {  	_ = 	snop  }
0x189: {  	[tilespmem:s4], [sflag:$0x2] =	stream.indirect_vreg.gather [hbm4b:s0+s3], $0x80, v3, vm0, $0xb8;
	[tilespmem:$0x15E00] =	vst v63  }
0x18a: {  	_ = 	snop  }
0x18b: {  	[tilespmem:s26], [sflag:$0x2] =	stream.indirect_vreg.gather [hbm4b:s9+s3], $0x80, v3, vm1, $0xb8;
	[tilespmem:$0x15E00] =	vst v63  }
0x18c: {  	_ =	swait.ge [sflag:s7], $0x6000  }
0x18d: {  	[sflag:s7] =	ssyncset.done $0x0  }
0x18e: {  	s5 =	simm.s32 $0x200;
	s21 =	rddreg [dreg:$0xe];
	[sflag:s7] =	ssyncadd.s32 $0xFFFFA000  }
0x18f: {  	[hbm4b:s21+s3] =	stream.linear.scatter [tilespmem:s5], [sflag:$0x3], $0x6000, $0x38;
	[tilespmem:$0x15E00] =	vst v63  }
0x190: {  	_ =	swait.ge [sflag:s22], $0x6000  }
0x191: {  	[sflag:s22] =	ssyncset.done $0x0  }
0x192: {  	[sflag:s22] =	ssyncadd.s32 $0xFFFFA000  }
0x193: {  	_ =	swait.ge [sflag:s8], $0x6000  }
0x194: {  	[sflag:s8] =	ssyncset.done $0x0  }
0x195: {  	s26 =	rddreg [dreg:$0xf];
	[sflag:s8] =	ssyncadd.s32 $0xFFFFA000  }
0x196: {  	[hbm4b:s26+s3] =	stream.linear.scatter [tilespmem:s19], [sflag:$0x3], $0x6000, $0x38;
	[tilespmem:$0x15E00] =	vst v63  }
0x197: {  	_ =	swait.ge [sflag:s22], $0x6000  }
0x198: {  	[sflag:s22] =	ssyncset.done $0x0  }
0x199: {  	s31 =	simm.s32 $0x14600;
	s30 =	rddreg [dreg:$0x15];
	[sflag:s22] =	ssyncadd.s32 $0xFFFFA000  }
0x19a: {  	[hbm4b:s30+s3] =	stream.linear.scatter [tilespmem:s31], [sflag:$0x3], $0x400, $0x38;
	[tilespmem:$0x15E00] =	vst v63  }
0x19b: {  	_ =	swait.ge [sflag:s22], $0x400  }
0x19c: {  	[sflag:s22] =	ssyncset.done $0x0  }
0x19d: {  	s4 =	simm.s32 $0x14A00;
	s2 =	rddreg [dreg:$0x10];
	[sflag:s22] =	ssyncadd.s32 $0xFFFFFC00  }
0x19e: {  	[hbm4b:s2+s3] =	stream.linear.scatter [tilespmem:s4], [sflag:$0x3], $0x400, $0x38;
	[tilespmem:$0x15E00] =	vst v63  }
0x19f: {  	_ =	swait.ge [sflag:s22], $0x400  }
0x1a0: {  	[sflag:s22] =	ssyncset.done $0x0  }
0x1a1: {  	s14 =	simm.s32 $0x14E00;
	s13 =	rddreg [dreg:$0x11];
	[sflag:s22] =	ssyncadd.s32 $0xFFFFFC00  }
0x1a2: {  	[hbm4b:s13+s3] =	stream.linear.scatter [tilespmem:s14], [sflag:$0x3], $0x400, $0x38;
	[tilespmem:$0x15E00] =	vst v63  }
0x1a3: {  	_ =	swait.ge [sflag:s22], $0x400  }
0x1a4: {  	[sflag:s22] =	ssyncset.done $0x0  }
0x1a5: {  	s19 =	simm.s32 $0x15200;
	s18 =	rddreg [dreg:$0x12];
	[sflag:s22] =	ssyncadd.s32 $0xFFFFFC00  }
0x1a6: {  	[hbm4b:s18+s3] =	stream.linear.scatter [tilespmem:s19], [sflag:$0x3], $0x400, $0x38;
	[tilespmem:$0x15E00] =	vst v63  }
0x1a7: {  	_ =	swait.ge [sflag:s22], $0x400  }
0x1a8: {  	[sflag:s22] =	ssyncset.done $0x0  }
0x1a9: {  	s21 =	simm.s32 $0x15600;
	s20 =	rddreg [dreg:$0x13];
	[sflag:s22] =	ssyncadd.s32 $0xFFFFFC00  }
0x1aa: {  	[hbm4b:s20+s3] =	stream.linear.scatter [tilespmem:s21], [sflag:$0x3], $0x400, $0x38;
	[tilespmem:$0x15E00] =	vst v63  }
0x1ab: {  	_ =	swait.ge [sflag:s22], $0x400  }
0x1ac: {  	[sflag:s22] =	ssyncset.done $0x0  }
0x1ad: {  	s30 =	simm.s32 $0x15A00;
	s26 =	rddreg [dreg:$0x16];
	[sflag:s22] =	ssyncadd.s32 $0xFFFFFC00  }
0x1ae: {  	[hbm4b:s26+s3] =	stream.linear.scatter [tilespmem:s30], [sflag:$0x3], $0x400, $0x38;
	[tilespmem:$0x15E00] =	vst v63  }
0x1af: {  	_ =	swait.ge [sflag:s22], $0x400  }
0x1b0: {  	s10 =	sadd.s32 $0x1, s10;
	s31 =	rddreg [dreg:$0x14]  }
0x1b1: {  	p0 =	sne.s32 s10, s31  }
.Ltmp1:
0x1b2: {  	_ = 	snop;
	(pc) =	sbr.rel @p0 .LBB2_1-.Ltmp1, $3  }
0x1b3: {  	_ =	sdelay $0x1  }
0x1b4: {  	[sflag:s22] =	ssyncset.done $0x0  }
0x1b5: {  	[sflag:s22] =	ssyncadd.s32 $0xFFFFFC00  }
0x1b6: {  	_ =	sfence.sel $0x180000  }
0x1b7: {  	[bflag:$0x0] =	sbarrier.arrive $0xFFFF  }
0x1b8: {  	_ =	strace $0x9000004A  }
0x1b9: {  	s0 =	stileid.u32;
	[bflag:$0x2] =	sbarrier.arrive $0xFFFF  }
0x1ba: {  	p0 =	sne.s32 s0, $0x0;
	s0 =	rddreg [dreg:$0x5]  }
0x1bb: {  	s0 =	sadd.s32 @!p0 $0x100000, s0  }
0x1bc: {  	[sflag:s0] =	ssyncadd.tile.s32 @!p0 $0x1;
	_ =	shalt  }
.Lfunc_end2:
_tile_overlayer_lowered:
.L_overlay_start_2:
0x1bd: {  	(tag) =	ssettag $0x2  }
0x1be: {  	s0 =	rddreg [dreg:$0x0];
	s2 =	stileid.u32  }
0x1bf: {  	s1 =	rddreg [dreg:$0x1];
	p0 =	sne.s32 s2, $0x0  }
0x1c0: {  	s3 =	rddreg [dreg:$0x2];
	[bflag:$0x3] =	sbarrier.arrive $0xFFFF;
	s2 =	simm.s32 @!p0 $0x1C03  }
0x1c1: {  	[timem:s3], [sflag:s2] =	dma.local @!p0 [hbm:s0], s1  }
0x1c2: {  	s0 =	simm.s32 @!p0 $0x3  }
0x1c3: {  	_ =	swait.ge @!p0 [sflag:s0], s1  }
0x1c4: {  	s1 =	ssub.s32 @!p0 $0x0, s1;
	[sflag:s0] =	ssyncset.done @!p0 $0x0  }
0x1c5: {  	[sflag:s0] =	ssyncadd.s32 @!p0 s1  }
0x1c6: {  	[bflag:$0x3] =	sbarrier.arrive $0xFFFF  }
0x1c7: {  	_ =	shalt  }

</sc_bundles>
